<compile_context>
chip_gen: v7x
topology: tpu7x:2x2x1
jax: 0.10.2.dev20260603
libtpu: 0.0.44.dev20260713+nightly
codegen_flags: <defaults>
</compile_context>

<pallas_src>
import functools

import jax
import jax.numpy as jnp
from jax import lax
from jax.experimental import pallas as pl
from jax.experimental.pallas import tpu as pltpu
from jax.experimental.pallas import tpu_sc as plsc

N = 10000
NP = 10240
E = 160000
D = 256
HALF = 128
G = 64
NCLS = 40
NSUB = 16
CH = 128
NCHUNK = 79
EPT = NCHUNK * CH
EPAD = NSUB * EPT
RPT = NP // NSUB
DLAG = 8


@functools.cache
def _mesh():
    return plsc.VectorSubcoreMesh(
        core_axis_name="c", subcore_axis_name="s",
        num_cores=2, num_subcores=NSUB)



def _deg_body(dst_hbm, deg_hbm, dst_v, ones_v, zero_v, deg_sh, sem):
    c = lax.axis_index("c")
    s = lax.axis_index("s")
    one16 = jnp.full((16,), 1.0, jnp.float32)
    z16 = jnp.zeros((16,), jnp.float32)

    stage = pltpu.async_copy(dst_hbm.at[s], dst_v, sem)

    def fill(r, _):
        for k in range(HALF // 16):
            ones_v[r, pl.ds(k * 16, 16)] = one16
        return 0
    lax.fori_loop(0, CH, fill, 0)

    def zfill(r, _):
        for k in range(HALF // 16):
            zero_v[r, pl.ds(k * 16, 16)] = z16
        return 0
    lax.fori_loop(0, 64, zfill, 0)

    for j in range(RPT // 64):
        pltpu.sync_copy(zero_v, deg_sh.at[pl.ds(s * RPT + j * 64, 64)])
    stage.wait()
    plsc.subcore_barrier()

    def chunk(j, _):
        pltpu.sync_copy(ones_v, deg_sh.at[dst_v.at[j]], add=True)
        return 0
    lax.fori_loop(0, NCHUNK, chunk, 0)
    plsc.subcore_barrier()

    half_rows = RPT // 2
    base = c * (NP // 2) + s * half_rows
    pltpu.sync_copy(deg_sh.at[pl.ds(base, half_rows)],
                    deg_hbm.at[pl.ds(base, half_rows)])


@functools.cache
def _sc_degree():
    return pl.kernel(
        _deg_body,
        out_type=jax.ShapeDtypeStruct((NP, HALF), jnp.float32),
        mesh=_mesh(),
        scratch_types=[
            pltpu.VMEM((NCHUNK, CH), jnp.int32),
            pltpu.VMEM((CH, HALF), jnp.float32),
            pltpu.VMEM((64, HALF), jnp.float32),
            pltpu.VMEM_SHARED((NP, HALF), jnp.float32),
            pltpu.SemaphoreType.DMA,
        ],
    )


def _agg_body(h_hbm, src_hbm, dst_hbm, agg_hbm, src_v, dst_v, rows_v, agg_sh,
              sem):
    c = lax.axis_index("c")
    s = lax.axis_index("s")
    z16 = jnp.zeros((16,), jnp.float32)

    def fill(r, _):
        for k in range(HALF // 16):
            rows_v[r, pl.ds(k * 16, 16)] = z16
        return 0
    lax.fori_loop(0, CH, fill, 0)

    for j in range(RPT // CH):
        pltpu.sync_copy(rows_v, agg_sh.at[pl.ds(s * RPT + j * CH, CH)])
    plsc.subcore_barrier()

    pltpu.sync_copy(src_hbm.at[s], src_v)
    pltpu.sync_copy(dst_hbm.at[s], dst_v)

    off = c * NP

    def shift(r, _):
        for k in range(CH // 16):
            v = src_v[r, pl.ds(k * 16, 16)]
            src_v[r, pl.ds(k * 16, 16)] = v + off
        return 0
    lax.fori_loop(0, NCHUNK, shift, 0)

    def chunk(j, _):
        pltpu.async_copy(h_hbm.at[src_v.at[j]], rows_v, sem).wait()
        pltpu.sync_copy(rows_v, agg_sh.at[dst_v.at[j]], add=True)
        return 0
    lax.fori_loop(0, NCHUNK, chunk, 0)
    plsc.subcore_barrier()

    pltpu.sync_copy(agg_sh.at[pl.ds(s * RPT, RPT)],
                    agg_hbm.at[c, pl.ds(s * RPT, RPT)])


@functools.cache
def _sc_aggregate():
    return pl.kernel(
        _agg_body,
        out_type=jax.ShapeDtypeStruct((2, NP, HALF), jnp.float32),
        mesh=_mesh(),
        scratch_types=[
            pltpu.VMEM((NCHUNK, CH), jnp.int32),
            pltpu.VMEM((NCHUNK, CH), jnp.int32),
            pltpu.VMEM((CH, HALF), jnp.float32),
            pltpu.VMEM_SHARED((NP, HALF), jnp.float32),
            pltpu.SemaphoreType.DMA,
        ],
    )



def _dot(a, b):
    return lax.dot_general(a, b, (((1,), (0,)), ((), ())),
                           precision=lax.Precision.HIGHEST,
                           preferred_element_type=jnp.float32)


def _layer_body(agg_ref, h_ref, deg_ref, wl_ref, bl_ref, wr_ref, out_ref):
    a = jnp.concatenate([agg_ref[0], agg_ref[1]], axis=1)
    hh = jnp.concatenate([h_ref[0], h_ref[1]], axis=1)
    rdeg = 1.0 / jnp.maximum(deg_ref[...], 1.0)
    scale = jnp.concatenate([rdeg, rdeg], axis=1)
    out = _dot(a * scale, wl_ref[...]) + _dot(hh, wr_ref[...]) + bl_ref[...]
    out = jnp.maximum(out, 0.0)
    out_ref[0] = out[:, :HALF]
    out_ref[1] = out[:, HALF:]


_ROWB = 256
_GRID = NP // _ROWB


def _tc_layer(agg, h, degb, wl, bl, wr):
    return pl.pallas_call(
        _layer_body,
        grid=(_GRID,),
        in_specs=[
            pl.BlockSpec((2, _ROWB, HALF), lambda i: (0, i, 0)),
            pl.BlockSpec((2, _ROWB, HALF), lambda i: (0, i, 0)),
            pl.BlockSpec((_ROWB, HALF), lambda i: (i, 0)),
            pl.BlockSpec((D, D), lambda i: (0, 0)),
            pl.BlockSpec((1, D), lambda i: (0, 0)),
            pl.BlockSpec((D, D), lambda i: (0, 0)),
        ],
        out_specs=pl.BlockSpec((2, _ROWB, HALF), lambda i: (0, i, 0)),
        out_shape=jax.ShapeDtypeStruct((2, NP, HALF), jnp.float32),
    )(agg, h, degb, wl, bl, wr)


def _pool_body(h_ref, b_ref, w1_ref, b1_ref, w2_ref, b2_ref, out_ref,
               acc_ref, cnt_ref):
    i = pl.program_id(0)

    @pl.when(i == 0)
    def _():
        acc_ref[...] = jnp.zeros_like(acc_ref)
        cnt_ref[...] = jnp.zeros_like(cnt_ref)

    hh = jnp.concatenate([h_ref[0], h_ref[1]], axis=1)
    gids = lax.broadcasted_iota(jnp.int32, (G, _ROWB), 0)
    mask = (jnp.broadcast_to(b_ref[0], (G, _ROWB)) == gids)
    mask = mask.astype(jnp.float32)
    acc_ref[...] += _dot(mask, hh)
    rs = jnp.sum(mask, axis=1, keepdims=True)
    cnt_ref[...] += jnp.broadcast_to(rs, (G, D))

    @pl.when(i == _GRID - 1)
    def _():
        pooled = acc_ref[...] / jnp.maximum(cnt_ref[...], 1.0)
        z = jnp.maximum(_dot(pooled, w1_ref[...]) + b1_ref[...], 0.0)
        logits = _dot(z, w2_ref[...]) + b2_ref[...]
        m = jnp.max(logits, axis=1, keepdims=True)
        lse = jnp.log(jnp.sum(jnp.exp(logits - m), axis=1, keepdims=True)) + m
        out_ref[...] = logits - lse


def _tc_pool_head(h, batch2d, w1, b1, w2p, b2p):
    return pl.pallas_call(
        _pool_body,
        grid=(_GRID,),
        in_specs=[
            pl.BlockSpec((2, _ROWB, HALF), lambda i: (0, i, 0)),
            pl.BlockSpec((1, 1, _ROWB), lambda i: (i, 0, 0)),
            pl.BlockSpec((D, D), lambda i: (0, 0)),
            pl.BlockSpec((1, D), lambda i: (0, 0)),
            pl.BlockSpec((D, HALF), lambda i: (0, 0)),
            pl.BlockSpec((1, HALF), lambda i: (0, 0)),
        ],
        out_specs=pl.BlockSpec((G, HALF), lambda i: (0, 0)),
        out_shape=jax.ShapeDtypeStruct((G, HALF), jnp.float32),
        scratch_shapes=[
            pltpu.VMEM((G, D), jnp.float32),
            pltpu.VMEM((G, D), jnp.float32),
        ],
    )(h, batch2d, w1, b1, w2p, b2p)



@jax.jit
def kernel(x, edge_index, batch, Wl1, bl1, Wr1, Wl2, bl2, Wr2, Wl3, bl3, Wr3,
           W_lin1, b_lin1, W_lin2, b_lin2):
    src = edge_index[0].astype(jnp.int32)
    dst = edge_index[1].astype(jnp.int32)
    src_t = jnp.concatenate(
        [src, jnp.zeros((EPAD - E,), jnp.int32)]).reshape(NSUB, NCHUNK, CH)
    dst_t = jnp.concatenate(
        [dst, jnp.full((EPAD - E,), N, jnp.int32)]).reshape(NSUB, NCHUNK, CH)

    deg = _sc_degree()(dst_t)
    degb = jnp.broadcast_to(deg[:, :1], (NP, HALF))

    xp = jnp.concatenate([x, jnp.zeros((NP - N, D), jnp.float32)])
    h = jnp.stack([xp[:, :HALF], xp[:, HALF:]])

    for wl, bl, wr in ((Wl1, bl1, Wr1), (Wl2, bl2, Wr2), (Wl3, bl3, Wr3)):
        agg = _sc_aggregate()(h.reshape(2 * NP, HALF), src_t, dst_t)
        h = _tc_layer(agg, h, degb, wl, bl.reshape(1, D), wr)

    batch2d = jnp.concatenate(
        [batch.astype(jnp.int32), jnp.full((NP - N,), G, jnp.int32)]
    ).reshape(_GRID, 1, _ROWB)
    w2p = jnp.zeros((D, HALF), jnp.float32).at[:, :NCLS].set(W_lin2)
    b2p = jnp.full((HALF,), -1e30, jnp.float32).at[:NCLS].set(b_lin2)

    out = _tc_pool_head(h, batch2d, W_lin1, b_lin1.reshape(1, D),
                        w2p, b2p.reshape(1, HALF))
    return out[:, :NCLS]

# --- scband reference (transcript-rebuilt; emitter-appended) ---
"""Pipeline reference for scband-graph-sage-4355096838679 (READ-ONLY COPY).

The authoritative reference and input builder live on the scoring server;
editing this copy changes nothing except your own understanding.
"""

import jax, jax.numpy as jnp
import numpy as np

N_NODES = 10000
N_EDGES = 160000
D_FEAT = 256
HIDDEN = 256
NUM_CLASSES = 40
NUM_GRAPHS = 64


def _w(key, shape, scale=0.05):
    return jax.random.normal(key, shape, dtype=jnp.float32) * scale


def setup_inputs(seed: int = 0) -> dict:
    key = jax.random.key(seed)
    ks = jax.random.split(key, 20)
    x = jax.random.normal(ks[0], (N_NODES, D_FEAT), dtype=jnp.float32)
    edge_index = jax.random.randint(ks[1], (2, N_EDGES), 0, N_NODES, dtype=jnp.int64 if jax.config.jax_enable_x64 else jnp.int32)
    batch = jnp.sort(jax.random.randint(ks[2], (N_NODES,), 0, NUM_GRAPHS, dtype=jnp.int32))
    inp = {
        'x': x,
        'edge_index': edge_index,
        'batch': batch,
        'Wl1': _w(ks[3], (D_FEAT, HIDDEN)), 'bl1': jnp.zeros((HIDDEN,), jnp.float32), 'Wr1': _w(ks[4], (D_FEAT, HIDDEN)),
        'Wl2': _w(ks[5], (HIDDEN, HIDDEN)), 'bl2': jnp.zeros((HIDDEN,), jnp.float32), 'Wr2': _w(ks[6], (HIDDEN, HIDDEN)),
        'Wl3': _w(ks[7], (HIDDEN, HIDDEN)), 'bl3': jnp.zeros((HIDDEN,), jnp.float32), 'Wr3': _w(ks[8], (HIDDEN, HIDDEN)),
        'W_lin1': _w(ks[9], (HIDDEN, HIDDEN)), 'b_lin1': jnp.zeros((HIDDEN,), jnp.float32),
        'W_lin2': _w(ks[10], (HIDDEN, NUM_CLASSES)), 'b_lin2': jnp.zeros((NUM_CLASSES,), jnp.float32),
    }
    return inp


def _sage_conv(x, src, dst, Wl, bl, Wr, n_nodes):
    # PyG SAGEConv with mean aggregation: out = lin_l(mean_{j->i} x_j) + lin_r(x_i)
    msg = x[src]  # gather (SparseCore)
    agg = jax.ops.segment_sum(msg, dst, num_segments=n_nodes)
    deg = jax.ops.segment_sum(jnp.ones((src.shape[0],), x.dtype), dst, num_segments=n_nodes)
    mean = agg / jnp.clip(deg, 1.0, None)[:, None]
    return mean @ Wl + bl + x @ Wr


def reference(x, edge_index, batch, Wl1, bl1, Wr1, Wl2, bl2, Wr2, Wl3, bl3, Wr3, W_lin1, b_lin1, W_lin2, b_lin2):
    n = x.shape[0]
    src, dst = edge_index[0], edge_index[1]
    h = jax.nn.relu(_sage_conv(x, src, dst, Wl1, bl1, Wr1, n))
    h = jax.nn.relu(_sage_conv(h, src, dst, Wl2, bl2, Wr2, n))
    h = jax.nn.relu(_sage_conv(h, src, dst, Wl3, bl3, Wr3, n))
    # global_mean_pool over graph ids
    pooled = jax.ops.segment_sum(h, batch, num_segments=NUM_GRAPHS)
    cnt = jax.ops.segment_sum(jnp.ones((n,), h.dtype), batch, num_segments=NUM_GRAPHS)
    pooled = pooled / jnp.clip(cnt, 1.0, None)[:, None]
    h = jax.nn.relu(pooled @ W_lin1 + b_lin1)
    # dropout identity (eval mode)
    logits = h @ W_lin2 + b_lin2
    return jax.nn.log_softmax(logits, axis=-1)

if __name__ == "__main__":
    import jax
    _d = setup_inputs()
    print(jax.jit(kernel)(*tuple(_d.values())))

</pallas_src>

<mosaic_0001>
#map = affine_map<(d0, d1) -> (0, 0, 0)>
#map1 = affine_map<(d0, d1) -> (0, 0)>
module attributes {stable_mosaic.version = 14 : i64} {
  func.func @_deg_body(%arg0: i32, %arg1: i32, %arg2: memref<16x79x128xi32, #tpu.memory_space<hbm>>, %arg3: memref<10240x128xf32, #tpu.memory_space<hbm>>, %arg4: memref<79x128xi32, #tpu.memory_space<vmem>>, %arg5: memref<128x128xf32, #tpu.memory_space<vmem>>, %arg6: memref<64x128xf32, #tpu.memory_space<vmem>>, %arg7: memref<10240x128xf32, #tpu.memory_space<vmem_shared>>, %arg8: memref<!tpu.dma_semaphore, #tpu.memory_space<semaphore_mem>>) attributes {dimension_semantics = [#tpu.dimension_semantics<core_parallel>, #tpu.dimension_semantics<subcore_parallel>], iteration_bounds = array<i64: 2, 16>, scalar_prefetch = 0 : i64, scratch_operands = 5 : i64, tpu.core_type = #tpu.core_type<sc_vector_subcore>, window_params = [{transform_indices = #map}, {transform_indices = #map1}]} {
    %broadcast_in_dim3A = arith.constant 1.000000e+00 : f32
    %broadcast_in_dim3A_0 = vector.broadcast %broadcast_in_dim3A : f32 to vector<16xf32>
    %broadcast_in_dim3A_1 = arith.constant 0.000000e+00 : f32
    %broadcast_in_dim3A_2 = vector.broadcast %broadcast_in_dim3A_1 : f32 to vector<16xf32>
    %dma_start3A = arith.constant 0 : i32
    %dma_start3A_3 = arith.constant 0 : i32
    %dma_start3A_4 = tpu.memref_slice %arg2[%arg1, %dma_start3A, %dma_start3A_3] : memref<16x79x128xi32, #tpu.memory_space<hbm>> -> memref<1x79x128xi32, #tpu.memory_space<hbm>>
    %dma_start3A_5 = tpu.memref_squeeze %dma_start3A_4 : memref<1x79x128xi32, #tpu.memory_space<hbm>> -> memref<79x128xi32, #tpu.memory_space<hbm>>
    %dma_start3A_6 = arith.constant 0 : i32
    %dma_start3A_7 = arith.constant 0 : i32
    %dma_start3A_8 = tpu.memref_slice %arg2[%arg1, %dma_start3A_6, %dma_start3A_7] : memref<16x79x128xi32, #tpu.memory_space<hbm>> -> memref<1x79x128xi32, #tpu.memory_space<hbm>>
    %dma_start3A_9 = tpu.memref_squeeze %dma_start3A_8 : memref<1x79x128xi32, #tpu.memory_space<hbm>> -> memref<79x128xi32, #tpu.memory_space<hbm>>
    tpu.enqueue_dma source(%dma_start3A_9 : memref<79x128xi32, #tpu.memory_space<hbm>>) target(%arg4 : memref<79x128xi32, #tpu.memory_space<vmem>>) target_semaphore(%arg8 : memref<!tpu.dma_semaphore, #tpu.memory_space<semaphore_mem>>)
    %scan3A = arith.constant 0 : i32
    %scan3A_10 = arith.constant 0 : i32
    %scan3A_11 = arith.constant 128 : i32
    %scan3A_12 = arith.addi %scan3A_10, %scan3A_11 : i32
    %scan3A_13 = arith.constant 1 : i32
    %scan3A_14 = scf.for %scan3A_81 = %scan3A_10 to %scan3A_12 step %scan3A_13 iter_args(%scan3A_82 = %scan3A) -> (i32)  : i32 {
      %swap3A = arith.index_cast %scan3A_81 : i32 to index
      %swap3A_83 = arith.constant 0 : index
      %swap3A_84 = tpu.vector_load %arg5[%swap3A, %swap3A_83] {strides = array<i32>} : memref<128x128xf32, #tpu.memory_space<vmem>>, vector<1x16xf32>,
      %swap3A_85 = vector.shape_cast %swap3A_84 : vector<1x16xf32> to vector<16xf32>
      %swap3A_86 = vector.shape_cast %broadcast_in_dim3A_0 : vector<16xf32> to vector<1x16xf32>
      tpu.vector_store %arg5[%swap3A, %swap3A_83], %swap3A_86 {strides = array<i32>} : memref<128x128xf32, #tpu.memory_space<vmem>>, vector<1x16xf32>,
      %swap3A_87 = arith.index_cast %scan3A_81 : i32 to index
      %swap3A_88 = arith.constant 16 : index
      %swap3A_89 = tpu.vector_load %arg5[%swap3A_87, %swap3A_88] {strides = array<i32>} : memref<128x128xf32, #tpu.memory_space<vmem>>, vector<1x16xf32>,
      %swap3A_90 = vector.shape_cast %swap3A_89 : vector<1x16xf32> to vector<16xf32>
      %swap3A_91 = vector.shape_cast %broadcast_in_dim3A_0 : vector<16xf32> to vector<1x16xf32>
      tpu.vector_store %arg5[%swap3A_87, %swap3A_88], %swap3A_91 {strides = array<i32>} : memref<128x128xf32, #tpu.memory_space<vmem>>, vector<1x16xf32>,
      %swap3A_92 = arith.index_cast %scan3A_81 : i32 to index
      %swap3A_93 = arith.constant 32 : index
      %swap3A_94 = tpu.vector_load %arg5[%swap3A_92, %swap3A_93] {strides = array<i32>} : memref<128x128xf32, #tpu.memory_space<vmem>>, vector<1x16xf32>,
      %swap3A_95 = vector.shape_cast %swap3A_94 : vector<1x16xf32> to vector<16xf32>
      %swap3A_96 = vector.shape_cast %broadcast_in_dim3A_0 : vector<16xf32> to vector<1x16xf32>
      tpu.vector_store %arg5[%swap3A_92, %swap3A_93], %swap3A_96 {strides = array<i32>} : memref<128x128xf32, #tpu.memory_space<vmem>>, vector<1x16xf32>,
      %swap3A_97 = arith.index_cast %scan3A_81 : i32 to index
      %swap3A_98 = arith.constant 48 : index
      %swap3A_99 = tpu.vector_load %arg5[%swap3A_97, %swap3A_98] {strides = array<i32>} : memref<128x128xf32, #tpu.memory_space<vmem>>, vector<1x16xf32>,
      %swap3A_100 = vector.shape_cast %swap3A_99 : vector<1x16xf32> to vector<16xf32>
      %swap3A_101 = vector.shape_cast %broadcast_in_dim3A_0 : vector<16xf32> to vector<1x16xf32>
      tpu.vector_store %arg5[%swap3A_97, %swap3A_98], %swap3A_101 {strides = array<i32>} : memref<128x128xf32, #tpu.memory_space<vmem>>, vector<1x16xf32>,
      %swap3A_102 = arith.index_cast %scan3A_81 : i32 to index
      %swap3A_103 = arith.constant 64 : index
      %swap3A_104 = tpu.vector_load %arg5[%swap3A_102, %swap3A_103] {strides = array<i32>} : memref<128x128xf32, #tpu.memory_space<vmem>>, vector<1x16xf32>,
      %swap3A_105 = vector.shape_cast %swap3A_104 : vector<1x16xf32> to vector<16xf32>
      %swap3A_106 = vector.shape_cast %broadcast_in_dim3A_0 : vector<16xf32> to vector<1x16xf32>
      tpu.vector_store %arg5[%swap3A_102, %swap3A_103], %swap3A_106 {strides = array<i32>} : memref<128x128xf32, #tpu.memory_space<vmem>>, vector<1x16xf32>,
      %swap3A_107 = arith.index_cast %scan3A_81 : i32 to index
      %swap3A_108 = arith.constant 80 : index
      %swap3A_109 = tpu.vector_load %arg5[%swap3A_107, %swap3A_108] {strides = array<i32>} : memref<128x128xf32, #tpu.memory_space<vmem>>, vector<1x16xf32>,
      %swap3A_110 = vector.shape_cast %swap3A_109 : vector<1x16xf32> to vector<16xf32>
      %swap3A_111 = vector.shape_cast %broadcast_in_dim3A_0 : vector<16xf32> to vector<1x16xf32>
      tpu.vector_store %arg5[%swap3A_107, %swap3A_108], %swap3A_111 {strides = array<i32>} : memref<128x128xf32, #tpu.memory_space<vmem>>, vector<1x16xf32>,
      %swap3A_112 = arith.index_cast %scan3A_81 : i32 to index
      %swap3A_113 = arith.constant 96 : index
      %swap3A_114 = tpu.vector_load %arg5[%swap3A_112, %swap3A_113] {strides = array<i32>} : memref<128x128xf32, #tpu.memory_space<vmem>>, vector<1x16xf32>,
      %swap3A_115 = vector.shape_cast %swap3A_114 : vector<1x16xf32> to vector<16xf32>
      %swap3A_116 = vector.shape_cast %broadcast_in_dim3A_0 : vector<16xf32> to vector<1x16xf32>
      tpu.vector_store %arg5[%swap3A_112, %swap3A_113], %swap3A_116 {strides = array<i32>} : memref<128x128xf32, #tpu.memory_space<vmem>>, vector<1x16xf32>,
      %swap3A_117 = arith.index_cast %scan3A_81 : i32 to index
      %swap3A_118 = arith.constant 112 : index
      %swap3A_119 = tpu.vector_load %arg5[%swap3A_117, %swap3A_118] {strides = array<i32>} : memref<128x128xf32, #tpu.memory_space<vmem>>, vector<1x16xf32>,
      %swap3A_120 = vector.shape_cast %swap3A_119 : vector<1x16xf32> to vector<16xf32>
      %swap3A_121 = vector.shape_cast %broadcast_in_dim3A_0 : vector<16xf32> to vector<1x16xf32>
      tpu.vector_store %arg5[%swap3A_117, %swap3A_118], %swap3A_121 {strides = array<i32>} : memref<128x128xf32, #tpu.memory_space<vmem>>, vector<1x16xf32>,
      %scan3A_122 = arith.constant 0 : i32
      scf.yield %scan3A_122 : i32
    }
    %scan3A_15 = arith.constant 128 : i32
    %scan3A_16 = arith.constant 0 : i32
    %scan3A_17 = arith.constant 0 : i32
    %scan3A_18 = arith.constant 64 : i32
    %scan3A_19 = arith.addi %scan3A_17, %scan3A_18 : i32
    %scan3A_20 = arith.constant 1 : i32
    %scan3A_21 = scf.for %scan3A_81 = %scan3A_17 to %scan3A_19 step %scan3A_20 iter_args(%scan3A_82 = %scan3A_16) -> (i32)  : i32 {
      %swap3A = arith.index_cast %scan3A_81 : i32 to index
      %swap3A_83 = arith.constant 0 : index
      %swap3A_84 = tpu.vector_load %arg6[%swap3A, %swap3A_83] {strides = array<i32>} : memref<64x128xf32, #tpu.memory_space<vmem>>, vector<1x16xf32>,
      %swap3A_85 = vector.shape_cast %swap3A_84 : vector<1x16xf32> to vector<16xf32>
      %swap3A_86 = vector.shape_cast %broadcast_in_dim3A_2 : vector<16xf32> to vector<1x16xf32>
      tpu.vector_store %arg6[%swap3A, %swap3A_83], %swap3A_86 {strides = array<i32>} : memref<64x128xf32, #tpu.memory_space<vmem>>, vector<1x16xf32>,
      %swap3A_87 = arith.index_cast %scan3A_81 : i32 to index
      %swap3A_88 = arith.constant 16 : index
      %swap3A_89 = tpu.vector_load %arg6[%swap3A_87, %swap3A_88] {strides = array<i32>} : memref<64x128xf32, #tpu.memory_space<vmem>>, vector<1x16xf32>,
      %swap3A_90 = vector.shape_cast %swap3A_89 : vector<1x16xf32> to vector<16xf32>
      %swap3A_91 = vector.shape_cast %broadcast_in_dim3A_2 : vector<16xf32> to vector<1x16xf32>
      tpu.vector_store %arg6[%swap3A_87, %swap3A_88], %swap3A_91 {strides = array<i32>} : memref<64x128xf32, #tpu.memory_space<vmem>>, vector<1x16xf32>,
      %swap3A_92 = arith.index_cast %scan3A_81 : i32 to index
      %swap3A_93 = arith.constant 32 : index
      %swap3A_94 = tpu.vector_load %arg6[%swap3A_92, %swap3A_93] {strides = array<i32>} : memref<64x128xf32, #tpu.memory_space<vmem>>, vector<1x16xf32>,
      %swap3A_95 = vector.shape_cast %swap3A_94 : vector<1x16xf32> to vector<16xf32>
      %swap3A_96 = vector.shape_cast %broadcast_in_dim3A_2 : vector<16xf32> to vector<1x16xf32>
      tpu.vector_store %arg6[%swap3A_92, %swap3A_93], %swap3A_96 {strides = array<i32>} : memref<64x128xf32, #tpu.memory_space<vmem>>, vector<1x16xf32>,
      %swap3A_97 = arith.index_cast %scan3A_81 : i32 to index
      %swap3A_98 = arith.constant 48 : index
      %swap3A_99 = tpu.vector_load %arg6[%swap3A_97, %swap3A_98] {strides = array<i32>} : memref<64x128xf32, #tpu.memory_space<vmem>>, vector<1x16xf32>,
      %swap3A_100 = vector.shape_cast %swap3A_99 : vector<1x16xf32> to vector<16xf32>
      %swap3A_101 = vector.shape_cast %broadcast_in_dim3A_2 : vector<16xf32> to vector<1x16xf32>
      tpu.vector_store %arg6[%swap3A_97, %swap3A_98], %swap3A_101 {strides = array<i32>} : memref<64x128xf32, #tpu.memory_space<vmem>>, vector<1x16xf32>,
      %swap3A_102 = arith.index_cast %scan3A_81 : i32 to index
      %swap3A_103 = arith.constant 64 : index
      %swap3A_104 = tpu.vector_load %arg6[%swap3A_102, %swap3A_103] {strides = array<i32>} : memref<64x128xf32, #tpu.memory_space<vmem>>, vector<1x16xf32>,
      %swap3A_105 = vector.shape_cast %swap3A_104 : vector<1x16xf32> to vector<16xf32>
      %swap3A_106 = vector.shape_cast %broadcast_in_dim3A_2 : vector<16xf32> to vector<1x16xf32>
      tpu.vector_store %arg6[%swap3A_102, %swap3A_103], %swap3A_106 {strides = array<i32>} : memref<64x128xf32, #tpu.memory_space<vmem>>, vector<1x16xf32>,
      %swap3A_107 = arith.index_cast %scan3A_81 : i32 to index
      %swap3A_108 = arith.constant 80 : index
      %swap3A_109 = tpu.vector_load %arg6[%swap3A_107, %swap3A_108] {strides = array<i32>} : memref<64x128xf32, #tpu.memory_space<vmem>>, vector<1x16xf32>,
      %swap3A_110 = vector.shape_cast %swap3A_109 : vector<1x16xf32> to vector<16xf32>
      %swap3A_111 = vector.shape_cast %broadcast_in_dim3A_2 : vector<16xf32> to vector<1x16xf32>
      tpu.vector_store %arg6[%swap3A_107, %swap3A_108], %swap3A_111 {strides = array<i32>} : memref<64x128xf32, #tpu.memory_space<vmem>>, vector<1x16xf32>,
      %swap3A_112 = arith.index_cast %scan3A_81 : i32 to index
      %swap3A_113 = arith.constant 96 : index
      %swap3A_114 = tpu.vector_load %arg6[%swap3A_112, %swap3A_113] {strides = array<i32>} : memref<64x128xf32, #tpu.memory_space<vmem>>, vector<1x16xf32>,
      %swap3A_115 = vector.shape_cast %swap3A_114 : vector<1x16xf32> to vector<16xf32>
      %swap3A_116 = vector.shape_cast %broadcast_in_dim3A_2 : vector<16xf32> to vector<1x16xf32>
      tpu.vector_store %arg6[%swap3A_112, %swap3A_113], %swap3A_116 {strides = array<i32>} : memref<64x128xf32, #tpu.memory_space<vmem>>, vector<1x16xf32>,
      %swap3A_117 = arith.index_cast %scan3A_81 : i32 to index
      %swap3A_118 = arith.constant 112 : index
      %swap3A_119 = tpu.vector_load %arg6[%swap3A_117, %swap3A_118] {strides = array<i32>} : memref<64x128xf32, #tpu.memory_space<vmem>>, vector<1x16xf32>,
      %swap3A_120 = vector.shape_cast %swap3A_119 : vector<1x16xf32> to vector<16xf32>
      %swap3A_121 = vector.shape_cast %broadcast_in_dim3A_2 : vector<16xf32> to vector<1x16xf32>
      tpu.vector_store %arg6[%swap3A_117, %swap3A_118], %swap3A_121 {strides = array<i32>} : memref<64x128xf32, #tpu.memory_space<vmem>>, vector<1x16xf32>,
      %scan3A_122 = arith.constant 0 : i32
      scf.yield %scan3A_122 : i32
    }
    %scan3A_22 = arith.constant 64 : i32
    %mul3A = arith.constant 640 : i32
    %mul3A_23 = arith.muli %arg1, %mul3A : i32
    %add3A = arith.constant 0 : i32
    %add3A_24 = arith.addi %mul3A_23, %add3A : i32
    "tpu.region"() ({
      %run_scoped3A = tpu.sem_alloc : memref<!tpu.dma_semaphore, #tpu.memory_space<semaphore_mem>>
      %dma_start3A_81 = arith.constant 0 : i32
      %dma_start3A_82 = tpu.memref_slice %arg7[%add3A_24, %dma_start3A_81] : memref<10240x128xf32, #tpu.memory_space<vmem_shared>> -> memref<64x128xf32, #tpu.memory_space<vmem_shared>>
      %dma_start3A_83 = arith.constant 0 : i32
      %dma_start3A_84 = tpu.memref_slice %arg7[%add3A_24, %dma_start3A_83] : memref<10240x128xf32, #tpu.memory_space<vmem_shared>> -> memref<64x128xf32, #tpu.memory_space<vmem_shared>>
      tpu.enqueue_dma source(%arg6 : memref<64x128xf32, #tpu.memory_space<vmem>>) target(%dma_start3A_84 : memref<64x128xf32, #tpu.memory_space<vmem_shared>>) target_semaphore(%run_scoped3A : memref<!tpu.dma_semaphore, #tpu.memory_space<semaphore_mem>>)
      %dma_wait3A_85 = arith.constant 0 : i32
      %dma_wait3A_86 = tpu.memref_slice %arg7[%add3A_24, %dma_wait3A_85] : memref<10240x128xf32, #tpu.memory_space<vmem_shared>> -> memref<64x128xf32, #tpu.memory_space<vmem_shared>>
      %dma_wait3A_87 = arith.constant 0 : i32
      %dma_wait3A_88 = tpu.memref_slice %arg7[%add3A_24, %dma_wait3A_87] : memref<10240x128xf32, #tpu.memory_space<vmem_shared>> -> memref<64x128xf32, #tpu.memory_space<vmem_shared>>
      tpu.wait_dma2 semaphore(%run_scoped3A : memref<!tpu.dma_semaphore, #tpu.memory_space<semaphore_mem>>) src(%arg6 : memref<64x128xf32, #tpu.memory_space<vmem>>) dst(%dma_wait3A_88 : memref<64x128xf32, #tpu.memory_space<vmem_shared>>)
      tpu.yield
    }) : () -> ()
    %mul3A_25 = arith.constant 640 : i32
    %mul3A_26 = arith.muli %arg1, %mul3A_25 : i32
    %add3A_27 = arith.constant 64 : i32
    %add3A_28 = arith.addi %mul3A_26, %add3A_27 : i32
    "tpu.region"() ({
      %run_scoped3A = tpu.sem_alloc : memref<!tpu.dma_semaphore, #tpu.memory_space<semaphore_mem>>
      %dma_start3A_81 = arith.constant 0 : i32
      %dma_start3A_82 = tpu.memref_slice %arg7[%add3A_28, %dma_start3A_81] : memref<10240x128xf32, #tpu.memory_space<vmem_shared>> -> memref<64x128xf32, #tpu.memory_space<vmem_shared>>
      %dma_start3A_83 = arith.constant 0 : i32
      %dma_start3A_84 = tpu.memref_slice %arg7[%add3A_28, %dma_start3A_83] : memref<10240x128xf32, #tpu.memory_space<vmem_shared>> -> memref<64x128xf32, #tpu.memory_space<vmem_shared>>
      tpu.enqueue_dma source(%arg6 : memref<64x128xf32, #tpu.memory_space<vmem>>) target(%dma_start3A_84 : memref<64x128xf32, #tpu.memory_space<vmem_shared>>) target_semaphore(%run_scoped3A : memref<!tpu.dma_semaphore, #tpu.memory_space<semaphore_mem>>)
      %dma_wait3A_85 = arith.constant 0 : i32
      %dma_wait3A_86 = tpu.memref_slice %arg7[%add3A_28, %dma_wait3A_85] : memref<10240x128xf32, #tpu.memory_space<vmem_shared>> -> memref<64x128xf32, #tpu.memory_space<vmem_shared>>
      %dma_wait3A_87 = arith.constant 0 : i32
      %dma_wait3A_88 = tpu.memref_slice %arg7[%add3A_28, %dma_wait3A_87] : memref<10240x128xf32, #tpu.memory_space<vmem_shared>> -> memref<64x128xf32, #tpu.memory_space<vmem_shared>>
      tpu.wait_dma2 semaphore(%run_scoped3A : memref<!tpu.dma_semaphore, #tpu.memory_space<semaphore_mem>>) src(%arg6 : memref<64x128xf32, #tpu.memory_space<vmem>>) dst(%dma_wait3A_88 : memref<64x128xf32, #tpu.memory_space<vmem_shared>>)
      tpu.yield
    }) : () -> ()
    %mul3A_29 = arith.constant 640 : i32
    %mul3A_30 = arith.muli %arg1, %mul3A_29 : i32
    %add3A_31 = arith.constant 128 : i32
    %add3A_32 = arith.addi %mul3A_30, %add3A_31 : i32
    "tpu.region"() ({
      %run_scoped3A = tpu.sem_alloc : memref<!tpu.dma_semaphore, #tpu.memory_space<semaphore_mem>>
      %dma_start3A_81 = arith.constant 0 : i32
      %dma_start3A_82 = tpu.memref_slice %arg7[%add3A_32, %dma_start3A_81] : memref<10240x128xf32, #tpu.memory_space<vmem_shared>> -> memref<64x128xf32, #tpu.memory_space<vmem_shared>>
      %dma_start3A_83 = arith.constant 0 : i32
      %dma_start3A_84 = tpu.memref_slice %arg7[%add3A_32, %dma_start3A_83] : memref<10240x128xf32, #tpu.memory_space<vmem_shared>> -> memref<64x128xf32, #tpu.memory_space<vmem_shared>>
      tpu.enqueue_dma source(%arg6 : memref<64x128xf32, #tpu.memory_space<vmem>>) target(%dma_start3A_84 : memref<64x128xf32, #tpu.memory_space<vmem_shared>>) target_semaphore(%run_scoped3A : memref<!tpu.dma_semaphore, #tpu.memory_space<semaphore_mem>>)
      %dma_wait3A_85 = arith.constant 0 : i32
      %dma_wait3A_86 = tpu.memref_slice %arg7[%add3A_32, %dma_wait3A_85] : memref<10240x128xf32, #tpu.memory_space<vmem_shared>> -> memref<64x128xf32, #tpu.memory_space<vmem_shared>>
      %dma_wait3A_87 = arith.constant 0 : i32
      %dma_wait3A_88 = tpu.memref_slice %arg7[%add3A_32, %dma_wait3A_87] : memref<10240x128xf32, #tpu.memory_space<vmem_shared>> -> memref<64x128xf32, #tpu.memory_space<vmem_shared>>
      tpu.wait_dma2 semaphore(%run_scoped3A : memref<!tpu.dma_semaphore, #tpu.memory_space<semaphore_mem>>) src(%arg6 : memref<64x128xf32, #tpu.memory_space<vmem>>) dst(%dma_wait3A_88 : memref<64x128xf32, #tpu.memory_space<vmem_shared>>)
      tpu.yield
    }) : () -> ()
    %mul3A_33 = arith.constant 640 : i32
    %mul3A_34 = arith.muli %arg1, %mul3A_33 : i32
    %add3A_35 = arith.constant 192 : i32
    %add3A_36 = arith.addi %mul3A_34, %add3A_35 : i32
    "tpu.region"() ({
      %run_scoped3A = tpu.sem_alloc : memref<!tpu.dma_semaphore, #tpu.memory_space<semaphore_mem>>
      %dma_start3A_81 = arith.constant 0 : i32
      %dma_start3A_82 = tpu.memref_slice %arg7[%add3A_36, %dma_start3A_81] : memref<10240x128xf32, #tpu.memory_space<vmem_shared>> -> memref<64x128xf32, #tpu.memory_space<vmem_shared>>
      %dma_start3A_83 = arith.constant 0 : i32
      %dma_start3A_84 = tpu.memref_slice %arg7[%add3A_36, %dma_start3A_83] : memref<10240x128xf32, #tpu.memory_space<vmem_shared>> -> memref<64x128xf32, #tpu.memory_space<vmem_shared>>
      tpu.enqueue_dma source(%arg6 : memref<64x128xf32, #tpu.memory_space<vmem>>) target(%dma_start3A_84 : memref<64x128xf32, #tpu.memory_space<vmem_shared>>) target_semaphore(%run_scoped3A : memref<!tpu.dma_semaphore, #tpu.memory_space<semaphore_mem>>)
      %dma_wait3A_85 = arith.constant 0 : i32
      %dma_wait3A_86 = tpu.memref_slice %arg7[%add3A_36, %dma_wait3A_85] : memref<10240x128xf32, #tpu.memory_space<vmem_shared>> -> memref<64x128xf32, #tpu.memory_space<vmem_shared>>
      %dma_wait3A_87 = arith.constant 0 : i32
      %dma_wait3A_88 = tpu.memref_slice %arg7[%add3A_36, %dma_wait3A_87] : memref<10240x128xf32, #tpu.memory_space<vmem_shared>> -> memref<64x128xf32, #tpu.memory_space<vmem_shared>>
      tpu.wait_dma2 semaphore(%run_scoped3A : memref<!tpu.dma_semaphore, #tpu.memory_space<semaphore_mem>>) src(%arg6 : memref<64x128xf32, #tpu.memory_space<vmem>>) dst(%dma_wait3A_88 : memref<64x128xf32, #tpu.memory_space<vmem_shared>>)
      tpu.yield
    }) : () -> ()
    %mul3A_37 = arith.constant 640 : i32
    %mul3A_38 = arith.muli %arg1, %mul3A_37 : i32
    %add3A_39 = arith.constant 256 : i32
    %add3A_40 = arith.addi %mul3A_38, %add3A_39 : i32
    "tpu.region"() ({
      %run_scoped3A = tpu.sem_alloc : memref<!tpu.dma_semaphore, #tpu.memory_space<semaphore_mem>>
      %dma_start3A_81 = arith.constant 0 : i32
      %dma_start3A_82 = tpu.memref_slice %arg7[%add3A_40, %dma_start3A_81] : memref<10240x128xf32, #tpu.memory_space<vmem_shared>> -> memref<64x128xf32, #tpu.memory_space<vmem_shared>>
      %dma_start3A_83 = arith.constant 0 : i32
      %dma_start3A_84 = tpu.memref_slice %arg7[%add3A_40, %dma_start3A_83] : memref<10240x128xf32, #tpu.memory_space<vmem_shared>> -> memref<64x128xf32, #tpu.memory_space<vmem_shared>>
      tpu.enqueue_dma source(%arg6 : memref<64x128xf32, #tpu.memory_space<vmem>>) target(%dma_start3A_84 : memref<64x128xf32, #tpu.memory_space<vmem_shared>>) target_semaphore(%run_scoped3A : memref<!tpu.dma_semaphore, #tpu.memory_space<semaphore_mem>>)
      %dma_wait3A_85 = arith.constant 0 : i32
      %dma_wait3A_86 = tpu.memref_slice %arg7[%add3A_40, %dma_wait3A_85] : memref<10240x128xf32, #tpu.memory_space<vmem_shared>> -> memref<64x128xf32, #tpu.memory_space<vmem_shared>>
      %dma_wait3A_87 = arith.constant 0 : i32
      %dma_wait3A_88 = tpu.memref_slice %arg7[%add3A_40, %dma_wait3A_87] : memref<10240x128xf32, #tpu.memory_space<vmem_shared>> -> memref<64x128xf32, #tpu.memory_space<vmem_shared>>
      tpu.wait_dma2 semaphore(%run_scoped3A : memref<!tpu.dma_semaphore, #tpu.memory_space<semaphore_mem>>) src(%arg6 : memref<64x128xf32, #tpu.memory_space<vmem>>) dst(%dma_wait3A_88 : memref<64x128xf32, #tpu.memory_space<vmem_shared>>)
      tpu.yield
    }) : () -> ()
    %mul3A_41 = arith.constant 640 : i32
    %mul3A_42 = arith.muli %arg1, %mul3A_41 : i32
    %add3A_43 = arith.constant 320 : i32
    %add3A_44 = arith.addi %mul3A_42, %add3A_43 : i32
    "tpu.region"() ({
      %run_scoped3A = tpu.sem_alloc : memref<!tpu.dma_semaphore, #tpu.memory_space<semaphore_mem>>
      %dma_start3A_81 = arith.constant 0 : i32
      %dma_start3A_82 = tpu.memref_slice %arg7[%add3A_44, %dma_start3A_81] : memref<10240x128xf32, #tpu.memory_space<vmem_shared>> -> memref<64x128xf32, #tpu.memory_space<vmem_shared>>
      %dma_start3A_83 = arith.constant 0 : i32
      %dma_start3A_84 = tpu.memref_slice %arg7[%add3A_44, %dma_start3A_83] : memref<10240x128xf32, #tpu.memory_space<vmem_shared>> -> memref<64x128xf32, #tpu.memory_space<vmem_shared>>
      tpu.enqueue_dma source(%arg6 : memref<64x128xf32, #tpu.memory_space<vmem>>) target(%dma_start3A_84 : memref<64x128xf32, #tpu.memory_space<vmem_shared>>) target_semaphore(%run_scoped3A : memref<!tpu.dma_semaphore, #tpu.memory_space<semaphore_mem>>)
      %dma_wait3A_85 = arith.constant 0 : i32
      %dma_wait3A_86 = tpu.memref_slice %arg7[%add3A_44, %dma_wait3A_85] : memref<10240x128xf32, #tpu.memory_space<vmem_shared>> -> memref<64x128xf32, #tpu.memory_space<vmem_shared>>
      %dma_wait3A_87 = arith.constant 0 : i32
      %dma_wait3A_88 = tpu.memref_slice %arg7[%add3A_44, %dma_wait3A_87] : memref<10240x128xf32, #tpu.memory_space<vmem_shared>> -> memref<64x128xf32, #tpu.memory_space<vmem_shared>>
      tpu.wait_dma2 semaphore(%run_scoped3A : memref<!tpu.dma_semaphore, #tpu.memory_space<semaphore_mem>>) src(%arg6 : memref<64x128xf32, #tpu.memory_space<vmem>>) dst(%dma_wait3A_88 : memref<64x128xf32, #tpu.memory_space<vmem_shared>>)
      tpu.yield
    }) : () -> ()
    %mul3A_45 = arith.constant 640 : i32
    %mul3A_46 = arith.muli %arg1, %mul3A_45 : i32
    %add3A_47 = arith.constant 384 : i32
    %add3A_48 = arith.addi %mul3A_46, %add3A_47 : i32
    "tpu.region"() ({
      %run_scoped3A = tpu.sem_alloc : memref<!tpu.dma_semaphore, #tpu.memory_space<semaphore_mem>>
      %dma_start3A_81 = arith.constant 0 : i32
      %dma_start3A_82 = tpu.memref_slice %arg7[%add3A_48, %dma_start3A_81] : memref<10240x128xf32, #tpu.memory_space<vmem_shared>> -> memref<64x128xf32, #tpu.memory_space<vmem_shared>>
      %dma_start3A_83 = arith.constant 0 : i32
      %dma_start3A_84 = tpu.memref_slice %arg7[%add3A_48, %dma_start3A_83] : memref<10240x128xf32, #tpu.memory_space<vmem_shared>> -> memref<64x128xf32, #tpu.memory_space<vmem_shared>>
      tpu.enqueue_dma source(%arg6 : memref<64x128xf32, #tpu.memory_space<vmem>>) target(%dma_start3A_84 : memref<64x128xf32, #tpu.memory_space<vmem_shared>>) target_semaphore(%run_scoped3A : memref<!tpu.dma_semaphore, #tpu.memory_space<semaphore_mem>>)
      %dma_wait3A_85 = arith.constant 0 : i32
      %dma_wait3A_86 = tpu.memref_slice %arg7[%add3A_48, %dma_wait3A_85] : memref<10240x128xf32, #tpu.memory_space<vmem_shared>> -> memref<64x128xf32, #tpu.memory_space<vmem_shared>>
      %dma_wait3A_87 = arith.constant 0 : i32
      %dma_wait3A_88 = tpu.memref_slice %arg7[%add3A_48, %dma_wait3A_87] : memref<10240x128xf32, #tpu.memory_space<vmem_shared>> -> memref<64x128xf32, #tpu.memory_space<vmem_shared>>
      tpu.wait_dma2 semaphore(%run_scoped3A : memref<!tpu.dma_semaphore, #tpu.memory_space<semaphore_mem>>) src(%arg6 : memref<64x128xf32, #tpu.memory_space<vmem>>) dst(%dma_wait3A_88 : memref<64x128xf32, #tpu.memory_space<vmem_shared>>)
      tpu.yield
    }) : () -> ()
    %mul3A_49 = arith.constant 640 : i32
    %mul3A_50 = arith.muli %arg1, %mul3A_49 : i32
    %add3A_51 = arith.constant 448 : i32
    %add3A_52 = arith.addi %mul3A_50, %add3A_51 : i32
    "tpu.region"() ({
      %run_scoped3A = tpu.sem_alloc : memref<!tpu.dma_semaphore, #tpu.memory_space<semaphore_mem>>
      %dma_start3A_81 = arith.constant 0 : i32
      %dma_start3A_82 = tpu.memref_slice %arg7[%add3A_52, %dma_start3A_81] : memref<10240x128xf32, #tpu.memory_space<vmem_shared>> -> memref<64x128xf32, #tpu.memory_space<vmem_shared>>
      %dma_start3A_83 = arith.constant 0 : i32
      %dma_start3A_84 = tpu.memref_slice %arg7[%add3A_52, %dma_start3A_83] : memref<10240x128xf32, #tpu.memory_space<vmem_shared>> -> memref<64x128xf32, #tpu.memory_space<vmem_shared>>
      tpu.enqueue_dma source(%arg6 : memref<64x128xf32, #tpu.memory_space<vmem>>) target(%dma_start3A_84 : memref<64x128xf32, #tpu.memory_space<vmem_shared>>) target_semaphore(%run_scoped3A : memref<!tpu.dma_semaphore, #tpu.memory_space<semaphore_mem>>)
      %dma_wait3A_85 = arith.constant 0 : i32
      %dma_wait3A_86 = tpu.memref_slice %arg7[%add3A_52, %dma_wait3A_85] : memref<10240x128xf32, #tpu.memory_space<vmem_shared>> -> memref<64x128xf32, #tpu.memory_space<vmem_shared>>
      %dma_wait3A_87 = arith.constant 0 : i32
      %dma_wait3A_88 = tpu.memref_slice %arg7[%add3A_52, %dma_wait3A_87] : memref<10240x128xf32, #tpu.memory_space<vmem_shared>> -> memref<64x128xf32, #tpu.memory_space<vmem_shared>>
      tpu.wait_dma2 semaphore(%run_scoped3A : memref<!tpu.dma_semaphore, #tpu.memory_space<semaphore_mem>>) src(%arg6 : memref<64x128xf32, #tpu.memory_space<vmem>>) dst(%dma_wait3A_88 : memref<64x128xf32, #tpu.memory_space<vmem_shared>>)
      tpu.yield
    }) : () -> ()
    %mul3A_53 = arith.constant 640 : i32
    %mul3A_54 = arith.muli %arg1, %mul3A_53 : i32
    %add3A_55 = arith.constant 512 : i32
    %add3A_56 = arith.addi %mul3A_54, %add3A_55 : i32
    "tpu.region"() ({
      %run_scoped3A = tpu.sem_alloc : memref<!tpu.dma_semaphore, #tpu.memory_space<semaphore_mem>>
      %dma_start3A_81 = arith.constant 0 : i32
      %dma_start3A_82 = tpu.memref_slice %arg7[%add3A_56, %dma_start3A_81] : memref<10240x128xf32, #tpu.memory_space<vmem_shared>> -> memref<64x128xf32, #tpu.memory_space<vmem_shared>>
      %dma_start3A_83 = arith.constant 0 : i32
      %dma_start3A_84 = tpu.memref_slice %arg7[%add3A_56, %dma_start3A_83] : memref<10240x128xf32, #tpu.memory_space<vmem_shared>> -> memref<64x128xf32, #tpu.memory_space<vmem_shared>>
      tpu.enqueue_dma source(%arg6 : memref<64x128xf32, #tpu.memory_space<vmem>>) target(%dma_start3A_84 : memref<64x128xf32, #tpu.memory_space<vmem_shared>>) target_semaphore(%run_scoped3A : memref<!tpu.dma_semaphore, #tpu.memory_space<semaphore_mem>>)
      %dma_wait3A_85 = arith.constant 0 : i32
      %dma_wait3A_86 = tpu.memref_slice %arg7[%add3A_56, %dma_wait3A_85] : memref<10240x128xf32, #tpu.memory_space<vmem_shared>> -> memref<64x128xf32, #tpu.memory_space<vmem_shared>>
      %dma_wait3A_87 = arith.constant 0 : i32
      %dma_wait3A_88 = tpu.memref_slice %arg7[%add3A_56, %dma_wait3A_87] : memref<10240x128xf32, #tpu.memory_space<vmem_shared>> -> memref<64x128xf32, #tpu.memory_space<vmem_shared>>
      tpu.wait_dma2 semaphore(%run_scoped3A : memref<!tpu.dma_semaphore, #tpu.memory_space<semaphore_mem>>) src(%arg6 : memref<64x128xf32, #tpu.memory_space<vmem>>) dst(%dma_wait3A_88 : memref<64x128xf32, #tpu.memory_space<vmem_shared>>)
      tpu.yield
    }) : () -> ()
    %mul3A_57 = arith.constant 640 : i32
    %mul3A_58 = arith.muli %arg1, %mul3A_57 : i32
    %add3A_59 = arith.constant 576 : i32
    %add3A_60 = arith.addi %mul3A_58, %add3A_59 : i32
    "tpu.region"() ({
      %run_scoped3A = tpu.sem_alloc : memref<!tpu.dma_semaphore, #tpu.memory_space<semaphore_mem>>
      %dma_start3A_81 = arith.constant 0 : i32
      %dma_start3A_82 = tpu.memref_slice %arg7[%add3A_60, %dma_start3A_81] : memref<10240x128xf32, #tpu.memory_space<vmem_shared>> -> memref<64x128xf32, #tpu.memory_space<vmem_shared>>
      %dma_start3A_83 = arith.constant 0 : i32
      %dma_start3A_84 = tpu.memref_slice %arg7[%add3A_60, %dma_start3A_83] : memref<10240x128xf32, #tpu.memory_space<vmem_shared>> -> memref<64x128xf32, #tpu.memory_space<vmem_shared>>
      tpu.enqueue_dma source(%arg6 : memref<64x128xf32, #tpu.memory_space<vmem>>) target(%dma_start3A_84 : memref<64x128xf32, #tpu.memory_space<vmem_shared>>) target_semaphore(%run_scoped3A : memref<!tpu.dma_semaphore, #tpu.memory_space<semaphore_mem>>)
      %dma_wait3A_85 = arith.constant 0 : i32
      %dma_wait3A_86 = tpu.memref_slice %arg7[%add3A_60, %dma_wait3A_85] : memref<10240x128xf32, #tpu.memory_space<vmem_shared>> -> memref<64x128xf32, #tpu.memory_space<vmem_shared>>
      %dma_wait3A_87 = arith.constant 0 : i32
      %dma_wait3A_88 = tpu.memref_slice %arg7[%add3A_60, %dma_wait3A_87] : memref<10240x128xf32, #tpu.memory_space<vmem_shared>> -> memref<64x128xf32, #tpu.memory_space<vmem_shared>>
      tpu.wait_dma2 semaphore(%run_scoped3A : memref<!tpu.dma_semaphore, #tpu.memory_space<semaphore_mem>>) src(%arg6 : memref<64x128xf32, #tpu.memory_space<vmem>>) dst(%dma_wait3A_88 : memref<64x128xf32, #tpu.memory_space<vmem_shared>>)
      tpu.yield
    }) : () -> ()
    %dma_wait3A = arith.constant 0 : i32
    %dma_wait3A_61 = arith.constant 0 : i32
    %dma_wait3A_62 = tpu.memref_slice %arg2[%arg1, %dma_wait3A, %dma_wait3A_61] : memref<16x79x128xi32, #tpu.memory_space<hbm>> -> memref<1x79x128xi32, #tpu.memory_space<hbm>>
    %dma_wait3A_63 = tpu.memref_squeeze %dma_wait3A_62 : memref<1x79x128xi32, #tpu.memory_space<hbm>> -> memref<79x128xi32, #tpu.memory_space<hbm>>
    %dma_wait3A_64 = arith.constant 0 : i32
    %dma_wait3A_65 = arith.constant 0 : i32
    %dma_wait3A_66 = tpu.memref_slice %arg2[%arg1, %dma_wait3A_64, %dma_wait3A_65] : memref<16x79x128xi32, #tpu.memory_space<hbm>> -> memref<1x79x128xi32, #tpu.memory_space<hbm>>
    %dma_wait3A_67 = tpu.memref_squeeze %dma_wait3A_66 : memref<1x79x128xi32, #tpu.memory_space<hbm>> -> memref<79x128xi32, #tpu.memory_space<hbm>>
    tpu.wait_dma2 semaphore(%arg8 : memref<!tpu.dma_semaphore, #tpu.memory_space<semaphore_mem>>) src(%dma_wait3A_67 : memref<79x128xi32, #tpu.memory_space<hbm>>) dst(%arg4 : memref<79x128xi32, #tpu.memory_space<vmem>>)
    %barrier3A = arith.constant 0 : index
    tpu.barrier barrier_id(%barrier3A)
    %scan3A_68 = arith.constant 0 : i32
    %scan3A_69 = arith.constant 0 : i32
    %scan3A_70 = arith.constant 79 : i32
    %scan3A_71 = arith.addi %scan3A_69, %scan3A_70 : i32
    %scan3A_72 = arith.constant 1 : i32
    %scan3A_73 = scf.for %scan3A_81 = %scan3A_69 to %scan3A_71 step %scan3A_72 iter_args(%scan3A_82 = %scan3A_68) -> (i32)  : i32 {
      "tpu.region"() ({
        %run_scoped3A = tpu.sem_alloc : memref<!tpu.dma_semaphore, #tpu.memory_space<semaphore_mem>>
        %dma_start3A_84 = arith.constant 0 : i32
        %dma_start3A_85 = tpu.memref_slice %arg4[%scan3A_81, %dma_start3A_84] : memref<79x128xi32, #tpu.memory_space<vmem>> -> memref<1x128xi32, #tpu.memory_space<vmem>>
        %dma_start3A_86 = tpu.memref_squeeze %dma_start3A_85 : memref<1x128xi32, #tpu.memory_space<vmem>> -> memref<128xi32, #tpu.memory_space<vmem>>
        %dma_start3A_87 = arith.constant 0 : i32
        %dma_start3A_88 = arith.constant 0 : i32
        %dma_start3A_89 = tpu.memref_slice %arg7[%dma_start3A_87, %dma_start3A_88] : memref<10240x128xf32, #tpu.memory_space<vmem_shared>> -> memref<10240x128xf32, #tpu.memory_space<vmem_shared>>
        tpu.enqueue_indirect_dma source(%arg5 : memref<128x128xf32, #tpu.memory_space<vmem>>) target(%dma_start3A_89 : memref<10240x128xf32, #tpu.memory_space<vmem_shared>>) offsets(%dma_start3A_86 : memref<128xi32, #tpu.memory_space<vmem>>) semaphore(%run_scoped3A : memref<!tpu.dma_semaphore, #tpu.memory_space<semaphore_mem>>) {add = true}
        %dma_wait3A_90 = arith.constant 0 : i32
        %dma_wait3A_91 = tpu.memref_slice %arg4[%scan3A_81, %dma_wait3A_90] : memref<79x128xi32, #tpu.memory_space<vmem>> -> memref<1x128xi32, #tpu.memory_space<vmem>>
        %dma_wait3A_92 = tpu.memref_squeeze %dma_wait3A_91 : memref<1x128xi32, #tpu.memory_space<vmem>> -> memref<128xi32, #tpu.memory_space<vmem>>
        %dma_wait3A_93 = arith.constant 0 : i32
        %dma_wait3A_94 = arith.constant 0 : i32
        %dma_wait3A_95 = tpu.memref_slice %arg7[%dma_wait3A_93, %dma_wait3A_94] : memref<10240x128xf32, #tpu.memory_space<vmem_shared>> -> memref<10240x128xf32, #tpu.memory_space<vmem_shared>>
        tpu.wait_indirect_dma semaphore(%run_scoped3A : memref<!tpu.dma_semaphore, #tpu.memory_space<semaphore_mem>>) src(%arg5 : memref<128x128xf32, #tpu.memory_space<vmem>>) dst(%dma_wait3A_95 : memref<10240x128xf32, #tpu.memory_space<vmem_shared>>)
        tpu.yield
      }) : () -> ()
      %scan3A_83 = arith.constant 0 : i32
      scf.yield %scan3A_83 : i32
    }
    %scan3A_74 = arith.constant 79 : i32
    %barrier3A_75 = arith.constant 0 : index
    tpu.barrier barrier_id(%barrier3A_75)
    %mul3A_76 = arith.constant 5120 : i32
    %mul3A_77 = arith.muli %arg0, %mul3A_76 : i32
    %mul3A_78 = arith.constant 320 : i32
    %mul3A_79 = arith.muli %arg1, %mul3A_78 : i32
    %add3A_80 = arith.addi %mul3A_77, %mul3A_79 : i32
    "tpu.region"() ({
      %run_scoped3A = tpu.sem_alloc : memref<!tpu.dma_semaphore, #tpu.memory_space<semaphore_mem>>
      %dma_start3A_81 = arith.constant 0 : i32
      %dma_start3A_82 = tpu.memref_slice %arg3[%add3A_80, %dma_start3A_81] : memref<10240x128xf32, #tpu.memory_space<hbm>> -> memref<320x128xf32, #tpu.memory_space<hbm>>
      %dma_start3A_83 = arith.constant 0 : i32
      %dma_start3A_84 = tpu.memref_slice %arg7[%add3A_80, %dma_start3A_83] : memref<10240x128xf32, #tpu.memory_space<vmem_shared>> -> memref<320x128xf32, #tpu.memory_space<vmem_shared>>
      tpu.enqueue_dma source(%dma_start3A_84 : memref<320x128xf32, #tpu.memory_space<vmem_shared>>) target(%dma_start3A_82 : memref<320x128xf32, #tpu.memory_space<hbm>>) target_semaphore(%run_scoped3A : memref<!tpu.dma_semaphore, #tpu.memory_space<semaphore_mem>>)
      %dma_wait3A_85 = arith.constant 0 : i32
      %dma_wait3A_86 = tpu.memref_slice %arg3[%add3A_80, %dma_wait3A_85] : memref<10240x128xf32, #tpu.memory_space<hbm>> -> memref<320x128xf32, #tpu.memory_space<hbm>>
      %dma_wait3A_87 = arith.constant 0 : i32
      %dma_wait3A_88 = tpu.memref_slice %arg7[%add3A_80, %dma_wait3A_87] : memref<10240x128xf32, #tpu.memory_space<vmem_shared>> -> memref<320x128xf32, #tpu.memory_space<vmem_shared>>
      tpu.wait_dma2 semaphore(%run_scoped3A : memref<!tpu.dma_semaphore, #tpu.memory_space<semaphore_mem>>) src(%dma_wait3A_88 : memref<320x128xf32, #tpu.memory_space<vmem_shared>>) dst(%dma_wait3A_86 : memref<320x128xf32, #tpu.memory_space<hbm>>)
      tpu.yield
    }) : () -> ()
    return
  }
}

#map = affine_map<(d0, d1) -> (0, 0)>
#map1 = affine_map<(d0, d1) -> (0, 0, 0)>
module attributes {stable_mosaic.version = 14 : i64} {
  func.func @_agg_body(%arg0: i32, %arg1: i32, %arg2: memref<20480x128xf32, #tpu.memory_space<hbm>>, %arg3: memref<16x79x128xi32, #tpu.memory_space<hbm>>, %arg4: memref<16x79x128xi32, #tpu.memory_space<hbm>>, %arg5: memref<2x10240x128xf32, #tpu.memory_space<hbm>>, %arg6: memref<79x128xi32, #tpu.memory_space<vmem>>, %arg7: memref<79x128xi32, #tpu.memory_space<vmem>>, %arg8: memref<128x128xf32, #tpu.memory_space<vmem>>, %arg9: memref<10240x128xf32, #tpu.memory_space<vmem_shared>>, %arg10: memref<!tpu.dma_semaphore, #tpu.memory_space<semaphore_mem>>) attributes {dimension_semantics = [#tpu.dimension_semantics<core_parallel>, #tpu.dimension_semantics<subcore_parallel>], iteration_bounds = array<i64: 2, 16>, scalar_prefetch = 0 : i64, scratch_operands = 5 : i64, tpu.core_type = #tpu.core_type<sc_vector_subcore>, window_params = [{transform_indices = #map}, {transform_indices = #map1}, {transform_indices = #map1}, {transform_indices = #map1}]} {
    %broadcast_in_dim3A = arith.constant 0.000000e+00 : f32
    %broadcast_in_dim3A_0 = vector.broadcast %broadcast_in_dim3A : f32 to vector<16xf32>
    %scan3A = arith.constant 0 : i32
    %scan3A_1 = arith.constant 0 : i32
    %scan3A_2 = arith.constant 128 : i32
    %scan3A_3 = arith.addi %scan3A_1, %scan3A_2 : i32
    %scan3A_4 = arith.constant 1 : i32
    %scan3A_5 = scf.for %scan3A_46 = %scan3A_1 to %scan3A_3 step %scan3A_4 iter_args(%scan3A_47 = %scan3A) -> (i32)  : i32 {
      %swap3A = arith.index_cast %scan3A_46 : i32 to index
      %swap3A_48 = arith.constant 0 : index
      %swap3A_49 = tpu.vector_load %arg8[%swap3A, %swap3A_48] {strides = array<i32>} : memref<128x128xf32, #tpu.memory_space<vmem>>, vector<1x16xf32>,
      %swap3A_50 = vector.shape_cast %swap3A_49 : vector<1x16xf32> to vector<16xf32>
      %swap3A_51 = vector.shape_cast %broadcast_in_dim3A_0 : vector<16xf32> to vector<1x16xf32>
      tpu.vector_store %arg8[%swap3A, %swap3A_48], %swap3A_51 {strides = array<i32>} : memref<128x128xf32, #tpu.memory_space<vmem>>, vector<1x16xf32>,
      %swap3A_52 = arith.index_cast %scan3A_46 : i32 to index
      %swap3A_53 = arith.constant 16 : index
      %swap3A_54 = tpu.vector_load %arg8[%swap3A_52, %swap3A_53] {strides = array<i32>} : memref<128x128xf32, #tpu.memory_space<vmem>>, vector<1x16xf32>,
      %swap3A_55 = vector.shape_cast %swap3A_54 : vector<1x16xf32> to vector<16xf32>
      %swap3A_56 = vector.shape_cast %broadcast_in_dim3A_0 : vector<16xf32> to vector<1x16xf32>
      tpu.vector_store %arg8[%swap3A_52, %swap3A_53], %swap3A_56 {strides = array<i32>} : memref<128x128xf32, #tpu.memory_space<vmem>>, vector<1x16xf32>,
      %swap3A_57 = arith.index_cast %scan3A_46 : i32 to index
      %swap3A_58 = arith.constant 32 : index
      %swap3A_59 = tpu.vector_load %arg8[%swap3A_57, %swap3A_58] {strides = array<i32>} : memref<128x128xf32, #tpu.memory_space<vmem>>, vector<1x16xf32>,
      %swap3A_60 = vector.shape_cast %swap3A_59 : vector<1x16xf32> to vector<16xf32>
      %swap3A_61 = vector.shape_cast %broadcast_in_dim3A_0 : vector<16xf32> to vector<1x16xf32>
      tpu.vector_store %arg8[%swap3A_57, %swap3A_58], %swap3A_61 {strides = array<i32>} : memref<128x128xf32, #tpu.memory_space<vmem>>, vector<1x16xf32>,
      %swap3A_62 = arith.index_cast %scan3A_46 : i32 to index
      %swap3A_63 = arith.constant 48 : index
      %swap3A_64 = tpu.vector_load %arg8[%swap3A_62, %swap3A_63] {strides = array<i32>} : memref<128x128xf32, #tpu.memory_space<vmem>>, vector<1x16xf32>,
      %swap3A_65 = vector.shape_cast %swap3A_64 : vector<1x16xf32> to vector<16xf32>
      %swap3A_66 = vector.shape_cast %broadcast_in_dim3A_0 : vector<16xf32> to vector<1x16xf32>
      tpu.vector_store %arg8[%swap3A_62, %swap3A_63], %swap3A_66 {strides = array<i32>} : memref<128x128xf32, #tpu.memory_space<vmem>>, vector<1x16xf32>,
      %swap3A_67 = arith.index_cast %scan3A_46 : i32 to index
      %swap3A_68 = arith.constant 64 : index
      %swap3A_69 = tpu.vector_load %arg8[%swap3A_67, %swap3A_68] {strides = array<i32>} : memref<128x128xf32, #tpu.memory_space<vmem>>, vector<1x16xf32>,
      %swap3A_70 = vector.shape_cast %swap3A_69 : vector<1x16xf32> to vector<16xf32>
      %swap3A_71 = vector.shape_cast %broadcast_in_dim3A_0 : vector<16xf32> to vector<1x16xf32>
      tpu.vector_store %arg8[%swap3A_67, %swap3A_68], %swap3A_71 {strides = array<i32>} : memref<128x128xf32, #tpu.memory_space<vmem>>, vector<1x16xf32>,
      %swap3A_72 = arith.index_cast %scan3A_46 : i32 to index
      %swap3A_73 = arith.constant 80 : index
      %swap3A_74 = tpu.vector_load %arg8[%swap3A_72, %swap3A_73] {strides = array<i32>} : memref<128x128xf32, #tpu.memory_space<vmem>>, vector<1x16xf32>,
      %swap3A_75 = vector.shape_cast %swap3A_74 : vector<1x16xf32> to vector<16xf32>
      %swap3A_76 = vector.shape_cast %broadcast_in_dim3A_0 : vector<16xf32> to vector<1x16xf32>
      tpu.vector_store %arg8[%swap3A_72, %swap3A_73], %swap3A_76 {strides = array<i32>} : memref<128x128xf32, #tpu.memory_space<vmem>>, vector<1x16xf32>,
      %swap3A_77 = arith.index_cast %scan3A_46 : i32 to index
      %swap3A_78 = arith.constant 96 : index
      %swap3A_79 = tpu.vector_load %arg8[%swap3A_77, %swap3A_78] {strides = array<i32>} : memref<128x128xf32, #tpu.memory_space<vmem>>, vector<1x16xf32>,
      %swap3A_80 = vector.shape_cast %swap3A_79 : vector<1x16xf32> to vector<16xf32>
      %swap3A_81 = vector.shape_cast %broadcast_in_dim3A_0 : vector<16xf32> to vector<1x16xf32>
      tpu.vector_store %arg8[%swap3A_77, %swap3A_78], %swap3A_81 {strides = array<i32>} : memref<128x128xf32, #tpu.memory_space<vmem>>, vector<1x16xf32>,
      %swap3A_82 = arith.index_cast %scan3A_46 : i32 to index
      %swap3A_83 = arith.constant 112 : index
      %swap3A_84 = tpu.vector_load %arg8[%swap3A_82, %swap3A_83] {strides = array<i32>} : memref<128x128xf32, #tpu.memory_space<vmem>>, vector<1x16xf32>,
      %swap3A_85 = vector.shape_cast %swap3A_84 : vector<1x16xf32> to vector<16xf32>
      %swap3A_86 = vector.shape_cast %broadcast_in_dim3A_0 : vector<16xf32> to vector<1x16xf32>
      tpu.vector_store %arg8[%swap3A_82, %swap3A_83], %swap3A_86 {strides = array<i32>} : memref<128x128xf32, #tpu.memory_space<vmem>>, vector<1x16xf32>,
      %scan3A_87 = arith.constant 0 : i32
      scf.yield %scan3A_87 : i32
    }
    %scan3A_6 = arith.constant 128 : i32
    %mul3A = arith.constant 640 : i32
    %mul3A_7 = arith.muli %arg1, %mul3A : i32
    %add3A = arith.constant 0 : i32
    %add3A_8 = arith.addi %mul3A_7, %add3A : i32
    "tpu.region"() ({
      %run_scoped3A = tpu.sem_alloc : memref<!tpu.dma_semaphore, #tpu.memory_space<semaphore_mem>>
      %dma_start3A = arith.constant 0 : i32
      %dma_start3A_46 = tpu.memref_slice %arg9[%add3A_8, %dma_start3A] : memref<10240x128xf32, #tpu.memory_space<vmem_shared>> -> memref<128x128xf32, #tpu.memory_space<vmem_shared>>
      %dma_start3A_47 = arith.constant 0 : i32
      %dma_start3A_48 = tpu.memref_slice %arg9[%add3A_8, %dma_start3A_47] : memref<10240x128xf32, #tpu.memory_space<vmem_shared>> -> memref<128x128xf32, #tpu.memory_space<vmem_shared>>
      tpu.enqueue_dma source(%arg8 : memref<128x128xf32, #tpu.memory_space<vmem>>) target(%dma_start3A_48 : memref<128x128xf32, #tpu.memory_space<vmem_shared>>) target_semaphore(%run_scoped3A : memref<!tpu.dma_semaphore, #tpu.memory_space<semaphore_mem>>)
      %dma_wait3A = arith.constant 0 : i32
      %dma_wait3A_49 = tpu.memref_slice %arg9[%add3A_8, %dma_wait3A] : memref<10240x128xf32, #tpu.memory_space<vmem_shared>> -> memref<128x128xf32, #tpu.memory_space<vmem_shared>>
      %dma_wait3A_50 = arith.constant 0 : i32
      %dma_wait3A_51 = tpu.memref_slice %arg9[%add3A_8, %dma_wait3A_50] : memref<10240x128xf32, #tpu.memory_space<vmem_shared>> -> memref<128x128xf32, #tpu.memory_space<vmem_shared>>
      tpu.wait_dma2 semaphore(%run_scoped3A : memref<!tpu.dma_semaphore, #tpu.memory_space<semaphore_mem>>) src(%arg8 : memref<128x128xf32, #tpu.memory_space<vmem>>) dst(%dma_wait3A_51 : memref<128x128xf32, #tpu.memory_space<vmem_shared>>)
      tpu.yield
    }) : () -> ()
    %mul3A_9 = arith.constant 640 : i32
    %mul3A_10 = arith.muli %arg1, %mul3A_9 : i32
    %add3A_11 = arith.constant 128 : i32
    %add3A_12 = arith.addi %mul3A_10, %add3A_11 : i32
    "tpu.region"() ({
      %run_scoped3A = tpu.sem_alloc : memref<!tpu.dma_semaphore, #tpu.memory_space<semaphore_mem>>
      %dma_start3A = arith.constant 0 : i32
      %dma_start3A_46 = tpu.memref_slice %arg9[%add3A_12, %dma_start3A] : memref<10240x128xf32, #tpu.memory_space<vmem_shared>> -> memref<128x128xf32, #tpu.memory_space<vmem_shared>>
      %dma_start3A_47 = arith.constant 0 : i32
      %dma_start3A_48 = tpu.memref_slice %arg9[%add3A_12, %dma_start3A_47] : memref<10240x128xf32, #tpu.memory_space<vmem_shared>> -> memref<128x128xf32, #tpu.memory_space<vmem_shared>>
      tpu.enqueue_dma source(%arg8 : memref<128x128xf32, #tpu.memory_space<vmem>>) target(%dma_start3A_48 : memref<128x128xf32, #tpu.memory_space<vmem_shared>>) target_semaphore(%run_scoped3A : memref<!tpu.dma_semaphore, #tpu.memory_space<semaphore_mem>>)
      %dma_wait3A = arith.constant 0 : i32
      %dma_wait3A_49 = tpu.memref_slice %arg9[%add3A_12, %dma_wait3A] : memref<10240x128xf32, #tpu.memory_space<vmem_shared>> -> memref<128x128xf32, #tpu.memory_space<vmem_shared>>
      %dma_wait3A_50 = arith.constant 0 : i32
      %dma_wait3A_51 = tpu.memref_slice %arg9[%add3A_12, %dma_wait3A_50] : memref<10240x128xf32, #tpu.memory_space<vmem_shared>> -> memref<128x128xf32, #tpu.memory_space<vmem_shared>>
      tpu.wait_dma2 semaphore(%run_scoped3A : memref<!tpu.dma_semaphore, #tpu.memory_space<semaphore_mem>>) src(%arg8 : memref<128x128xf32, #tpu.memory_space<vmem>>) dst(%dma_wait3A_51 : memref<128x128xf32, #tpu.memory_space<vmem_shared>>)
      tpu.yield
    }) : () -> ()
    %mul3A_13 = arith.constant 640 : i32
    %mul3A_14 = arith.muli %arg1, %mul3A_13 : i32
    %add3A_15 = arith.constant 256 : i32
    %add3A_16 = arith.addi %mul3A_14, %add3A_15 : i32
    "tpu.region"() ({
      %run_scoped3A = tpu.sem_alloc : memref<!tpu.dma_semaphore, #tpu.memory_space<semaphore_mem>>
      %dma_start3A = arith.constant 0 : i32
      %dma_start3A_46 = tpu.memref_slice %arg9[%add3A_16, %dma_start3A] : memref<10240x128xf32, #tpu.memory_space<vmem_shared>> -> memref<128x128xf32, #tpu.memory_space<vmem_shared>>
      %dma_start3A_47 = arith.constant 0 : i32
      %dma_start3A_48 = tpu.memref_slice %arg9[%add3A_16, %dma_start3A_47] : memref<10240x128xf32, #tpu.memory_space<vmem_shared>> -> memref<128x128xf32, #tpu.memory_space<vmem_shared>>
      tpu.enqueue_dma source(%arg8 : memref<128x128xf32, #tpu.memory_space<vmem>>) target(%dma_start3A_48 : memref<128x128xf32, #tpu.memory_space<vmem_shared>>) target_semaphore(%run_scoped3A : memref<!tpu.dma_semaphore, #tpu.memory_space<semaphore_mem>>)
      %dma_wait3A = arith.constant 0 : i32
      %dma_wait3A_49 = tpu.memref_slice %arg9[%add3A_16, %dma_wait3A] : memref<10240x128xf32, #tpu.memory_space<vmem_shared>> -> memref<128x128xf32, #tpu.memory_space<vmem_shared>>
      %dma_wait3A_50 = arith.constant 0 : i32
      %dma_wait3A_51 = tpu.memref_slice %arg9[%add3A_16, %dma_wait3A_50] : memref<10240x128xf32, #tpu.memory_space<vmem_shared>> -> memref<128x128xf32, #tpu.memory_space<vmem_shared>>
      tpu.wait_dma2 semaphore(%run_scoped3A : memref<!tpu.dma_semaphore, #tpu.memory_space<semaphore_mem>>) src(%arg8 : memref<128x128xf32, #tpu.memory_space<vmem>>) dst(%dma_wait3A_51 : memref<128x128xf32, #tpu.memory_space<vmem_shared>>)
      tpu.yield
    }) : () -> ()
    %mul3A_17 = arith.constant 640 : i32
    %mul3A_18 = arith.muli %arg1, %mul3A_17 : i32
    %add3A_19 = arith.constant 384 : i32
    %add3A_20 = arith.addi %mul3A_18, %add3A_19 : i32
    "tpu.region"() ({
      %run_scoped3A = tpu.sem_alloc : memref<!tpu.dma_semaphore, #tpu.memory_space<semaphore_mem>>
      %dma_start3A = arith.constant 0 : i32
      %dma_start3A_46 = tpu.memref_slice %arg9[%add3A_20, %dma_start3A] : memref<10240x128xf32, #tpu.memory_space<vmem_shared>> -> memref<128x128xf32, #tpu.memory_space<vmem_shared>>
      %dma_start3A_47 = arith.constant 0 : i32
      %dma_start3A_48 = tpu.memref_slice %arg9[%add3A_20, %dma_start3A_47] : memref<10240x128xf32, #tpu.memory_space<vmem_shared>> -> memref<128x128xf32, #tpu.memory_space<vmem_shared>>
      tpu.enqueue_dma source(%arg8 : memref<128x128xf32, #tpu.memory_space<vmem>>) target(%dma_start3A_48 : memref<128x128xf32, #tpu.memory_space<vmem_shared>>) target_semaphore(%run_scoped3A : memref<!tpu.dma_semaphore, #tpu.memory_space<semaphore_mem>>)
      %dma_wait3A = arith.constant 0 : i32
      %dma_wait3A_49 = tpu.memref_slice %arg9[%add3A_20, %dma_wait3A] : memref<10240x128xf32, #tpu.memory_space<vmem_shared>> -> memref<128x128xf32, #tpu.memory_space<vmem_shared>>
      %dma_wait3A_50 = arith.constant 0 : i32
      %dma_wait3A_51 = tpu.memref_slice %arg9[%add3A_20, %dma_wait3A_50] : memref<10240x128xf32, #tpu.memory_space<vmem_shared>> -> memref<128x128xf32, #tpu.memory_space<vmem_shared>>
      tpu.wait_dma2 semaphore(%run_scoped3A : memref<!tpu.dma_semaphore, #tpu.memory_space<semaphore_mem>>) src(%arg8 : memref<128x128xf32, #tpu.memory_space<vmem>>) dst(%dma_wait3A_51 : memref<128x128xf32, #tpu.memory_space<vmem_shared>>)
      tpu.yield
    }) : () -> ()
    %mul3A_21 = arith.constant 640 : i32
    %mul3A_22 = arith.muli %arg1, %mul3A_21 : i32
    %add3A_23 = arith.constant 512 : i32
    %add3A_24 = arith.addi %mul3A_22, %add3A_23 : i32
    "tpu.region"() ({
      %run_scoped3A = tpu.sem_alloc : memref<!tpu.dma_semaphore, #tpu.memory_space<semaphore_mem>>
      %dma_start3A = arith.constant 0 : i32
      %dma_start3A_46 = tpu.memref_slice %arg9[%add3A_24, %dma_start3A] : memref<10240x128xf32, #tpu.memory_space<vmem_shared>> -> memref<128x128xf32, #tpu.memory_space<vmem_shared>>
      %dma_start3A_47 = arith.constant 0 : i32
      %dma_start3A_48 = tpu.memref_slice %arg9[%add3A_24, %dma_start3A_47] : memref<10240x128xf32, #tpu.memory_space<vmem_shared>> -> memref<128x128xf32, #tpu.memory_space<vmem_shared>>
      tpu.enqueue_dma source(%arg8 : memref<128x128xf32, #tpu.memory_space<vmem>>) target(%dma_start3A_48 : memref<128x128xf32, #tpu.memory_space<vmem_shared>>) target_semaphore(%run_scoped3A : memref<!tpu.dma_semaphore, #tpu.memory_space<semaphore_mem>>)
      %dma_wait3A = arith.constant 0 : i32
      %dma_wait3A_49 = tpu.memref_slice %arg9[%add3A_24, %dma_wait3A] : memref<10240x128xf32, #tpu.memory_space<vmem_shared>> -> memref<128x128xf32, #tpu.memory_space<vmem_shared>>
      %dma_wait3A_50 = arith.constant 0 : i32
      %dma_wait3A_51 = tpu.memref_slice %arg9[%add3A_24, %dma_wait3A_50] : memref<10240x128xf32, #tpu.memory_space<vmem_shared>> -> memref<128x128xf32, #tpu.memory_space<vmem_shared>>
      tpu.wait_dma2 semaphore(%run_scoped3A : memref<!tpu.dma_semaphore, #tpu.memory_space<semaphore_mem>>) src(%arg8 : memref<128x128xf32, #tpu.memory_space<vmem>>) dst(%dma_wait3A_51 : memref<128x128xf32, #tpu.memory_space<vmem_shared>>)
      tpu.yield
    }) : () -> ()
    %barrier3A = arith.constant 0 : index
    tpu.barrier barrier_id(%barrier3A)
    "tpu.region"() ({
      %run_scoped3A = tpu.sem_alloc : memref<!tpu.dma_semaphore, #tpu.memory_space<semaphore_mem>>
      %dma_start3A = arith.constant 0 : i32
      %dma_start3A_46 = arith.constant 0 : i32
      %dma_start3A_47 = tpu.memref_slice %arg3[%arg1, %dma_start3A, %dma_start3A_46] : memref<16x79x128xi32, #tpu.memory_space<hbm>> -> memref<1x79x128xi32, #tpu.memory_space<hbm>>
      %dma_start3A_48 = tpu.memref_squeeze %dma_start3A_47 : memref<1x79x128xi32, #tpu.memory_space<hbm>> -> memref<79x128xi32, #tpu.memory_space<hbm>>
      %dma_start3A_49 = arith.constant 0 : i32
      %dma_start3A_50 = arith.constant 0 : i32
      %dma_start3A_51 = tpu.memref_slice %arg3[%arg1, %dma_start3A_49, %dma_start3A_50] : memref<16x79x128xi32, #tpu.memory_space<hbm>> -> memref<1x79x128xi32, #tpu.memory_space<hbm>>
      %dma_start3A_52 = tpu.memref_squeeze %dma_start3A_51 : memref<1x79x128xi32, #tpu.memory_space<hbm>> -> memref<79x128xi32, #tpu.memory_space<hbm>>
      tpu.enqueue_dma source(%dma_start3A_52 : memref<79x128xi32, #tpu.memory_space<hbm>>) target(%arg6 : memref<79x128xi32, #tpu.memory_space<vmem>>) target_semaphore(%run_scoped3A : memref<!tpu.dma_semaphore, #tpu.memory_space<semaphore_mem>>)
      %dma_wait3A = arith.constant 0 : i32
      %dma_wait3A_53 = arith.constant 0 : i32
      %dma_wait3A_54 = tpu.memref_slice %arg3[%arg1, %dma_wait3A, %dma_wait3A_53] : memref<16x79x128xi32, #tpu.memory_space<hbm>> -> memref<1x79x128xi32, #tpu.memory_space<hbm>>
      %dma_wait3A_55 = tpu.memref_squeeze %dma_wait3A_54 : memref<1x79x128xi32, #tpu.memory_space<hbm>> -> memref<79x128xi32, #tpu.memory_space<hbm>>
      %dma_wait3A_56 = arith.constant 0 : i32
      %dma_wait3A_57 = arith.constant 0 : i32
      %dma_wait3A_58 = tpu.memref_slice %arg3[%arg1, %dma_wait3A_56, %dma_wait3A_57] : memref<16x79x128xi32, #tpu.memory_space<hbm>> -> memref<1x79x128xi32, #tpu.memory_space<hbm>>
      %dma_wait3A_59 = tpu.memref_squeeze %dma_wait3A_58 : memref<1x79x128xi32, #tpu.memory_space<hbm>> -> memref<79x128xi32, #tpu.memory_space<hbm>>
      tpu.wait_dma2 semaphore(%run_scoped3A : memref<!tpu.dma_semaphore, #tpu.memory_space<semaphore_mem>>) src(%dma_wait3A_59 : memref<79x128xi32, #tpu.memory_space<hbm>>) dst(%arg6 : memref<79x128xi32, #tpu.memory_space<vmem>>)
      tpu.yield
    }) : () -> ()
    "tpu.region"() ({
      %run_scoped3A = tpu.sem_alloc : memref<!tpu.dma_semaphore, #tpu.memory_space<semaphore_mem>>
      %dma_start3A = arith.constant 0 : i32
      %dma_start3A_46 = arith.constant 0 : i32
      %dma_start3A_47 = tpu.memref_slice %arg4[%arg1, %dma_start3A, %dma_start3A_46] : memref<16x79x128xi32, #tpu.memory_space<hbm>> -> memref<1x79x128xi32, #tpu.memory_space<hbm>>
      %dma_start3A_48 = tpu.memref_squeeze %dma_start3A_47 : memref<1x79x128xi32, #tpu.memory_space<hbm>> -> memref<79x128xi32, #tpu.memory_space<hbm>>
      %dma_start3A_49 = arith.constant 0 : i32
      %dma_start3A_50 = arith.constant 0 : i32
      %dma_start3A_51 = tpu.memref_slice %arg4[%arg1, %dma_start3A_49, %dma_start3A_50] : memref<16x79x128xi32, #tpu.memory_space<hbm>> -> memref<1x79x128xi32, #tpu.memory_space<hbm>>
      %dma_start3A_52 = tpu.memref_squeeze %dma_start3A_51 : memref<1x79x128xi32, #tpu.memory_space<hbm>> -> memref<79x128xi32, #tpu.memory_space<hbm>>
      tpu.enqueue_dma source(%dma_start3A_52 : memref<79x128xi32, #tpu.memory_space<hbm>>) target(%arg7 : memref<79x128xi32, #tpu.memory_space<vmem>>) target_semaphore(%run_scoped3A : memref<!tpu.dma_semaphore, #tpu.memory_space<semaphore_mem>>)
      %dma_wait3A = arith.constant 0 : i32
      %dma_wait3A_53 = arith.constant 0 : i32
      %dma_wait3A_54 = tpu.memref_slice %arg4[%arg1, %dma_wait3A, %dma_wait3A_53] : memref<16x79x128xi32, #tpu.memory_space<hbm>> -> memref<1x79x128xi32, #tpu.memory_space<hbm>>
      %dma_wait3A_55 = tpu.memref_squeeze %dma_wait3A_54 : memref<1x79x128xi32, #tpu.memory_space<hbm>> -> memref<79x128xi32, #tpu.memory_space<hbm>>
      %dma_wait3A_56 = arith.constant 0 : i32
      %dma_wait3A_57 = arith.constant 0 : i32
      %dma_wait3A_58 = tpu.memref_slice %arg4[%arg1, %dma_wait3A_56, %dma_wait3A_57] : memref<16x79x128xi32, #tpu.memory_space<hbm>> -> memref<1x79x128xi32, #tpu.memory_space<hbm>>
      %dma_wait3A_59 = tpu.memref_squeeze %dma_wait3A_58 : memref<1x79x128xi32, #tpu.memory_space<hbm>> -> memref<79x128xi32, #tpu.memory_space<hbm>>
      tpu.wait_dma2 semaphore(%run_scoped3A : memref<!tpu.dma_semaphore, #tpu.memory_space<semaphore_mem>>) src(%dma_wait3A_59 : memref<79x128xi32, #tpu.memory_space<hbm>>) dst(%arg7 : memref<79x128xi32, #tpu.memory_space<vmem>>)
      tpu.yield
    }) : () -> ()
    %mul3A_25 = arith.constant 10240 : i32
    %mul3A_26 = arith.muli %arg0, %mul3A_25 : i32
    %scan3A_27 = arith.constant 0 : i32
    %scan3A_28 = arith.constant 0 : i32
    %scan3A_29 = arith.constant 79 : i32
    %scan3A_30 = arith.addi %scan3A_28, %scan3A_29 : i32
    %scan3A_31 = arith.constant 1 : i32
    %scan3A_32 = scf.for %scan3A_46 = %scan3A_28 to %scan3A_30 step %scan3A_31 iter_args(%scan3A_47 = %scan3A_27) -> (i32)  : i32 {
      %get3A = arith.index_cast %scan3A_46 : i32 to index
      %get3A_48 = arith.constant 0 : index
      %get3A_49 = tpu.vector_load %arg6[%get3A, %get3A_48] {strides = array<i32>} : memref<79x128xi32, #tpu.memory_space<vmem>>, vector<1x16xi32>,
      %get3A_50 = vector.shape_cast %get3A_49 : vector<1x16xi32> to vector<16xi32>
      %add3A_51 = vector.broadcast %mul3A_26 : i32 to vector<16xi32>
      %add3A_52 = arith.addi %get3A_50, %add3A_51 : vector<16xi32>
      %swap3A = arith.index_cast %scan3A_46 : i32 to index
      %swap3A_53 = arith.constant 0 : index
      %swap3A_54 = tpu.vector_load %arg6[%swap3A, %swap3A_53] {strides = array<i32>} : memref<79x128xi32, #tpu.memory_space<vmem>>, vector<1x16xi32>,
      %swap3A_55 = vector.shape_cast %swap3A_54 : vector<1x16xi32> to vector<16xi32>
      %swap3A_56 = vector.shape_cast %add3A_52 : vector<16xi32> to vector<1x16xi32>
      tpu.vector_store %arg6[%swap3A, %swap3A_53], %swap3A_56 {strides = array<i32>} : memref<79x128xi32, #tpu.memory_space<vmem>>, vector<1x16xi32>,
      %get3A_57 = arith.index_cast %scan3A_46 : i32 to index
      %get3A_58 = arith.constant 16 : index
      %get3A_59 = tpu.vector_load %arg6[%get3A_57, %get3A_58] {strides = array<i32>} : memref<79x128xi32, #tpu.memory_space<vmem>>, vector<1x16xi32>,
      %get3A_60 = vector.shape_cast %get3A_59 : vector<1x16xi32> to vector<16xi32>
      %add3A_61 = vector.broadcast %mul3A_26 : i32 to vector<16xi32>
      %add3A_62 = arith.addi %get3A_60, %add3A_61 : vector<16xi32>
      %swap3A_63 = arith.index_cast %scan3A_46 : i32 to index
      %swap3A_64 = arith.constant 16 : index
      %swap3A_65 = tpu.vector_load %arg6[%swap3A_63, %swap3A_64] {strides = array<i32>} : memref<79x128xi32, #tpu.memory_space<vmem>>, vector<1x16xi32>,
      %swap3A_66 = vector.shape_cast %swap3A_65 : vector<1x16xi32> to vector<16xi32>
      %swap3A_67 = vector.shape_cast %add3A_62 : vector<16xi32> to vector<1x16xi32>
      tpu.vector_store %arg6[%swap3A_63, %swap3A_64], %swap3A_67 {strides = array<i32>} : memref<79x128xi32, #tpu.memory_space<vmem>>, vector<1x16xi32>,
      %get3A_68 = arith.index_cast %scan3A_46 : i32 to index
      %get3A_69 = arith.constant 32 : index
      %get3A_70 = tpu.vector_load %arg6[%get3A_68, %get3A_69] {strides = array<i32>} : memref<79x128xi32, #tpu.memory_space<vmem>>, vector<1x16xi32>,
      %get3A_71 = vector.shape_cast %get3A_70 : vector<1x16xi32> to vector<16xi32>
      %add3A_72 = vector.broadcast %mul3A_26 : i32 to vector<16xi32>
      %add3A_73 = arith.addi %get3A_71, %add3A_72 : vector<16xi32>
      %swap3A_74 = arith.index_cast %scan3A_46 : i32 to index
      %swap3A_75 = arith.constant 32 : index
      %swap3A_76 = tpu.vector_load %arg6[%swap3A_74, %swap3A_75] {strides = array<i32>} : memref<79x128xi32, #tpu.memory_space<vmem>>, vector<1x16xi32>,
      %swap3A_77 = vector.shape_cast %swap3A_76 : vector<1x16xi32> to vector<16xi32>
      %swap3A_78 = vector.shape_cast %add3A_73 : vector<16xi32> to vector<1x16xi32>
      tpu.vector_store %arg6[%swap3A_74, %swap3A_75], %swap3A_78 {strides = array<i32>} : memref<79x128xi32, #tpu.memory_space<vmem>>, vector<1x16xi32>,
      %get3A_79 = arith.index_cast %scan3A_46 : i32 to index
      %get3A_80 = arith.constant 48 : index
      %get3A_81 = tpu.vector_load %arg6[%get3A_79, %get3A_80] {strides = array<i32>} : memref<79x128xi32, #tpu.memory_space<vmem>>, vector<1x16xi32>,
      %get3A_82 = vector.shape_cast %get3A_81 : vector<1x16xi32> to vector<16xi32>
      %add3A_83 = vector.broadcast %mul3A_26 : i32 to vector<16xi32>
      %add3A_84 = arith.addi %get3A_82, %add3A_83 : vector<16xi32>
      %swap3A_85 = arith.index_cast %scan3A_46 : i32 to index
      %swap3A_86 = arith.constant 48 : index
      %swap3A_87 = tpu.vector_load %arg6[%swap3A_85, %swap3A_86] {strides = array<i32>} : memref<79x128xi32, #tpu.memory_space<vmem>>, vector<1x16xi32>,
      %swap3A_88 = vector.shape_cast %swap3A_87 : vector<1x16xi32> to vector<16xi32>
      %swap3A_89 = vector.shape_cast %add3A_84 : vector<16xi32> to vector<1x16xi32>
      tpu.vector_store %arg6[%swap3A_85, %swap3A_86], %swap3A_89 {strides = array<i32>} : memref<79x128xi32, #tpu.memory_space<vmem>>, vector<1x16xi32>,
      %get3A_90 = arith.index_cast %scan3A_46 : i32 to index
      %get3A_91 = arith.constant 64 : index
      %get3A_92 = tpu.vector_load %arg6[%get3A_90, %get3A_91] {strides = array<i32>} : memref<79x128xi32, #tpu.memory_space<vmem>>, vector<1x16xi32>,
      %get3A_93 = vector.shape_cast %get3A_92 : vector<1x16xi32> to vector<16xi32>
      %add3A_94 = vector.broadcast %mul3A_26 : i32 to vector<16xi32>
      %add3A_95 = arith.addi %get3A_93, %add3A_94 : vector<16xi32>
      %swap3A_96 = arith.index_cast %scan3A_46 : i32 to index
      %swap3A_97 = arith.constant 64 : index
      %swap3A_98 = tpu.vector_load %arg6[%swap3A_96, %swap3A_97] {strides = array<i32>} : memref<79x128xi32, #tpu.memory_space<vmem>>, vector<1x16xi32>,
      %swap3A_99 = vector.shape_cast %swap3A_98 : vector<1x16xi32> to vector<16xi32>
      %swap3A_100 = vector.shape_cast %add3A_95 : vector<16xi32> to vector<1x16xi32>
      tpu.vector_store %arg6[%swap3A_96, %swap3A_97], %swap3A_100 {strides = array<i32>} : memref<79x128xi32, #tpu.memory_space<vmem>>, vector<1x16xi32>,
      %get3A_101 = arith.index_cast %scan3A_46 : i32 to index
      %get3A_102 = arith.constant 80 : index
      %get3A_103 = tpu.vector_load %arg6[%get3A_101, %get3A_102] {strides = array<i32>} : memref<79x128xi32, #tpu.memory_space<vmem>>, vector<1x16xi32>,
      %get3A_104 = vector.shape_cast %get3A_103 : vector<1x16xi32> to vector<16xi32>
      %add3A_105 = vector.broadcast %mul3A_26 : i32 to vector<16xi32>
      %add3A_106 = arith.addi %get3A_104, %add3A_105 : vector<16xi32>
      %swap3A_107 = arith.index_cast %scan3A_46 : i32 to index
      %swap3A_108 = arith.constant 80 : index
      %swap3A_109 = tpu.vector_load %arg6[%swap3A_107, %swap3A_108] {strides = array<i32>} : memref<79x128xi32, #tpu.memory_space<vmem>>, vector<1x16xi32>,
      %swap3A_110 = vector.shape_cast %swap3A_109 : vector<1x16xi32> to vector<16xi32>
      %swap3A_111 = vector.shape_cast %add3A_106 : vector<16xi32> to vector<1x16xi32>
      tpu.vector_store %arg6[%swap3A_107, %swap3A_108], %swap3A_111 {strides = array<i32>} : memref<79x128xi32, #tpu.memory_space<vmem>>, vector<1x16xi32>,
      %get3A_112 = arith.index_cast %scan3A_46 : i32 to index
      %get3A_113 = arith.constant 96 : index
      %get3A_114 = tpu.vector_load %arg6[%get3A_112, %get3A_113] {strides = array<i32>} : memref<79x128xi32, #tpu.memory_space<vmem>>, vector<1x16xi32>,
      %get3A_115 = vector.shape_cast %get3A_114 : vector<1x16xi32> to vector<16xi32>
      %add3A_116 = vector.broadcast %mul3A_26 : i32 to vector<16xi32>
      %add3A_117 = arith.addi %get3A_115, %add3A_116 : vector<16xi32>
      %swap3A_118 = arith.index_cast %scan3A_46 : i32 to index
      %swap3A_119 = arith.constant 96 : index
      %swap3A_120 = tpu.vector_load %arg6[%swap3A_118, %swap3A_119] {strides = array<i32>} : memref<79x128xi32, #tpu.memory_space<vmem>>, vector<1x16xi32>,
      %swap3A_121 = vector.shape_cast %swap3A_120 : vector<1x16xi32> to vector<16xi32>
      %swap3A_122 = vector.shape_cast %add3A_117 : vector<16xi32> to vector<1x16xi32>
      tpu.vector_store %arg6[%swap3A_118, %swap3A_119], %swap3A_122 {strides = array<i32>} : memref<79x128xi32, #tpu.memory_space<vmem>>, vector<1x16xi32>,
      %get3A_123 = arith.index_cast %scan3A_46 : i32 to index
      %get3A_124 = arith.constant 112 : index
      %get3A_125 = tpu.vector_load %arg6[%get3A_123, %get3A_124] {strides = array<i32>} : memref<79x128xi32, #tpu.memory_space<vmem>>, vector<1x16xi32>,
      %get3A_126 = vector.shape_cast %get3A_125 : vector<1x16xi32> to vector<16xi32>
      %add3A_127 = vector.broadcast %mul3A_26 : i32 to vector<16xi32>
      %add3A_128 = arith.addi %get3A_126, %add3A_127 : vector<16xi32>
      %swap3A_129 = arith.index_cast %scan3A_46 : i32 to index
      %swap3A_130 = arith.constant 112 : index
      %swap3A_131 = tpu.vector_load %arg6[%swap3A_129, %swap3A_130] {strides = array<i32>} : memref<79x128xi32, #tpu.memory_space<vmem>>, vector<1x16xi32>,
      %swap3A_132 = vector.shape_cast %swap3A_131 : vector<1x16xi32> to vector<16xi32>
      %swap3A_133 = vector.shape_cast %add3A_128 : vector<16xi32> to vector<1x16xi32>
      tpu.vector_store %arg6[%swap3A_129, %swap3A_130], %swap3A_133 {strides = array<i32>} : memref<79x128xi32, #tpu.memory_space<vmem>>, vector<1x16xi32>,
      %scan3A_134 = arith.constant 0 : i32
      scf.yield %scan3A_134 : i32
    }
    %scan3A_33 = arith.constant 79 : i32
    %scan3A_34 = arith.constant 0 : i32
    %scan3A_35 = arith.constant 0 : i32
    %scan3A_36 = arith.constant 79 : i32
    %scan3A_37 = arith.addi %scan3A_35, %scan3A_36 : i32
    %scan3A_38 = arith.constant 1 : i32
    %scan3A_39 = scf.for %scan3A_46 = %scan3A_35 to %scan3A_37 step %scan3A_38 iter_args(%scan3A_47 = %scan3A_34) -> (i32)  : i32 {
      %dma_start3A = arith.constant 0 : i32
      %dma_start3A_48 = tpu.memref_slice %arg6[%scan3A_46, %dma_start3A] : memref<79x128xi32, #tpu.memory_space<vmem>> -> memref<1x128xi32, #tpu.memory_space<vmem>>
      %dma_start3A_49 = tpu.memref_squeeze %dma_start3A_48 : memref<1x128xi32, #tpu.memory_space<vmem>> -> memref<128xi32, #tpu.memory_space<vmem>>
      %dma_start3A_50 = arith.constant 0 : i32
      %dma_start3A_51 = arith.constant 0 : i32
      %dma_start3A_52 = tpu.memref_slice %arg2[%dma_start3A_50, %dma_start3A_51] : memref<20480x128xf32, #tpu.memory_space<hbm>> -> memref<20480x128xf32, #tpu.memory_space<hbm>>
      tpu.enqueue_indirect_dma source(%dma_start3A_52 : memref<20480x128xf32, #tpu.memory_space<hbm>>) target(%arg8 : memref<128x128xf32, #tpu.memory_space<vmem>>) offsets(%dma_start3A_49 : memref<128xi32, #tpu.memory_space<vmem>>) semaphore(%arg10 : memref<!tpu.dma_semaphore, #tpu.memory_space<semaphore_mem>>)
      %dma_wait3A = arith.constant 0 : i32
      %dma_wait3A_53 = tpu.memref_slice %arg6[%scan3A_46, %dma_wait3A] : memref<79x128xi32, #tpu.memory_space<vmem>> -> memref<1x128xi32, #tpu.memory_space<vmem>>
      %dma_wait3A_54 = tpu.memref_squeeze %dma_wait3A_53 : memref<1x128xi32, #tpu.memory_space<vmem>> -> memref<128xi32, #tpu.memory_space<vmem>>
      %dma_wait3A_55 = arith.constant 0 : i32
      %dma_wait3A_56 = arith.constant 0 : i32
      %dma_wait3A_57 = tpu.memref_slice %arg2[%dma_wait3A_55, %dma_wait3A_56] : memref<20480x128xf32, #tpu.memory_space<hbm>> -> memref<20480x128xf32, #tpu.memory_space<hbm>>
      tpu.wait_indirect_dma semaphore(%arg10 : memref<!tpu.dma_semaphore, #tpu.memory_space<semaphore_mem>>) src(%dma_wait3A_57 : memref<20480x128xf32, #tpu.memory_space<hbm>>) dst(%arg8 : memref<128x128xf32, #tpu.memory_space<vmem>>)
      "tpu.region"() ({
        %run_scoped3A = tpu.sem_alloc : memref<!tpu.dma_semaphore, #tpu.memory_space<semaphore_mem>>
        %dma_start3A_59 = arith.constant 0 : i32
        %dma_start3A_60 = tpu.memref_slice %arg7[%scan3A_46, %dma_start3A_59] : memref<79x128xi32, #tpu.memory_space<vmem>> -> memref<1x128xi32, #tpu.memory_space<vmem>>
        %dma_start3A_61 = tpu.memref_squeeze %dma_start3A_60 : memref<1x128xi32, #tpu.memory_space<vmem>> -> memref<128xi32, #tpu.memory_space<vmem>>
        %dma_start3A_62 = arith.constant 0 : i32
        %dma_start3A_63 = arith.constant 0 : i32
        %dma_start3A_64 = tpu.memref_slice %arg9[%dma_start3A_62, %dma_start3A_63] : memref<10240x128xf32, #tpu.memory_space<vmem_shared>> -> memref<10240x128xf32, #tpu.memory_space<vmem_shared>>
        tpu.enqueue_indirect_dma source(%arg8 : memref<128x128xf32, #tpu.memory_space<vmem>>) target(%dma_start3A_64 : memref<10240x128xf32, #tpu.memory_space<vmem_shared>>) offsets(%dma_start3A_61 : memref<128xi32, #tpu.memory_space<vmem>>) semaphore(%run_scoped3A : memref<!tpu.dma_semaphore, #tpu.memory_space<semaphore_mem>>) {add = true}
        %dma_wait3A_65 = arith.constant 0 : i32
        %dma_wait3A_66 = tpu.memref_slice %arg7[%scan3A_46, %dma_wait3A_65] : memref<79x128xi32, #tpu.memory_space<vmem>> -> memref<1x128xi32, #tpu.memory_space<vmem>>
        %dma_wait3A_67 = tpu.memref_squeeze %dma_wait3A_66 : memref<1x128xi32, #tpu.memory_space<vmem>> -> memref<128xi32, #tpu.memory_space<vmem>>
        %dma_wait3A_68 = arith.constant 0 : i32
        %dma_wait3A_69 = arith.constant 0 : i32
        %dma_wait3A_70 = tpu.memref_slice %arg9[%dma_wait3A_68, %dma_wait3A_69] : memref<10240x128xf32, #tpu.memory_space<vmem_shared>> -> memref<10240x128xf32, #tpu.memory_space<vmem_shared>>
        tpu.wait_indirect_dma semaphore(%run_scoped3A : memref<!tpu.dma_semaphore, #tpu.memory_space<semaphore_mem>>) src(%arg8 : memref<128x128xf32, #tpu.memory_space<vmem>>) dst(%dma_wait3A_70 : memref<10240x128xf32, #tpu.memory_space<vmem_shared>>)
        tpu.yield
      }) : () -> ()
      %scan3A_58 = arith.constant 0 : i32
      scf.yield %scan3A_58 : i32
    }
    %scan3A_40 = arith.constant 79 : i32
    %barrier3A_41 = arith.constant 0 : index
    tpu.barrier barrier_id(%barrier3A_41)
    %mul3A_42 = arith.constant 640 : i32
    %mul3A_43 = arith.muli %arg1, %mul3A_42 : i32
    %mul3A_44 = arith.constant 640 : i32
    %mul3A_45 = arith.muli %arg1, %mul3A_44 : i32
    "tpu.region"() ({
      %run_scoped3A = tpu.sem_alloc : memref<!tpu.dma_semaphore, #tpu.memory_space<semaphore_mem>>
      %dma_start3A = arith.constant 0 : i32
      %dma_start3A_46 = tpu.memref_slice %arg5[%arg0, %mul3A_45, %dma_start3A] : memref<2x10240x128xf32, #tpu.memory_space<hbm>> -> memref<1x640x128xf32, #tpu.memory_space<hbm>>
      %dma_start3A_47 = tpu.memref_squeeze %dma_start3A_46 : memref<1x640x128xf32, #tpu.memory_space<hbm>> -> memref<640x128xf32, #tpu.memory_space<hbm>>
      %dma_start3A_48 = arith.constant 0 : i32
      %dma_start3A_49 = tpu.memref_slice %arg9[%mul3A_43, %dma_start3A_48] : memref<10240x128xf32, #tpu.memory_space<vmem_shared>> -> memref<640x128xf32, #tpu.memory_space<vmem_shared>>
      tpu.enqueue_dma source(%dma_start3A_49 : memref<640x128xf32, #tpu.memory_space<vmem_shared>>) target(%dma_start3A_47 : memref<640x128xf32, #tpu.memory_space<hbm>>) target_semaphore(%run_scoped3A : memref<!tpu.dma_semaphore, #tpu.memory_space<semaphore_mem>>)
      %dma_wait3A = arith.constant 0 : i32
      %dma_wait3A_50 = tpu.memref_slice %arg5[%arg0, %mul3A_45, %dma_wait3A] : memref<2x10240x128xf32, #tpu.memory_space<hbm>> -> memref<1x640x128xf32, #tpu.memory_space<hbm>>
      %dma_wait3A_51 = tpu.memref_squeeze %dma_wait3A_50 : memref<1x640x128xf32, #tpu.memory_space<hbm>> -> memref<640x128xf32, #tpu.memory_space<hbm>>
      %dma_wait3A_52 = arith.constant 0 : i32
      %dma_wait3A_53 = tpu.memref_slice %arg9[%mul3A_43, %dma_wait3A_52] : memref<10240x128xf32, #tpu.memory_space<vmem_shared>> -> memref<640x128xf32, #tpu.memory_space<vmem_shared>>
      tpu.wait_dma2 semaphore(%run_scoped3A : memref<!tpu.dma_semaphore, #tpu.memory_space<semaphore_mem>>) src(%dma_wait3A_53 : memref<640x128xf32, #tpu.memory_space<vmem_shared>>) dst(%dma_wait3A_51 : memref<640x128xf32, #tpu.memory_space<hbm>>)
      tpu.yield
    }) : () -> ()
    return
  }
}

#map = affine_map<(d0, d1) -> (0, 0)>
#map1 = affine_map<(d0, d1) -> (0, 0, 0)>
module attributes {stable_mosaic.version = 14 : i64} {
  func.func @_agg_body(%arg0: i32, %arg1: i32, %arg2: memref<20480x128xf32, #tpu.memory_space<hbm>>, %arg3: memref<16x79x128xi32, #tpu.memory_space<hbm>>, %arg4: memref<16x79x128xi32, #tpu.memory_space<hbm>>, %arg5: memref<2x10240x128xf32, #tpu.memory_space<hbm>>, %arg6: memref<79x128xi32, #tpu.memory_space<vmem>>, %arg7: memref<79x128xi32, #tpu.memory_space<vmem>>, %arg8: memref<128x128xf32, #tpu.memory_space<vmem>>, %arg9: memref<10240x128xf32, #tpu.memory_space<vmem_shared>>, %arg10: memref<!tpu.dma_semaphore, #tpu.memory_space<semaphore_mem>>) attributes {dimension_semantics = [#tpu.dimension_semantics<core_parallel>, #tpu.dimension_semantics<subcore_parallel>], iteration_bounds = array<i64: 2, 16>, scalar_prefetch = 0 : i64, scratch_operands = 5 : i64, tpu.core_type = #tpu.core_type<sc_vector_subcore>, window_params = [{transform_indices = #map}, {transform_indices = #map1}, {transform_indices = #map1}, {transform_indices = #map1}]} {
    %broadcast_in_dim3A = arith.constant 0.000000e+00 : f32
    %broadcast_in_dim3A_0 = vector.broadcast %broadcast_in_dim3A : f32 to vector<16xf32>
    %scan3A = arith.constant 0 : i32
    %scan3A_1 = arith.constant 0 : i32
    %scan3A_2 = arith.constant 128 : i32
    %scan3A_3 = arith.addi %scan3A_1, %scan3A_2 : i32
    %scan3A_4 = arith.constant 1 : i32
    %scan3A_5 = scf.for %scan3A_46 = %scan3A_1 to %scan3A_3 step %scan3A_4 iter_args(%scan3A_47 = %scan3A) -> (i32)  : i32 {
      %swap3A = arith.index_cast %scan3A_46 : i32 to index
      %swap3A_48 = arith.constant 0 : index
      %swap3A_49 = tpu.vector_load %arg8[%swap3A, %swap3A_48] {strides = array<i32>} : memref<128x128xf32, #tpu.memory_space<vmem>>, vector<1x16xf32>,
      %swap3A_50 = vector.shape_cast %swap3A_49 : vector<1x16xf32> to vector<16xf32>
      %swap3A_51 = vector.shape_cast %broadcast_in_dim3A_0 : vector<16xf32> to vector<1x16xf32>
      tpu.vector_store %arg8[%swap3A, %swap3A_48], %swap3A_51 {strides = array<i32>} : memref<128x128xf32, #tpu.memory_space<vmem>>, vector<1x16xf32>,
      %swap3A_52 = arith.index_cast %scan3A_46 : i32 to index
      %swap3A_53 = arith.constant 16 : index
      %swap3A_54 = tpu.vector_load %arg8[%swap3A_52, %swap3A_53] {strides = array<i32>} : memref<128x128xf32, #tpu.memory_space<vmem>>, vector<1x16xf32>,
      %swap3A_55 = vector.shape_cast %swap3A_54 : vector<1x16xf32> to vector<16xf32>
      %swap3A_56 = vector.shape_cast %broadcast_in_dim3A_0 : vector<16xf32> to vector<1x16xf32>
      tpu.vector_store %arg8[%swap3A_52, %swap3A_53], %swap3A_56 {strides = array<i32>} : memref<128x128xf32, #tpu.memory_space<vmem>>, vector<1x16xf32>,
      %swap3A_57 = arith.index_cast %scan3A_46 : i32 to index
      %swap3A_58 = arith.constant 32 : index
      %swap3A_59 = tpu.vector_load %arg8[%swap3A_57, %swap3A_58] {strides = array<i32>} : memref<128x128xf32, #tpu.memory_space<vmem>>, vector<1x16xf32>,
      %swap3A_60 = vector.shape_cast %swap3A_59 : vector<1x16xf32> to vector<16xf32>
      %swap3A_61 = vector.shape_cast %broadcast_in_dim3A_0 : vector<16xf32> to vector<1x16xf32>
      tpu.vector_store %arg8[%swap3A_57, %swap3A_58], %swap3A_61 {strides = array<i32>} : memref<128x128xf32, #tpu.memory_space<vmem>>, vector<1x16xf32>,
      %swap3A_62 = arith.index_cast %scan3A_46 : i32 to index
      %swap3A_63 = arith.constant 48 : index
      %swap3A_64 = tpu.vector_load %arg8[%swap3A_62, %swap3A_63] {strides = array<i32>} : memref<128x128xf32, #tpu.memory_space<vmem>>, vector<1x16xf32>,
      %swap3A_65 = vector.shape_cast %swap3A_64 : vector<1x16xf32> to vector<16xf32>
      %swap3A_66 = vector.shape_cast %broadcast_in_dim3A_0 : vector<16xf32> to vector<1x16xf32>
      tpu.vector_store %arg8[%swap3A_62, %swap3A_63], %swap3A_66 {strides = array<i32>} : memref<128x128xf32, #tpu.memory_space<vmem>>, vector<1x16xf32>,
      %swap3A_67 = arith.index_cast %scan3A_46 : i32 to index
      %swap3A_68 = arith.constant 64 : index
      %swap3A_69 = tpu.vector_load %arg8[%swap3A_67, %swap3A_68] {strides = array<i32>} : memref<128x128xf32, #tpu.memory_space<vmem>>, vector<1x16xf32>,
      %swap3A_70 = vector.shape_cast %swap3A_69 : vector<1x16xf32> to vector<16xf32>
      %swap3A_71 = vector.shape_cast %broadcast_in_dim3A_0 : vector<16xf32> to vector<1x16xf32>
      tpu.vector_store %arg8[%swap3A_67, %swap3A_68], %swap3A_71 {strides = array<i32>} : memref<128x128xf32, #tpu.memory_space<vmem>>, vector<1x16xf32>,
      %swap3A_72 = arith.index_cast %scan3A_46 : i32 to index
      %swap3A_73 = arith.constant 80 : index
      %swap3A_74 = tpu.vector_load %arg8[%swap3A_72, %swap3A_73] {strides = array<i32>} : memref<128x128xf32, #tpu.memory_space<vmem>>, vector<1x16xf32>,
      %swap3A_75 = vector.shape_cast %swap3A_74 : vector<1x16xf32> to vector<16xf32>
      %swap3A_76 = vector.shape_cast %broadcast_in_dim3A_0 : vector<16xf32> to vector<1x16xf32>
      tpu.vector_store %arg8[%swap3A_72, %swap3A_73], %swap3A_76 {strides = array<i32>} : memref<128x128xf32, #tpu.memory_space<vmem>>, vector<1x16xf32>,
      %swap3A_77 = arith.index_cast %scan3A_46 : i32 to index
      %swap3A_78 = arith.constant 96 : index
      %swap3A_79 = tpu.vector_load %arg8[%swap3A_77, %swap3A_78] {strides = array<i32>} : memref<128x128xf32, #tpu.memory_space<vmem>>, vector<1x16xf32>,
      %swap3A_80 = vector.shape_cast %swap3A_79 : vector<1x16xf32> to vector<16xf32>
      %swap3A_81 = vector.shape_cast %broadcast_in_dim3A_0 : vector<16xf32> to vector<1x16xf32>
      tpu.vector_store %arg8[%swap3A_77, %swap3A_78], %swap3A_81 {strides = array<i32>} : memref<128x128xf32, #tpu.memory_space<vmem>>, vector<1x16xf32>,
      %swap3A_82 = arith.index_cast %scan3A_46 : i32 to index
      %swap3A_83 = arith.constant 112 : index
      %swap3A_84 = tpu.vector_load %arg8[%swap3A_82, %swap3A_83] {strides = array<i32>} : memref<128x128xf32, #tpu.memory_space<vmem>>, vector<1x16xf32>,
      %swap3A_85 = vector.shape_cast %swap3A_84 : vector<1x16xf32> to vector<16xf32>
      %swap3A_86 = vector.shape_cast %broadcast_in_dim3A_0 : vector<16xf32> to vector<1x16xf32>
      tpu.vector_store %arg8[%swap3A_82, %swap3A_83], %swap3A_86 {strides = array<i32>} : memref<128x128xf32, #tpu.memory_space<vmem>>, vector<1x16xf32>,
      %scan3A_87 = arith.constant 0 : i32
      scf.yield %scan3A_87 : i32
    }
    %scan3A_6 = arith.constant 128 : i32
    %mul3A = arith.constant 640 : i32
    %mul3A_7 = arith.muli %arg1, %mul3A : i32
    %add3A = arith.constant 0 : i32
    %add3A_8 = arith.addi %mul3A_7, %add3A : i32
    "tpu.region"() ({
      %run_scoped3A = tpu.sem_alloc : memref<!tpu.dma_semaphore, #tpu.memory_space<semaphore_mem>>
      %dma_start3A = arith.constant 0 : i32
      %dma_start3A_46 = tpu.memref_slice %arg9[%add3A_8, %dma_start3A] : memref<10240x128xf32, #tpu.memory_space<vmem_shared>> -> memref<128x128xf32, #tpu.memory_space<vmem_shared>>
      %dma_start3A_47 = arith.constant 0 : i32
      %dma_start3A_48 = tpu.memref_slice %arg9[%add3A_8, %dma_start3A_47] : memref<10240x128xf32, #tpu.memory_space<vmem_shared>> -> memref<128x128xf32, #tpu.memory_space<vmem_shared>>
      tpu.enqueue_dma source(%arg8 : memref<128x128xf32, #tpu.memory_space<vmem>>) target(%dma_start3A_48 : memref<128x128xf32, #tpu.memory_space<vmem_shared>>) target_semaphore(%run_scoped3A : memref<!tpu.dma_semaphore, #tpu.memory_space<semaphore_mem>>)
      %dma_wait3A = arith.constant 0 : i32
      %dma_wait3A_49 = tpu.memref_slice %arg9[%add3A_8, %dma_wait3A] : memref<10240x128xf32, #tpu.memory_space<vmem_shared>> -> memref<128x128xf32, #tpu.memory_space<vmem_shared>>
      %dma_wait3A_50 = arith.constant 0 : i32
      %dma_wait3A_51 = tpu.memref_slice %arg9[%add3A_8, %dma_wait3A_50] : memref<10240x128xf32, #tpu.memory_space<vmem_shared>> -> memref<128x128xf32, #tpu.memory_space<vmem_shared>>
      tpu.wait_dma2 semaphore(%run_scoped3A : memref<!tpu.dma_semaphore, #tpu.memory_space<semaphore_mem>>) src(%arg8 : memref<128x128xf32, #tpu.memory_space<vmem>>) dst(%dma_wait3A_51 : memref<128x128xf32, #tpu.memory_space<vmem_shared>>)
      tpu.yield
    }) : () -> ()
    %mul3A_9 = arith.constant 640 : i32
    %mul3A_10 = arith.muli %arg1, %mul3A_9 : i32
    %add3A_11 = arith.constant 128 : i32
    %add3A_12 = arith.addi %mul3A_10, %add3A_11 : i32
    "tpu.region"() ({
      %run_scoped3A = tpu.sem_alloc : memref<!tpu.dma_semaphore, #tpu.memory_space<semaphore_mem>>
      %dma_start3A = arith.constant 0 : i32
      %dma_start3A_46 = tpu.memref_slice %arg9[%add3A_12, %dma_start3A] : memref<10240x128xf32, #tpu.memory_space<vmem_shared>> -> memref<128x128xf32, #tpu.memory_space<vmem_shared>>
      %dma_start3A_47 = arith.constant 0 : i32
      %dma_start3A_48 = tpu.memref_slice %arg9[%add3A_12, %dma_start3A_47] : memref<10240x128xf32, #tpu.memory_space<vmem_shared>> -> memref<128x128xf32, #tpu.memory_space<vmem_shared>>
      tpu.enqueue_dma source(%arg8 : memref<128x128xf32, #tpu.memory_space<vmem>>) target(%dma_start3A_48 : memref<128x128xf32, #tpu.memory_space<vmem_shared>>) target_semaphore(%run_scoped3A : memref<!tpu.dma_semaphore, #tpu.memory_space<semaphore_mem>>)
      %dma_wait3A = arith.constant 0 : i32
      %dma_wait3A_49 = tpu.memref_slice %arg9[%add3A_12, %dma_wait3A] : memref<10240x128xf32, #tpu.memory_space<vmem_shared>> -> memref<128x128xf32, #tpu.memory_space<vmem_shared>>
      %dma_wait3A_50 = arith.constant 0 : i32
      %dma_wait3A_51 = tpu.memref_slice %arg9[%add3A_12, %dma_wait3A_50] : memref<10240x128xf32, #tpu.memory_space<vmem_shared>> -> memref<128x128xf32, #tpu.memory_space<vmem_shared>>
      tpu.wait_dma2 semaphore(%run_scoped3A : memref<!tpu.dma_semaphore, #tpu.memory_space<semaphore_mem>>) src(%arg8 : memref<128x128xf32, #tpu.memory_space<vmem>>) dst(%dma_wait3A_51 : memref<128x128xf32, #tpu.memory_space<vmem_shared>>)
      tpu.yield
    }) : () -> ()
    %mul3A_13 = arith.constant 640 : i32
    %mul3A_14 = arith.muli %arg1, %mul3A_13 : i32
    %add3A_15 = arith.constant 256 : i32
    %add3A_16 = arith.addi %mul3A_14, %add3A_15 : i32
    "tpu.region"() ({
      %run_scoped3A = tpu.sem_alloc : memref<!tpu.dma_semaphore, #tpu.memory_space<semaphore_mem>>
      %dma_start3A = arith.constant 0 : i32
      %dma_start3A_46 = tpu.memref_slice %arg9[%add3A_16, %dma_start3A] : memref<10240x128xf32, #tpu.memory_space<vmem_shared>> -> memref<128x128xf32, #tpu.memory_space<vmem_shared>>
      %dma_start3A_47 = arith.constant 0 : i32
      %dma_start3A_48 = tpu.memref_slice %arg9[%add3A_16, %dma_start3A_47] : memref<10240x128xf32, #tpu.memory_space<vmem_shared>> -> memref<128x128xf32, #tpu.memory_space<vmem_shared>>
      tpu.enqueue_dma source(%arg8 : memref<128x128xf32, #tpu.memory_space<vmem>>) target(%dma_start3A_48 : memref<128x128xf32, #tpu.memory_space<vmem_shared>>) target_semaphore(%run_scoped3A : memref<!tpu.dma_semaphore, #tpu.memory_space<semaphore_mem>>)
      %dma_wait3A = arith.constant 0 : i32
      %dma_wait3A_49 = tpu.memref_slice %arg9[%add3A_16, %dma_wait3A] : memref<10240x128xf32, #tpu.memory_space<vmem_shared>> -> memref<128x128xf32, #tpu.memory_space<vmem_shared>>
      %dma_wait3A_50 = arith.constant 0 : i32
      %dma_wait3A_51 = tpu.memref_slice %arg9[%add3A_16, %dma_wait3A_50] : memref<10240x128xf32, #tpu.memory_space<vmem_shared>> -> memref<128x128xf32, #tpu.memory_space<vmem_shared>>
      tpu.wait_dma2 semaphore(%run_scoped3A : memref<!tpu.dma_semaphore, #tpu.memory_space<semaphore_mem>>) src(%arg8 : memref<128x128xf32, #tpu.memory_space<vmem>>) dst(%dma_wait3A_51 : memref<128x128xf32, #tpu.memory_space<vmem_shared>>)
      tpu.yield
    }) : () -> ()
    %mul3A_17 = arith.constant 640 : i32
    %mul3A_18 = arith.muli %arg1, %mul3A_17 : i32
    %add3A_19 = arith.constant 384 : i32
    %add3A_20 = arith.addi %mul3A_18, %add3A_19 : i32
    "tpu.region"() ({
      %run_scoped3A = tpu.sem_alloc : memref<!tpu.dma_semaphore, #tpu.memory_space<semaphore_mem>>
      %dma_start3A = arith.constant 0 : i32
      %dma_start3A_46 = tpu.memref_slice %arg9[%add3A_20, %dma_start3A] : memref<10240x128xf32, #tpu.memory_space<vmem_shared>> -> memref<128x128xf32, #tpu.memory_space<vmem_shared>>
      %dma_start3A_47 = arith.constant 0 : i32
      %dma_start3A_48 = tpu.memref_slice %arg9[%add3A_20, %dma_start3A_47] : memref<10240x128xf32, #tpu.memory_space<vmem_shared>> -> memref<128x128xf32, #tpu.memory_space<vmem_shared>>
      tpu.enqueue_dma source(%arg8 : memref<128x128xf32, #tpu.memory_space<vmem>>) target(%dma_start3A_48 : memref<128x128xf32, #tpu.memory_space<vmem_shared>>) target_semaphore(%run_scoped3A : memref<!tpu.dma_semaphore, #tpu.memory_space<semaphore_mem>>)
      %dma_wait3A = arith.constant 0 : i32
      %dma_wait3A_49 = tpu.memref_slice %arg9[%add3A_20, %dma_wait3A] : memref<10240x128xf32, #tpu.memory_space<vmem_shared>> -> memref<128x128xf32, #tpu.memory_space<vmem_shared>>
      %dma_wait3A_50 = arith.constant 0 : i32
      %dma_wait3A_51 = tpu.memref_slice %arg9[%add3A_20, %dma_wait3A_50] : memref<10240x128xf32, #tpu.memory_space<vmem_shared>> -> memref<128x128xf32, #tpu.memory_space<vmem_shared>>
      tpu.wait_dma2 semaphore(%run_scoped3A : memref<!tpu.dma_semaphore, #tpu.memory_space<semaphore_mem>>) src(%arg8 : memref<128x128xf32, #tpu.memory_space<vmem>>) dst(%dma_wait3A_51 : memref<128x128xf32, #tpu.memory_space<vmem_shared>>)
      tpu.yield
    }) : () -> ()
    %mul3A_21 = arith.constant 640 : i32
    %mul3A_22 = arith.muli %arg1, %mul3A_21 : i32
    %add3A_23 = arith.constant 512 : i32
    %add3A_24 = arith.addi %mul3A_22, %add3A_23 : i32
    "tpu.region"() ({
      %run_scoped3A = tpu.sem_alloc : memref<!tpu.dma_semaphore, #tpu.memory_space<semaphore_mem>>
      %dma_start3A = arith.constant 0 : i32
      %dma_start3A_46 = tpu.memref_slice %arg9[%add3A_24, %dma_start3A] : memref<10240x128xf32, #tpu.memory_space<vmem_shared>> -> memref<128x128xf32, #tpu.memory_space<vmem_shared>>
      %dma_start3A_47 = arith.constant 0 : i32
      %dma_start3A_48 = tpu.memref_slice %arg9[%add3A_24, %dma_start3A_47] : memref<10240x128xf32, #tpu.memory_space<vmem_shared>> -> memref<128x128xf32, #tpu.memory_space<vmem_shared>>
      tpu.enqueue_dma source(%arg8 : memref<128x128xf32, #tpu.memory_space<vmem>>) target(%dma_start3A_48 : memref<128x128xf32, #tpu.memory_space<vmem_shared>>) target_semaphore(%run_scoped3A : memref<!tpu.dma_semaphore, #tpu.memory_space<semaphore_mem>>)
      %dma_wait3A = arith.constant 0 : i32
      %dma_wait3A_49 = tpu.memref_slice %arg9[%add3A_24, %dma_wait3A] : memref<10240x128xf32, #tpu.memory_space<vmem_shared>> -> memref<128x128xf32, #tpu.memory_space<vmem_shared>>
      %dma_wait3A_50 = arith.constant 0 : i32
      %dma_wait3A_51 = tpu.memref_slice %arg9[%add3A_24, %dma_wait3A_50] : memref<10240x128xf32, #tpu.memory_space<vmem_shared>> -> memref<128x128xf32, #tpu.memory_space<vmem_shared>>
      tpu.wait_dma2 semaphore(%run_scoped3A : memref<!tpu.dma_semaphore, #tpu.memory_space<semaphore_mem>>) src(%arg8 : memref<128x128xf32, #tpu.memory_space<vmem>>) dst(%dma_wait3A_51 : memref<128x128xf32, #tpu.memory_space<vmem_shared>>)
      tpu.yield
    }) : () -> ()
    %barrier3A = arith.constant 0 : index
    tpu.barrier barrier_id(%barrier3A)
    "tpu.region"() ({
      %run_scoped3A = tpu.sem_alloc : memref<!tpu.dma_semaphore, #tpu.memory_space<semaphore_mem>>
      %dma_start3A = arith.constant 0 : i32
      %dma_start3A_46 = arith.constant 0 : i32
      %dma_start3A_47 = tpu.memref_slice %arg3[%arg1, %dma_start3A, %dma_start3A_46] : memref<16x79x128xi32, #tpu.memory_space<hbm>> -> memref<1x79x128xi32, #tpu.memory_space<hbm>>
      %dma_start3A_48 = tpu.memref_squeeze %dma_start3A_47 : memref<1x79x128xi32, #tpu.memory_space<hbm>> -> memref<79x128xi32, #tpu.memory_space<hbm>>
      %dma_start3A_49 = arith.constant 0 : i32
      %dma_start3A_50 = arith.constant 0 : i32
      %dma_start3A_51 = tpu.memref_slice %arg3[%arg1, %dma_start3A_49, %dma_start3A_50] : memref<16x79x128xi32, #tpu.memory_space<hbm>> -> memref<1x79x128xi32, #tpu.memory_space<hbm>>
      %dma_start3A_52 = tpu.memref_squeeze %dma_start3A_51 : memref<1x79x128xi32, #tpu.memory_space<hbm>> -> memref<79x128xi32, #tpu.memory_space<hbm>>
      tpu.enqueue_dma source(%dma_start3A_52 : memref<79x128xi32, #tpu.memory_space<hbm>>) target(%arg6 : memref<79x128xi32, #tpu.memory_space<vmem>>) target_semaphore(%run_scoped3A : memref<!tpu.dma_semaphore, #tpu.memory_space<semaphore_mem>>)
      %dma_wait3A = arith.constant 0 : i32
      %dma_wait3A_53 = arith.constant 0 : i32
      %dma_wait3A_54 = tpu.memref_slice %arg3[%arg1, %dma_wait3A, %dma_wait3A_53] : memref<16x79x128xi32, #tpu.memory_space<hbm>> -> memref<1x79x128xi32, #tpu.memory_space<hbm>>
      %dma_wait3A_55 = tpu.memref_squeeze %dma_wait3A_54 : memref<1x79x128xi32, #tpu.memory_space<hbm>> -> memref<79x128xi32, #tpu.memory_space<hbm>>
      %dma_wait3A_56 = arith.constant 0 : i32
      %dma_wait3A_57 = arith.constant 0 : i32
      %dma_wait3A_58 = tpu.memref_slice %arg3[%arg1, %dma_wait3A_56, %dma_wait3A_57] : memref<16x79x128xi32, #tpu.memory_space<hbm>> -> memref<1x79x128xi32, #tpu.memory_space<hbm>>
      %dma_wait3A_59 = tpu.memref_squeeze %dma_wait3A_58 : memref<1x79x128xi32, #tpu.memory_space<hbm>> -> memref<79x128xi32, #tpu.memory_space<hbm>>
      tpu.wait_dma2 semaphore(%run_scoped3A : memref<!tpu.dma_semaphore, #tpu.memory_space<semaphore_mem>>) src(%dma_wait3A_59 : memref<79x128xi32, #tpu.memory_space<hbm>>) dst(%arg6 : memref<79x128xi32, #tpu.memory_space<vmem>>)
      tpu.yield
    }) : () -> ()
    "tpu.region"() ({
      %run_scoped3A = tpu.sem_alloc : memref<!tpu.dma_semaphore, #tpu.memory_space<semaphore_mem>>
      %dma_start3A = arith.constant 0 : i32
      %dma_start3A_46 = arith.constant 0 : i32
      %dma_start3A_47 = tpu.memref_slice %arg4[%arg1, %dma_start3A, %dma_start3A_46] : memref<16x79x128xi32, #tpu.memory_space<hbm>> -> memref<1x79x128xi32, #tpu.memory_space<hbm>>
      %dma_start3A_48 = tpu.memref_squeeze %dma_start3A_47 : memref<1x79x128xi32, #tpu.memory_space<hbm>> -> memref<79x128xi32, #tpu.memory_space<hbm>>
      %dma_start3A_49 = arith.constant 0 : i32
      %dma_start3A_50 = arith.constant 0 : i32
      %dma_start3A_51 = tpu.memref_slice %arg4[%arg1, %dma_start3A_49, %dma_start3A_50] : memref<16x79x128xi32, #tpu.memory_space<hbm>> -> memref<1x79x128xi32, #tpu.memory_space<hbm>>
      %dma_start3A_52 = tpu.memref_squeeze %dma_start3A_51 : memref<1x79x128xi32, #tpu.memory_space<hbm>> -> memref<79x128xi32, #tpu.memory_space<hbm>>
      tpu.enqueue_dma source(%dma_start3A_52 : memref<79x128xi32, #tpu.memory_space<hbm>>) target(%arg7 : memref<79x128xi32, #tpu.memory_space<vmem>>) target_semaphore(%run_scoped3A : memref<!tpu.dma_semaphore, #tpu.memory_space<semaphore_mem>>)
      %dma_wait3A = arith.constant 0 : i32
      %dma_wait3A_53 = arith.constant 0 : i32
      %dma_wait3A_54 = tpu.memref_slice %arg4[%arg1, %dma_wait3A, %dma_wait3A_53] : memref<16x79x128xi32, #tpu.memory_space<hbm>> -> memref<1x79x128xi32, #tpu.memory_space<hbm>>
      %dma_wait3A_55 = tpu.memref_squeeze %dma_wait3A_54 : memref<1x79x128xi32, #tpu.memory_space<hbm>> -> memref<79x128xi32, #tpu.memory_space<hbm>>
      %dma_wait3A_56 = arith.constant 0 : i32
      %dma_wait3A_57 = arith.constant 0 : i32
      %dma_wait3A_58 = tpu.memref_slice %arg4[%arg1, %dma_wait3A_56, %dma_wait3A_57] : memref<16x79x128xi32, #tpu.memory_space<hbm>> -> memref<1x79x128xi32, #tpu.memory_space<hbm>>
      %dma_wait3A_59 = tpu.memref_squeeze %dma_wait3A_58 : memref<1x79x128xi32, #tpu.memory_space<hbm>> -> memref<79x128xi32, #tpu.memory_space<hbm>>
      tpu.wait_dma2 semaphore(%run_scoped3A : memref<!tpu.dma_semaphore, #tpu.memory_space<semaphore_mem>>) src(%dma_wait3A_59 : memref<79x128xi32, #tpu.memory_space<hbm>>) dst(%arg7 : memref<79x128xi32, #tpu.memory_space<vmem>>)
      tpu.yield
    }) : () -> ()
    %mul3A_25 = arith.constant 10240 : i32
    %mul3A_26 = arith.muli %arg0, %mul3A_25 : i32
    %scan3A_27 = arith.constant 0 : i32
    %scan3A_28 = arith.constant 0 : i32
    %scan3A_29 = arith.constant 79 : i32
    %scan3A_30 = arith.addi %scan3A_28, %scan3A_29 : i32
    %scan3A_31 = arith.constant 1 : i32
    %scan3A_32 = scf.for %scan3A_46 = %scan3A_28 to %scan3A_30 step %scan3A_31 iter_args(%scan3A_47 = %scan3A_27) -> (i32)  : i32 {
      %get3A = arith.index_cast %scan3A_46 : i32 to index
      %get3A_48 = arith.constant 0 : index
      %get3A_49 = tpu.vector_load %arg6[%get3A, %get3A_48] {strides = array<i32>} : memref<79x128xi32, #tpu.memory_space<vmem>>, vector<1x16xi32>,
      %get3A_50 = vector.shape_cast %get3A_49 : vector<1x16xi32> to vector<16xi32>
      %add3A_51 = vector.broadcast %mul3A_26 : i32 to vector<16xi32>
      %add3A_52 = arith.addi %get3A_50, %add3A_51 : vector<16xi32>
      %swap3A = arith.index_cast %scan3A_46 : i32 to index
      %swap3A_53 = arith.constant 0 : index
      %swap3A_54 = tpu.vector_load %arg6[%swap3A, %swap3A_53] {strides = array<i32>} : memref<79x128xi32, #tpu.memory_space<vmem>>, vector<1x16xi32>,
      %swap3A_55 = vector.shape_cast %swap3A_54 : vector<1x16xi32> to vector<16xi32>
      %swap3A_56 = vector.shape_cast %add3A_52 : vector<16xi32> to vector<1x16xi32>
      tpu.vector_store %arg6[%swap3A, %swap3A_53], %swap3A_56 {strides = array<i32>} : memref<79x128xi32, #tpu.memory_space<vmem>>, vector<1x16xi32>,
      %get3A_57 = arith.index_cast %scan3A_46 : i32 to index
      %get3A_58 = arith.constant 16 : index
      %get3A_59 = tpu.vector_load %arg6[%get3A_57, %get3A_58] {strides = array<i32>} : memref<79x128xi32, #tpu.memory_space<vmem>>, vector<1x16xi32>,
      %get3A_60 = vector.shape_cast %get3A_59 : vector<1x16xi32> to vector<16xi32>
      %add3A_61 = vector.broadcast %mul3A_26 : i32 to vector<16xi32>
      %add3A_62 = arith.addi %get3A_60, %add3A_61 : vector<16xi32>
      %swap3A_63 = arith.index_cast %scan3A_46 : i32 to index
      %swap3A_64 = arith.constant 16 : index
      %swap3A_65 = tpu.vector_load %arg6[%swap3A_63, %swap3A_64] {strides = array<i32>} : memref<79x128xi32, #tpu.memory_space<vmem>>, vector<1x16xi32>,
      %swap3A_66 = vector.shape_cast %swap3A_65 : vector<1x16xi32> to vector<16xi32>
      %swap3A_67 = vector.shape_cast %add3A_62 : vector<16xi32> to vector<1x16xi32>
      tpu.vector_store %arg6[%swap3A_63, %swap3A_64], %swap3A_67 {strides = array<i32>} : memref<79x128xi32, #tpu.memory_space<vmem>>, vector<1x16xi32>,
      %get3A_68 = arith.index_cast %scan3A_46 : i32 to index
      %get3A_69 = arith.constant 32 : index
      %get3A_70 = tpu.vector_load %arg6[%get3A_68, %get3A_69] {strides = array<i32>} : memref<79x128xi32, #tpu.memory_space<vmem>>, vector<1x16xi32>,
      %get3A_71 = vector.shape_cast %get3A_70 : vector<1x16xi32> to vector<16xi32>
      %add3A_72 = vector.broadcast %mul3A_26 : i32 to vector<16xi32>
      %add3A_73 = arith.addi %get3A_71, %add3A_72 : vector<16xi32>
      %swap3A_74 = arith.index_cast %scan3A_46 : i32 to index
      %swap3A_75 = arith.constant 32 : index
      %swap3A_76 = tpu.vector_load %arg6[%swap3A_74, %swap3A_75] {strides = array<i32>} : memref<79x128xi32, #tpu.memory_space<vmem>>, vector<1x16xi32>,
      %swap3A_77 = vector.shape_cast %swap3A_76 : vector<1x16xi32> to vector<16xi32>
      %swap3A_78 = vector.shape_cast %add3A_73 : vector<16xi32> to vector<1x16xi32>
      tpu.vector_store %arg6[%swap3A_74, %swap3A_75], %swap3A_78 {strides = array<i32>} : memref<79x128xi32, #tpu.memory_space<vmem>>, vector<1x16xi32>,
      %get3A_79 = arith.index_cast %scan3A_46 : i32 to index
      %get3A_80 = arith.constant 48 : index
      %get3A_81 = tpu.vector_load %arg6[%get3A_79, %get3A_80] {strides = array<i32>} : memref<79x128xi32, #tpu.memory_space<vmem>>, vector<1x16xi32>,
      %get3A_82 = vector.shape_cast %get3A_81 : vector<1x16xi32> to vector<16xi32>
      %add3A_83 = vector.broadcast %mul3A_26 : i32 to vector<16xi32>
      %add3A_84 = arith.addi %get3A_82, %add3A_83 : vector<16xi32>
      %swap3A_85 = arith.index_cast %scan3A_46 : i32 to index
      %swap3A_86 = arith.constant 48 : index
      %swap3A_87 = tpu.vector_load %arg6[%swap3A_85, %swap3A_86] {strides = array<i32>} : memref<79x128xi32, #tpu.memory_space<vmem>>, vector<1x16xi32>,
      %swap3A_88 = vector.shape_cast %swap3A_87 : vector<1x16xi32> to vector<16xi32>
      %swap3A_89 = vector.shape_cast %add3A_84 : vector<16xi32> to vector<1x16xi32>
      tpu.vector_store %arg6[%swap3A_85, %swap3A_86], %swap3A_89 {strides = array<i32>} : memref<79x128xi32, #tpu.memory_space<vmem>>, vector<1x16xi32>,
      %get3A_90 = arith.index_cast %scan3A_46 : i32 to index
      %get3A_91 = arith.constant 64 : index
      %get3A_92 = tpu.vector_load %arg6[%get3A_90, %get3A_91] {strides = array<i32>} : memref<79x128xi32, #tpu.memory_space<vmem>>, vector<1x16xi32>,
      %get3A_93 = vector.shape_cast %get3A_92 : vector<1x16xi32> to vector<16xi32>
      %add3A_94 = vector.broadcast %mul3A_26 : i32 to vector<16xi32>
      %add3A_95 = arith.addi %get3A_93, %add3A_94 : vector<16xi32>
      %swap3A_96 = arith.index_cast %scan3A_46 : i32 to index
      %swap3A_97 = arith.constant 64 : index
      %swap3A_98 = tpu.vector_load %arg6[%swap3A_96, %swap3A_97] {strides = array<i32>} : memref<79x128xi32, #tpu.memory_space<vmem>>, vector<1x16xi32>,
      %swap3A_99 = vector.shape_cast %swap3A_98 : vector<1x16xi32> to vector<16xi32>
      %swap3A_100 = vector.shape_cast %add3A_95 : vector<16xi32> to vector<1x16xi32>
      tpu.vector_store %arg6[%swap3A_96, %swap3A_97], %swap3A_100 {strides = array<i32>} : memref<79x128xi32, #tpu.memory_space<vmem>>, vector<1x16xi32>,
      %get3A_101 = arith.index_cast %scan3A_46 : i32 to index
      %get3A_102 = arith.constant 80 : index
      %get3A_103 = tpu.vector_load %arg6[%get3A_101, %get3A_102] {strides = array<i32>} : memref<79x128xi32, #tpu.memory_space<vmem>>, vector<1x16xi32>,
      %get3A_104 = vector.shape_cast %get3A_103 : vector<1x16xi32> to vector<16xi32>
      %add3A_105 = vector.broadcast %mul3A_26 : i32 to vector<16xi32>
      %add3A_106 = arith.addi %get3A_104, %add3A_105 : vector<16xi32>
      %swap3A_107 = arith.index_cast %scan3A_46 : i32 to index
      %swap3A_108 = arith.constant 80 : index
      %swap3A_109 = tpu.vector_load %arg6[%swap3A_107, %swap3A_108] {strides = array<i32>} : memref<79x128xi32, #tpu.memory_space<vmem>>, vector<1x16xi32>,
      %swap3A_110 = vector.shape_cast %swap3A_109 : vector<1x16xi32> to vector<16xi32>
      %swap3A_111 = vector.shape_cast %add3A_106 : vector<16xi32> to vector<1x16xi32>
      tpu.vector_store %arg6[%swap3A_107, %swap3A_108], %swap3A_111 {strides = array<i32>} : memref<79x128xi32, #tpu.memory_space<vmem>>, vector<1x16xi32>,
      %get3A_112 = arith.index_cast %scan3A_46 : i32 to index
      %get3A_113 = arith.constant 96 : index
      %get3A_114 = tpu.vector_load %arg6[%get3A_112, %get3A_113] {strides = array<i32>} : memref<79x128xi32, #tpu.memory_space<vmem>>, vector<1x16xi32>,
      %get3A_115 = vector.shape_cast %get3A_114 : vector<1x16xi32> to vector<16xi32>
      %add3A_116 = vector.broadcast %mul3A_26 : i32 to vector<16xi32>
      %add3A_117 = arith.addi %get3A_115, %add3A_116 : vector<16xi32>
      %swap3A_118 = arith.index_cast %scan3A_46 : i32 to index
      %swap3A_119 = arith.constant 96 : index
      %swap3A_120 = tpu.vector_load %arg6[%swap3A_118, %swap3A_119] {strides = array<i32>} : memref<79x128xi32, #tpu.memory_space<vmem>>, vector<1x16xi32>,
      %swap3A_121 = vector.shape_cast %swap3A_120 : vector<1x16xi32> to vector<16xi32>
      %swap3A_122 = vector.shape_cast %add3A_117 : vector<16xi32> to vector<1x16xi32>
      tpu.vector_store %arg6[%swap3A_118, %swap3A_119], %swap3A_122 {strides = array<i32>} : memref<79x128xi32, #tpu.memory_space<vmem>>, vector<1x16xi32>,
      %get3A_123 = arith.index_cast %scan3A_46 : i32 to index
      %get3A_124 = arith.constant 112 : index
      %get3A_125 = tpu.vector_load %arg6[%get3A_123, %get3A_124] {strides = array<i32>} : memref<79x128xi32, #tpu.memory_space<vmem>>, vector<1x16xi32>,
      %get3A_126 = vector.shape_cast %get3A_125 : vector<1x16xi32> to vector<16xi32>
      %add3A_127 = vector.broadcast %mul3A_26 : i32 to vector<16xi32>
      %add3A_128 = arith.addi %get3A_126, %add3A_127 : vector<16xi32>
      %swap3A_129 = arith.index_cast %scan3A_46 : i32 to index
      %swap3A_130 = arith.constant 112 : index
      %swap3A_131 = tpu.vector_load %arg6[%swap3A_129, %swap3A_130] {strides = array<i32>} : memref<79x128xi32, #tpu.memory_space<vmem>>, vector<1x16xi32>,
      %swap3A_132 = vector.shape_cast %swap3A_131 : vector<1x16xi32> to vector<16xi32>
      %swap3A_133 = vector.shape_cast %add3A_128 : vector<16xi32> to vector<1x16xi32>
      tpu.vector_store %arg6[%swap3A_129, %swap3A_130], %swap3A_133 {strides = array<i32>} : memref<79x128xi32, #tpu.memory_space<vmem>>, vector<1x16xi32>,
      %scan3A_134 = arith.constant 0 : i32
      scf.yield %scan3A_134 : i32
    }
    %scan3A_33 = arith.constant 79 : i32
    %scan3A_34 = arith.constant 0 : i32
    %scan3A_35 = arith.constant 0 : i32
    %scan3A_36 = arith.constant 79 : i32
    %scan3A_37 = arith.addi %scan3A_35, %scan3A_36 : i32
    %scan3A_38 = arith.constant 1 : i32
    %scan3A_39 = scf.for %scan3A_46 = %scan3A_35 to %scan3A_37 step %scan3A_38 iter_args(%scan3A_47 = %scan3A_34) -> (i32)  : i32 {
      %dma_start3A = arith.constant 0 : i32
      %dma_start3A_48 = tpu.memref_slice %arg6[%scan3A_46, %dma_start3A] : memref<79x128xi32, #tpu.memory_space<vmem>> -> memref<1x128xi32, #tpu.memory_space<vmem>>
      %dma_start3A_49 = tpu.memref_squeeze %dma_start3A_48 : memref<1x128xi32, #tpu.memory_space<vmem>> -> memref<128xi32, #tpu.memory_space<vmem>>
      %dma_start3A_50 = arith.constant 0 : i32
      %dma_start3A_51 = arith.constant 0 : i32
      %dma_start3A_52 = tpu.memref_slice %arg2[%dma_start3A_50, %dma_start3A_51] : memref<20480x128xf32, #tpu.memory_space<hbm>> -> memref<20480x128xf32, #tpu.memory_space<hbm>>
      tpu.enqueue_indirect_dma source(%dma_start3A_52 : memref<20480x128xf32, #tpu.memory_space<hbm>>) target(%arg8 : memref<128x128xf32, #tpu.memory_space<vmem>>) offsets(%dma_start3A_49 : memref<128xi32, #tpu.memory_space<vmem>>) semaphore(%arg10 : memref<!tpu.dma_semaphore, #tpu.memory_space<semaphore_mem>>)
      %dma_wait3A = arith.constant 0 : i32
      %dma_wait3A_53 = tpu.memref_slice %arg6[%scan3A_46, %dma_wait3A] : memref<79x128xi32, #tpu.memory_space<vmem>> -> memref<1x128xi32, #tpu.memory_space<vmem>>
      %dma_wait3A_54 = tpu.memref_squeeze %dma_wait3A_53 : memref<1x128xi32, #tpu.memory_space<vmem>> -> memref<128xi32, #tpu.memory_space<vmem>>
      %dma_wait3A_55 = arith.constant 0 : i32
      %dma_wait3A_56 = arith.constant 0 : i32
      %dma_wait3A_57 = tpu.memref_slice %arg2[%dma_wait3A_55, %dma_wait3A_56] : memref<20480x128xf32, #tpu.memory_space<hbm>> -> memref<20480x128xf32, #tpu.memory_space<hbm>>
      tpu.wait_indirect_dma semaphore(%arg10 : memref<!tpu.dma_semaphore, #tpu.memory_space<semaphore_mem>>) src(%dma_wait3A_57 : memref<20480x128xf32, #tpu.memory_space<hbm>>) dst(%arg8 : memref<128x128xf32, #tpu.memory_space<vmem>>)
      "tpu.region"() ({
        %run_scoped3A = tpu.sem_alloc : memref<!tpu.dma_semaphore, #tpu.memory_space<semaphore_mem>>
        %dma_start3A_59 = arith.constant 0 : i32
        %dma_start3A_60 = tpu.memref_slice %arg7[%scan3A_46, %dma_start3A_59] : memref<79x128xi32, #tpu.memory_space<vmem>> -> memref<1x128xi32, #tpu.memory_space<vmem>>
        %dma_start3A_61 = tpu.memref_squeeze %dma_start3A_60 : memref<1x128xi32, #tpu.memory_space<vmem>> -> memref<128xi32, #tpu.memory_space<vmem>>
        %dma_start3A_62 = arith.constant 0 : i32
        %dma_start3A_63 = arith.constant 0 : i32
        %dma_start3A_64 = tpu.memref_slice %arg9[%dma_start3A_62, %dma_start3A_63] : memref<10240x128xf32, #tpu.memory_space<vmem_shared>> -> memref<10240x128xf32, #tpu.memory_space<vmem_shared>>
        tpu.enqueue_indirect_dma source(%arg8 : memref<128x128xf32, #tpu.memory_space<vmem>>) target(%dma_start3A_64 : memref<10240x128xf32, #tpu.memory_space<vmem_shared>>) offsets(%dma_start3A_61 : memref<128xi32, #tpu.memory_space<vmem>>) semaphore(%run_scoped3A : memref<!tpu.dma_semaphore, #tpu.memory_space<semaphore_mem>>) {add = true}
        %dma_wait3A_65 = arith.constant 0 : i32
        %dma_wait3A_66 = tpu.memref_slice %arg7[%scan3A_46, %dma_wait3A_65] : memref<79x128xi32, #tpu.memory_space<vmem>> -> memref<1x128xi32, #tpu.memory_space<vmem>>
        %dma_wait3A_67 = tpu.memref_squeeze %dma_wait3A_66 : memref<1x128xi32, #tpu.memory_space<vmem>> -> memref<128xi32, #tpu.memory_space<vmem>>
        %dma_wait3A_68 = arith.constant 0 : i32
        %dma_wait3A_69 = arith.constant 0 : i32
        %dma_wait3A_70 = tpu.memref_slice %arg9[%dma_wait3A_68, %dma_wait3A_69] : memref<10240x128xf32, #tpu.memory_space<vmem_shared>> -> memref<10240x128xf32, #tpu.memory_space<vmem_shared>>
        tpu.wait_indirect_dma semaphore(%run_scoped3A : memref<!tpu.dma_semaphore, #tpu.memory_space<semaphore_mem>>) src(%arg8 : memref<128x128xf32, #tpu.memory_space<vmem>>) dst(%dma_wait3A_70 : memref<10240x128xf32, #tpu.memory_space<vmem_shared>>)
        tpu.yield
      }) : () -> ()
      %scan3A_58 = arith.constant 0 : i32
      scf.yield %scan3A_58 : i32
    }
    %scan3A_40 = arith.constant 79 : i32
    %barrier3A_41 = arith.constant 0 : index
    tpu.barrier barrier_id(%barrier3A_41)
    %mul3A_42 = arith.constant 640 : i32
    %mul3A_43 = arith.muli %arg1, %mul3A_42 : i32
    %mul3A_44 = arith.constant 640 : i32
    %mul3A_45 = arith.muli %arg1, %mul3A_44 : i32
    "tpu.region"() ({
      %run_scoped3A = tpu.sem_alloc : memref<!tpu.dma_semaphore, #tpu.memory_space<semaphore_mem>>
      %dma_start3A = arith.constant 0 : i32
      %dma_start3A_46 = tpu.memref_slice %arg5[%arg0, %mul3A_45, %dma_start3A] : memref<2x10240x128xf32, #tpu.memory_space<hbm>> -> memref<1x640x128xf32, #tpu.memory_space<hbm>>
      %dma_start3A_47 = tpu.memref_squeeze %dma_start3A_46 : memref<1x640x128xf32, #tpu.memory_space<hbm>> -> memref<640x128xf32, #tpu.memory_space<hbm>>
      %dma_start3A_48 = arith.constant 0 : i32
      %dma_start3A_49 = tpu.memref_slice %arg9[%mul3A_43, %dma_start3A_48] : memref<10240x128xf32, #tpu.memory_space<vmem_shared>> -> memref<640x128xf32, #tpu.memory_space<vmem_shared>>
      tpu.enqueue_dma source(%dma_start3A_49 : memref<640x128xf32, #tpu.memory_space<vmem_shared>>) target(%dma_start3A_47 : memref<640x128xf32, #tpu.memory_space<hbm>>) target_semaphore(%run_scoped3A : memref<!tpu.dma_semaphore, #tpu.memory_space<semaphore_mem>>)
      %dma_wait3A = arith.constant 0 : i32
      %dma_wait3A_50 = tpu.memref_slice %arg5[%arg0, %mul3A_45, %dma_wait3A] : memref<2x10240x128xf32, #tpu.memory_space<hbm>> -> memref<1x640x128xf32, #tpu.memory_space<hbm>>
      %dma_wait3A_51 = tpu.memref_squeeze %dma_wait3A_50 : memref<1x640x128xf32, #tpu.memory_space<hbm>> -> memref<640x128xf32, #tpu.memory_space<hbm>>
      %dma_wait3A_52 = arith.constant 0 : i32
      %dma_wait3A_53 = tpu.memref_slice %arg9[%mul3A_43, %dma_wait3A_52] : memref<10240x128xf32, #tpu.memory_space<vmem_shared>> -> memref<640x128xf32, #tpu.memory_space<vmem_shared>>
      tpu.wait_dma2 semaphore(%run_scoped3A : memref<!tpu.dma_semaphore, #tpu.memory_space<semaphore_mem>>) src(%dma_wait3A_53 : memref<640x128xf32, #tpu.memory_space<vmem_shared>>) dst(%dma_wait3A_51 : memref<640x128xf32, #tpu.memory_space<hbm>>)
      tpu.yield
    }) : () -> ()
    return
  }
}

#map = affine_map<(d0, d1) -> (0, 0)>
#map1 = affine_map<(d0, d1) -> (0, 0, 0)>
module attributes {stable_mosaic.version = 14 : i64} {
  func.func @_agg_body(%arg0: i32, %arg1: i32, %arg2: memref<20480x128xf32, #tpu.memory_space<hbm>>, %arg3: memref<16x79x128xi32, #tpu.memory_space<hbm>>, %arg4: memref<16x79x128xi32, #tpu.memory_space<hbm>>, %arg5: memref<2x10240x128xf32, #tpu.memory_space<hbm>>, %arg6: memref<79x128xi32, #tpu.memory_space<vmem>>, %arg7: memref<79x128xi32, #tpu.memory_space<vmem>>, %arg8: memref<128x128xf32, #tpu.memory_space<vmem>>, %arg9: memref<10240x128xf32, #tpu.memory_space<vmem_shared>>, %arg10: memref<!tpu.dma_semaphore, #tpu.memory_space<semaphore_mem>>) attributes {dimension_semantics = [#tpu.dimension_semantics<core_parallel>, #tpu.dimension_semantics<subcore_parallel>], iteration_bounds = array<i64: 2, 16>, scalar_prefetch = 0 : i64, scratch_operands = 5 : i64, tpu.core_type = #tpu.core_type<sc_vector_subcore>, window_params = [{transform_indices = #map}, {transform_indices = #map1}, {transform_indices = #map1}, {transform_indices = #map1}]} {
    %broadcast_in_dim3A = arith.constant 0.000000e+00 : f32
    %broadcast_in_dim3A_0 = vector.broadcast %broadcast_in_dim3A : f32 to vector<16xf32>
    %scan3A = arith.constant 0 : i32
    %scan3A_1 = arith.constant 0 : i32
    %scan3A_2 = arith.constant 128 : i32
    %scan3A_3 = arith.addi %scan3A_1, %scan3A_2 : i32
    %scan3A_4 = arith.constant 1 : i32
    %scan3A_5 = scf.for %scan3A_46 = %scan3A_1 to %scan3A_3 step %scan3A_4 iter_args(%scan3A_47 = %scan3A) -> (i32)  : i32 {
      %swap3A = arith.index_cast %scan3A_46 : i32 to index
      %swap3A_48 = arith.constant 0 : index
      %swap3A_49 = tpu.vector_load %arg8[%swap3A, %swap3A_48] {strides = array<i32>} : memref<128x128xf32, #tpu.memory_space<vmem>>, vector<1x16xf32>,
      %swap3A_50 = vector.shape_cast %swap3A_49 : vector<1x16xf32> to vector<16xf32>
      %swap3A_51 = vector.shape_cast %broadcast_in_dim3A_0 : vector<16xf32> to vector<1x16xf32>
      tpu.vector_store %arg8[%swap3A, %swap3A_48], %swap3A_51 {strides = array<i32>} : memref<128x128xf32, #tpu.memory_space<vmem>>, vector<1x16xf32>,
      %swap3A_52 = arith.index_cast %scan3A_46 : i32 to index
      %swap3A_53 = arith.constant 16 : index
      %swap3A_54 = tpu.vector_load %arg8[%swap3A_52, %swap3A_53] {strides = array<i32>} : memref<128x128xf32, #tpu.memory_space<vmem>>, vector<1x16xf32>,
      %swap3A_55 = vector.shape_cast %swap3A_54 : vector<1x16xf32> to vector<16xf32>
      %swap3A_56 = vector.shape_cast %broadcast_in_dim3A_0 : vector<16xf32> to vector<1x16xf32>
      tpu.vector_store %arg8[%swap3A_52, %swap3A_53], %swap3A_56 {strides = array<i32>} : memref<128x128xf32, #tpu.memory_space<vmem>>, vector<1x16xf32>,
      %swap3A_57 = arith.index_cast %scan3A_46 : i32 to index
      %swap3A_58 = arith.constant 32 : index
      %swap3A_59 = tpu.vector_load %arg8[%swap3A_57, %swap3A_58] {strides = array<i32>} : memref<128x128xf32, #tpu.memory_space<vmem>>, vector<1x16xf32>,
      %swap3A_60 = vector.shape_cast %swap3A_59 : vector<1x16xf32> to vector<16xf32>
      %swap3A_61 = vector.shape_cast %broadcast_in_dim3A_0 : vector<16xf32> to vector<1x16xf32>
      tpu.vector_store %arg8[%swap3A_57, %swap3A_58], %swap3A_61 {strides = array<i32>} : memref<128x128xf32, #tpu.memory_space<vmem>>, vector<1x16xf32>,
      %swap3A_62 = arith.index_cast %scan3A_46 : i32 to index
      %swap3A_63 = arith.constant 48 : index
      %swap3A_64 = tpu.vector_load %arg8[%swap3A_62, %swap3A_63] {strides = array<i32>} : memref<128x128xf32, #tpu.memory_space<vmem>>, vector<1x16xf32>,
      %swap3A_65 = vector.shape_cast %swap3A_64 : vector<1x16xf32> to vector<16xf32>
      %swap3A_66 = vector.shape_cast %broadcast_in_dim3A_0 : vector<16xf32> to vector<1x16xf32>
      tpu.vector_store %arg8[%swap3A_62, %swap3A_63], %swap3A_66 {strides = array<i32>} : memref<128x128xf32, #tpu.memory_space<vmem>>, vector<1x16xf32>,
      %swap3A_67 = arith.index_cast %scan3A_46 : i32 to index
      %swap3A_68 = arith.constant 64 : index
      %swap3A_69 = tpu.vector_load %arg8[%swap3A_67, %swap3A_68] {strides = array<i32>} : memref<128x128xf32, #tpu.memory_space<vmem>>, vector<1x16xf32>,
      %swap3A_70 = vector.shape_cast %swap3A_69 : vector<1x16xf32> to vector<16xf32>
      %swap3A_71 = vector.shape_cast %broadcast_in_dim3A_0 : vector<16xf32> to vector<1x16xf32>
      tpu.vector_store %arg8[%swap3A_67, %swap3A_68], %swap3A_71 {strides = array<i32>} : memref<128x128xf32, #tpu.memory_space<vmem>>, vector<1x16xf32>,
      %swap3A_72 = arith.index_cast %scan3A_46 : i32 to index
      %swap3A_73 = arith.constant 80 : index
      %swap3A_74 = tpu.vector_load %arg8[%swap3A_72, %swap3A_73] {strides = array<i32>} : memref<128x128xf32, #tpu.memory_space<vmem>>, vector<1x16xf32>,
      %swap3A_75 = vector.shape_cast %swap3A_74 : vector<1x16xf32> to vector<16xf32>
      %swap3A_76 = vector.shape_cast %broadcast_in_dim3A_0 : vector<16xf32> to vector<1x16xf32>
      tpu.vector_store %arg8[%swap3A_72, %swap3A_73], %swap3A_76 {strides = array<i32>} : memref<128x128xf32, #tpu.memory_space<vmem>>, vector<1x16xf32>,
      %swap3A_77 = arith.index_cast %scan3A_46 : i32 to index
      %swap3A_78 = arith.constant 96 : index
      %swap3A_79 = tpu.vector_load %arg8[%swap3A_77, %swap3A_78] {strides = array<i32>} : memref<128x128xf32, #tpu.memory_space<vmem>>, vector<1x16xf32>,
      %swap3A_80 = vector.shape_cast %swap3A_79 : vector<1x16xf32> to vector<16xf32>
      %swap3A_81 = vector.shape_cast %broadcast_in_dim3A_0 : vector<16xf32> to vector<1x16xf32>
      tpu.vector_store %arg8[%swap3A_77, %swap3A_78], %swap3A_81 {strides = array<i32>} : memref<128x128xf32, #tpu.memory_space<vmem>>, vector<1x16xf32>,
      %swap3A_82 = arith.index_cast %scan3A_46 : i32 to index
      %swap3A_83 = arith.constant 112 : index
      %swap3A_84 = tpu.vector_load %arg8[%swap3A_82, %swap3A_83] {strides = array<i32>} : memref<128x128xf32, #tpu.memory_space<vmem>>, vector<1x16xf32>,
      %swap3A_85 = vector.shape_cast %swap3A_84 : vector<1x16xf32> to vector<16xf32>
      %swap3A_86 = vector.shape_cast %broadcast_in_dim3A_0 : vector<16xf32> to vector<1x16xf32>
      tpu.vector_store %arg8[%swap3A_82, %swap3A_83], %swap3A_86 {strides = array<i32>} : memref<128x128xf32, #tpu.memory_space<vmem>>, vector<1x16xf32>,
      %scan3A_87 = arith.constant 0 : i32
      scf.yield %scan3A_87 : i32
    }
    %scan3A_6 = arith.constant 128 : i32
    %mul3A = arith.constant 640 : i32
    %mul3A_7 = arith.muli %arg1, %mul3A : i32
    %add3A = arith.constant 0 : i32
    %add3A_8 = arith.addi %mul3A_7, %add3A : i32
    "tpu.region"() ({
      %run_scoped3A = tpu.sem_alloc : memref<!tpu.dma_semaphore, #tpu.memory_space<semaphore_mem>>
      %dma_start3A = arith.constant 0 : i32
      %dma_start3A_46 = tpu.memref_slice %arg9[%add3A_8, %dma_start3A] : memref<10240x128xf32, #tpu.memory_space<vmem_shared>> -> memref<128x128xf32, #tpu.memory_space<vmem_shared>>
      %dma_start3A_47 = arith.constant 0 : i32
      %dma_start3A_48 = tpu.memref_slice %arg9[%add3A_8, %dma_start3A_47] : memref<10240x128xf32, #tpu.memory_space<vmem_shared>> -> memref<128x128xf32, #tpu.memory_space<vmem_shared>>
      tpu.enqueue_dma source(%arg8 : memref<128x128xf32, #tpu.memory_space<vmem>>) target(%dma_start3A_48 : memref<128x128xf32, #tpu.memory_space<vmem_shared>>) target_semaphore(%run_scoped3A : memref<!tpu.dma_semaphore, #tpu.memory_space<semaphore_mem>>)
      %dma_wait3A = arith.constant 0 : i32
      %dma_wait3A_49 = tpu.memref_slice %arg9[%add3A_8, %dma_wait3A] : memref<10240x128xf32, #tpu.memory_space<vmem_shared>> -> memref<128x128xf32, #tpu.memory_space<vmem_shared>>
      %dma_wait3A_50 = arith.constant 0 : i32
      %dma_wait3A_51 = tpu.memref_slice %arg9[%add3A_8, %dma_wait3A_50] : memref<10240x128xf32, #tpu.memory_space<vmem_shared>> -> memref<128x128xf32, #tpu.memory_space<vmem_shared>>
      tpu.wait_dma2 semaphore(%run_scoped3A : memref<!tpu.dma_semaphore, #tpu.memory_space<semaphore_mem>>) src(%arg8 : memref<128x128xf32, #tpu.memory_space<vmem>>) dst(%dma_wait3A_51 : memref<128x128xf32, #tpu.memory_space<vmem_shared>>)
      tpu.yield
    }) : () -> ()
    %mul3A_9 = arith.constant 640 : i32
    %mul3A_10 = arith.muli %arg1, %mul3A_9 : i32
    %add3A_11 = arith.constant 128 : i32
    %add3A_12 = arith.addi %mul3A_10, %add3A_11 : i32
    "tpu.region"() ({
      %run_scoped3A = tpu.sem_alloc : memref<!tpu.dma_semaphore, #tpu.memory_space<semaphore_mem>>
      %dma_start3A = arith.constant 0 : i32
      %dma_start3A_46 = tpu.memref_slice %arg9[%add3A_12, %dma_start3A] : memref<10240x128xf32, #tpu.memory_space<vmem_shared>> -> memref<128x128xf32, #tpu.memory_space<vmem_shared>>
      %dma_start3A_47 = arith.constant 0 : i32
      %dma_start3A_48 = tpu.memref_slice %arg9[%add3A_12, %dma_start3A_47] : memref<10240x128xf32, #tpu.memory_space<vmem_shared>> -> memref<128x128xf32, #tpu.memory_space<vmem_shared>>
      tpu.enqueue_dma source(%arg8 : memref<128x128xf32, #tpu.memory_space<vmem>>) target(%dma_start3A_48 : memref<128x128xf32, #tpu.memory_space<vmem_shared>>) target_semaphore(%run_scoped3A : memref<!tpu.dma_semaphore, #tpu.memory_space<semaphore_mem>>)
      %dma_wait3A = arith.constant 0 : i32
      %dma_wait3A_49 = tpu.memref_slice %arg9[%add3A_12, %dma_wait3A] : memref<10240x128xf32, #tpu.memory_space<vmem_shared>> -> memref<128x128xf32, #tpu.memory_space<vmem_shared>>
      %dma_wait3A_50 = arith.constant 0 : i32
      %dma_wait3A_51 = tpu.memref_slice %arg9[%add3A_12, %dma_wait3A_50] : memref<10240x128xf32, #tpu.memory_space<vmem_shared>> -> memref<128x128xf32, #tpu.memory_space<vmem_shared>>
      tpu.wait_dma2 semaphore(%run_scoped3A : memref<!tpu.dma_semaphore, #tpu.memory_space<semaphore_mem>>) src(%arg8 : memref<128x128xf32, #tpu.memory_space<vmem>>) dst(%dma_wait3A_51 : memref<128x128xf32, #tpu.memory_space<vmem_shared>>)
      tpu.yield
    }) : () -> ()
    %mul3A_13 = arith.constant 640 : i32
    %mul3A_14 = arith.muli %arg1, %mul3A_13 : i32
    %add3A_15 = arith.constant 256 : i32
    %add3A_16 = arith.addi %mul3A_14, %add3A_15 : i32
    "tpu.region"() ({
      %run_scoped3A = tpu.sem_alloc : memref<!tpu.dma_semaphore, #tpu.memory_space<semaphore_mem>>
      %dma_start3A = arith.constant 0 : i32
      %dma_start3A_46 = tpu.memref_slice %arg9[%add3A_16, %dma_start3A] : memref<10240x128xf32, #tpu.memory_space<vmem_shared>> -> memref<128x128xf32, #tpu.memory_space<vmem_shared>>
      %dma_start3A_47 = arith.constant 0 : i32
      %dma_start3A_48 = tpu.memref_slice %arg9[%add3A_16, %dma_start3A_47] : memref<10240x128xf32, #tpu.memory_space<vmem_shared>> -> memref<128x128xf32, #tpu.memory_space<vmem_shared>>
      tpu.enqueue_dma source(%arg8 : memref<128x128xf32, #tpu.memory_space<vmem>>) target(%dma_start3A_48 : memref<128x128xf32, #tpu.memory_space<vmem_shared>>) target_semaphore(%run_scoped3A : memref<!tpu.dma_semaphore, #tpu.memory_space<semaphore_mem>>)
      %dma_wait3A = arith.constant 0 : i32
      %dma_wait3A_49 = tpu.memref_slice %arg9[%add3A_16, %dma_wait3A] : memref<10240x128xf32, #tpu.memory_space<vmem_shared>> -> memref<128x128xf32, #tpu.memory_space<vmem_shared>>
      %dma_wait3A_50 = arith.constant 0 : i32
      %dma_wait3A_51 = tpu.memref_slice %arg9[%add3A_16, %dma_wait3A_50] : memref<10240x128xf32, #tpu.memory_space<vmem_shared>> -> memref<128x128xf32, #tpu.memory_space<vmem_shared>>
      tpu.wait_dma2 semaphore(%run_scoped3A : memref<!tpu.dma_semaphore, #tpu.memory_space<semaphore_mem>>) src(%arg8 : memref<128x128xf32, #tpu.memory_space<vmem>>) dst(%dma_wait3A_51 : memref<128x128xf32, #tpu.memory_space<vmem_shared>>)
      tpu.yield
    }) : () -> ()
    %mul3A_17 = arith.constant 640 : i32
    %mul3A_18 = arith.muli %arg1, %mul3A_17 : i32
    %add3A_19 = arith.constant 384 : i32
    %add3A_20 = arith.addi %mul3A_18, %add3A_19 : i32
    "tpu.region"() ({
      %run_scoped3A = tpu.sem_alloc : memref<!tpu.dma_semaphore, #tpu.memory_space<semaphore_mem>>
      %dma_start3A = arith.constant 0 : i32
      %dma_start3A_46 = tpu.memref_slice %arg9[%add3A_20, %dma_start3A] : memref<10240x128xf32, #tpu.memory_space<vmem_shared>> -> memref<128x128xf32, #tpu.memory_space<vmem_shared>>
      %dma_start3A_47 = arith.constant 0 : i32
      %dma_start3A_48 = tpu.memref_slice %arg9[%add3A_20, %dma_start3A_47] : memref<10240x128xf32, #tpu.memory_space<vmem_shared>> -> memref<128x128xf32, #tpu.memory_space<vmem_shared>>
      tpu.enqueue_dma source(%arg8 : memref<128x128xf32, #tpu.memory_space<vmem>>) target(%dma_start3A_48 : memref<128x128xf32, #tpu.memory_space<vmem_shared>>) target_semaphore(%run_scoped3A : memref<!tpu.dma_semaphore, #tpu.memory_space<semaphore_mem>>)
      %dma_wait3A = arith.constant 0 : i32
      %dma_wait3A_49 = tpu.memref_slice %arg9[%add3A_20, %dma_wait3A] : memref<10240x128xf32, #tpu.memory_space<vmem_shared>> -> memref<128x128xf32, #tpu.memory_space<vmem_shared>>
      %dma_wait3A_50 = arith.constant 0 : i32
      %dma_wait3A_51 = tpu.memref_slice %arg9[%add3A_20, %dma_wait3A_50] : memref<10240x128xf32, #tpu.memory_space<vmem_shared>> -> memref<128x128xf32, #tpu.memory_space<vmem_shared>>
      tpu.wait_dma2 semaphore(%run_scoped3A : memref<!tpu.dma_semaphore, #tpu.memory_space<semaphore_mem>>) src(%arg8 : memref<128x128xf32, #tpu.memory_space<vmem>>) dst(%dma_wait3A_51 : memref<128x128xf32, #tpu.memory_space<vmem_shared>>)
      tpu.yield
    }) : () -> ()
    %mul3A_21 = arith.constant 640 : i32
    %mul3A_22 = arith.muli %arg1, %mul3A_21 : i32
    %add3A_23 = arith.constant 512 : i32
    %add3A_24 = arith.addi %mul3A_22, %add3A_23 : i32
    "tpu.region"() ({
      %run_scoped3A = tpu.sem_alloc : memref<!tpu.dma_semaphore, #tpu.memory_space<semaphore_mem>>
      %dma_start3A = arith.constant 0 : i32
      %dma_start3A_46 = tpu.memref_slice %arg9[%add3A_24, %dma_start3A] : memref<10240x128xf32, #tpu.memory_space<vmem_shared>> -> memref<128x128xf32, #tpu.memory_space<vmem_shared>>
      %dma_start3A_47 = arith.constant 0 : i32
      %dma_start3A_48 = tpu.memref_slice %arg9[%add3A_24, %dma_start3A_47] : memref<10240x128xf32, #tpu.memory_space<vmem_shared>> -> memref<128x128xf32, #tpu.memory_space<vmem_shared>>
      tpu.enqueue_dma source(%arg8 : memref<128x128xf32, #tpu.memory_space<vmem>>) target(%dma_start3A_48 : memref<128x128xf32, #tpu.memory_space<vmem_shared>>) target_semaphore(%run_scoped3A : memref<!tpu.dma_semaphore, #tpu.memory_space<semaphore_mem>>)
      %dma_wait3A = arith.constant 0 : i32
      %dma_wait3A_49 = tpu.memref_slice %arg9[%add3A_24, %dma_wait3A] : memref<10240x128xf32, #tpu.memory_space<vmem_shared>> -> memref<128x128xf32, #tpu.memory_space<vmem_shared>>
      %dma_wait3A_50 = arith.constant 0 : i32
      %dma_wait3A_51 = tpu.memref_slice %arg9[%add3A_24, %dma_wait3A_50] : memref<10240x128xf32, #tpu.memory_space<vmem_shared>> -> memref<128x128xf32, #tpu.memory_space<vmem_shared>>
      tpu.wait_dma2 semaphore(%run_scoped3A : memref<!tpu.dma_semaphore, #tpu.memory_space<semaphore_mem>>) src(%arg8 : memref<128x128xf32, #tpu.memory_space<vmem>>) dst(%dma_wait3A_51 : memref<128x128xf32, #tpu.memory_space<vmem_shared>>)
      tpu.yield
    }) : () -> ()
    %barrier3A = arith.constant 0 : index
    tpu.barrier barrier_id(%barrier3A)
    "tpu.region"() ({
      %run_scoped3A = tpu.sem_alloc : memref<!tpu.dma_semaphore, #tpu.memory_space<semaphore_mem>>
      %dma_start3A = arith.constant 0 : i32
      %dma_start3A_46 = arith.constant 0 : i32
      %dma_start3A_47 = tpu.memref_slice %arg3[%arg1, %dma_start3A, %dma_start3A_46] : memref<16x79x128xi32, #tpu.memory_space<hbm>> -> memref<1x79x128xi32, #tpu.memory_space<hbm>>
      %dma_start3A_48 = tpu.memref_squeeze %dma_start3A_47 : memref<1x79x128xi32, #tpu.memory_space<hbm>> -> memref<79x128xi32, #tpu.memory_space<hbm>>
      %dma_start3A_49 = arith.constant 0 : i32
      %dma_start3A_50 = arith.constant 0 : i32
      %dma_start3A_51 = tpu.memref_slice %arg3[%arg1, %dma_start3A_49, %dma_start3A_50] : memref<16x79x128xi32, #tpu.memory_space<hbm>> -> memref<1x79x128xi32, #tpu.memory_space<hbm>>
      %dma_start3A_52 = tpu.memref_squeeze %dma_start3A_51 : memref<1x79x128xi32, #tpu.memory_space<hbm>> -> memref<79x128xi32, #tpu.memory_space<hbm>>
      tpu.enqueue_dma source(%dma_start3A_52 : memref<79x128xi32, #tpu.memory_space<hbm>>) target(%arg6 : memref<79x128xi32, #tpu.memory_space<vmem>>) target_semaphore(%run_scoped3A : memref<!tpu.dma_semaphore, #tpu.memory_space<semaphore_mem>>)
      %dma_wait3A = arith.constant 0 : i32
      %dma_wait3A_53 = arith.constant 0 : i32
      %dma_wait3A_54 = tpu.memref_slice %arg3[%arg1, %dma_wait3A, %dma_wait3A_53] : memref<16x79x128xi32, #tpu.memory_space<hbm>> -> memref<1x79x128xi32, #tpu.memory_space<hbm>>
      %dma_wait3A_55 = tpu.memref_squeeze %dma_wait3A_54 : memref<1x79x128xi32, #tpu.memory_space<hbm>> -> memref<79x128xi32, #tpu.memory_space<hbm>>
      %dma_wait3A_56 = arith.constant 0 : i32
      %dma_wait3A_57 = arith.constant 0 : i32
      %dma_wait3A_58 = tpu.memref_slice %arg3[%arg1, %dma_wait3A_56, %dma_wait3A_57] : memref<16x79x128xi32, #tpu.memory_space<hbm>> -> memref<1x79x128xi32, #tpu.memory_space<hbm>>
      %dma_wait3A_59 = tpu.memref_squeeze %dma_wait3A_58 : memref<1x79x128xi32, #tpu.memory_space<hbm>> -> memref<79x128xi32, #tpu.memory_space<hbm>>
      tpu.wait_dma2 semaphore(%run_scoped3A : memref<!tpu.dma_semaphore, #tpu.memory_space<semaphore_mem>>) src(%dma_wait3A_59 : memref<79x128xi32, #tpu.memory_space<hbm>>) dst(%arg6 : memref<79x128xi32, #tpu.memory_space<vmem>>)
      tpu.yield
    }) : () -> ()
    "tpu.region"() ({
      %run_scoped3A = tpu.sem_alloc : memref<!tpu.dma_semaphore, #tpu.memory_space<semaphore_mem>>
      %dma_start3A = arith.constant 0 : i32
      %dma_start3A_46 = arith.constant 0 : i32
      %dma_start3A_47 = tpu.memref_slice %arg4[%arg1, %dma_start3A, %dma_start3A_46] : memref<16x79x128xi32, #tpu.memory_space<hbm>> -> memref<1x79x128xi32, #tpu.memory_space<hbm>>
      %dma_start3A_48 = tpu.memref_squeeze %dma_start3A_47 : memref<1x79x128xi32, #tpu.memory_space<hbm>> -> memref<79x128xi32, #tpu.memory_space<hbm>>
      %dma_start3A_49 = arith.constant 0 : i32
      %dma_start3A_50 = arith.constant 0 : i32
      %dma_start3A_51 = tpu.memref_slice %arg4[%arg1, %dma_start3A_49, %dma_start3A_50] : memref<16x79x128xi32, #tpu.memory_space<hbm>> -> memref<1x79x128xi32, #tpu.memory_space<hbm>>
      %dma_start3A_52 = tpu.memref_squeeze %dma_start3A_51 : memref<1x79x128xi32, #tpu.memory_space<hbm>> -> memref<79x128xi32, #tpu.memory_space<hbm>>
      tpu.enqueue_dma source(%dma_start3A_52 : memref<79x128xi32, #tpu.memory_space<hbm>>) target(%arg7 : memref<79x128xi32, #tpu.memory_space<vmem>>) target_semaphore(%run_scoped3A : memref<!tpu.dma_semaphore, #tpu.memory_space<semaphore_mem>>)
      %dma_wait3A = arith.constant 0 : i32
      %dma_wait3A_53 = arith.constant 0 : i32
      %dma_wait3A_54 = tpu.memref_slice %arg4[%arg1, %dma_wait3A, %dma_wait3A_53] : memref<16x79x128xi32, #tpu.memory_space<hbm>> -> memref<1x79x128xi32, #tpu.memory_space<hbm>>
      %dma_wait3A_55 = tpu.memref_squeeze %dma_wait3A_54 : memref<1x79x128xi32, #tpu.memory_space<hbm>> -> memref<79x128xi32, #tpu.memory_space<hbm>>
      %dma_wait3A_56 = arith.constant 0 : i32
      %dma_wait3A_57 = arith.constant 0 : i32
      %dma_wait3A_58 = tpu.memref_slice %arg4[%arg1, %dma_wait3A_56, %dma_wait3A_57] : memref<16x79x128xi32, #tpu.memory_space<hbm>> -> memref<1x79x128xi32, #tpu.memory_space<hbm>>
      %dma_wait3A_59 = tpu.memref_squeeze %dma_wait3A_58 : memref<1x79x128xi32, #tpu.memory_space<hbm>> -> memref<79x128xi32, #tpu.memory_space<hbm>>
      tpu.wait_dma2 semaphore(%run_scoped3A : memref<!tpu.dma_semaphore, #tpu.memory_space<semaphore_mem>>) src(%dma_wait3A_59 : memref<79x128xi32, #tpu.memory_space<hbm>>) dst(%arg7 : memref<79x128xi32, #tpu.memory_space<vmem>>)
      tpu.yield
    }) : () -> ()
    %mul3A_25 = arith.constant 10240 : i32
    %mul3A_26 = arith.muli %arg0, %mul3A_25 : i32
    %scan3A_27 = arith.constant 0 : i32
    %scan3A_28 = arith.constant 0 : i32
    %scan3A_29 = arith.constant 79 : i32
    %scan3A_30 = arith.addi %scan3A_28, %scan3A_29 : i32
    %scan3A_31 = arith.constant 1 : i32
    %scan3A_32 = scf.for %scan3A_46 = %scan3A_28 to %scan3A_30 step %scan3A_31 iter_args(%scan3A_47 = %scan3A_27) -> (i32)  : i32 {
      %get3A = arith.index_cast %scan3A_46 : i32 to index
      %get3A_48 = arith.constant 0 : index
      %get3A_49 = tpu.vector_load %arg6[%get3A, %get3A_48] {strides = array<i32>} : memref<79x128xi32, #tpu.memory_space<vmem>>, vector<1x16xi32>,
      %get3A_50 = vector.shape_cast %get3A_49 : vector<1x16xi32> to vector<16xi32>
      %add3A_51 = vector.broadcast %mul3A_26 : i32 to vector<16xi32>
      %add3A_52 = arith.addi %get3A_50, %add3A_51 : vector<16xi32>
      %swap3A = arith.index_cast %scan3A_46 : i32 to index
      %swap3A_53 = arith.constant 0 : index
      %swap3A_54 = tpu.vector_load %arg6[%swap3A, %swap3A_53] {strides = array<i32>} : memref<79x128xi32, #tpu.memory_space<vmem>>, vector<1x16xi32>,
      %swap3A_55 = vector.shape_cast %swap3A_54 : vector<1x16xi32> to vector<16xi32>
      %swap3A_56 = vector.shape_cast %add3A_52 : vector<16xi32> to vector<1x16xi32>
      tpu.vector_store %arg6[%swap3A, %swap3A_53], %swap3A_56 {strides = array<i32>} : memref<79x128xi32, #tpu.memory_space<vmem>>, vector<1x16xi32>,
      %get3A_57 = arith.index_cast %scan3A_46 : i32 to index
      %get3A_58 = arith.constant 16 : index
      %get3A_59 = tpu.vector_load %arg6[%get3A_57, %get3A_58] {strides = array<i32>} : memref<79x128xi32, #tpu.memory_space<vmem>>, vector<1x16xi32>,
      %get3A_60 = vector.shape_cast %get3A_59 : vector<1x16xi32> to vector<16xi32>
      %add3A_61 = vector.broadcast %mul3A_26 : i32 to vector<16xi32>
      %add3A_62 = arith.addi %get3A_60, %add3A_61 : vector<16xi32>
      %swap3A_63 = arith.index_cast %scan3A_46 : i32 to index
      %swap3A_64 = arith.constant 16 : index
      %swap3A_65 = tpu.vector_load %arg6[%swap3A_63, %swap3A_64] {strides = array<i32>} : memref<79x128xi32, #tpu.memory_space<vmem>>, vector<1x16xi32>,
      %swap3A_66 = vector.shape_cast %swap3A_65 : vector<1x16xi32> to vector<16xi32>
      %swap3A_67 = vector.shape_cast %add3A_62 : vector<16xi32> to vector<1x16xi32>
      tpu.vector_store %arg6[%swap3A_63, %swap3A_64], %swap3A_67 {strides = array<i32>} : memref<79x128xi32, #tpu.memory_space<vmem>>, vector<1x16xi32>,
      %get3A_68 = arith.index_cast %scan3A_46 : i32 to index
      %get3A_69 = arith.constant 32 : index
      %get3A_70 = tpu.vector_load %arg6[%get3A_68, %get3A_69] {strides = array<i32>} : memref<79x128xi32, #tpu.memory_space<vmem>>, vector<1x16xi32>,
      %get3A_71 = vector.shape_cast %get3A_70 : vector<1x16xi32> to vector<16xi32>
      %add3A_72 = vector.broadcast %mul3A_26 : i32 to vector<16xi32>
      %add3A_73 = arith.addi %get3A_71, %add3A_72 : vector<16xi32>
      %swap3A_74 = arith.index_cast %scan3A_46 : i32 to index
      %swap3A_75 = arith.constant 32 : index
      %swap3A_76 = tpu.vector_load %arg6[%swap3A_74, %swap3A_75] {strides = array<i32>} : memref<79x128xi32, #tpu.memory_space<vmem>>, vector<1x16xi32>,
      %swap3A_77 = vector.shape_cast %swap3A_76 : vector<1x16xi32> to vector<16xi32>
      %swap3A_78 = vector.shape_cast %add3A_73 : vector<16xi32> to vector<1x16xi32>
      tpu.vector_store %arg6[%swap3A_74, %swap3A_75], %swap3A_78 {strides = array<i32>} : memref<79x128xi32, #tpu.memory_space<vmem>>, vector<1x16xi32>,
      %get3A_79 = arith.index_cast %scan3A_46 : i32 to index
      %get3A_80 = arith.constant 48 : index
      %get3A_81 = tpu.vector_load %arg6[%get3A_79, %get3A_80] {strides = array<i32>} : memref<79x128xi32, #tpu.memory_space<vmem>>, vector<1x16xi32>,
      %get3A_82 = vector.shape_cast %get3A_81 : vector<1x16xi32> to vector<16xi32>
      %add3A_83 = vector.broadcast %mul3A_26 : i32 to vector<16xi32>
      %add3A_84 = arith.addi %get3A_82, %add3A_83 : vector<16xi32>
      %swap3A_85 = arith.index_cast %scan3A_46 : i32 to index
      %swap3A_86 = arith.constant 48 : index
      %swap3A_87 = tpu.vector_load %arg6[%swap3A_85, %swap3A_86] {strides = array<i32>} : memref<79x128xi32, #tpu.memory_space<vmem>>, vector<1x16xi32>,
      %swap3A_88 = vector.shape_cast %swap3A_87 : vector<1x16xi32> to vector<16xi32>
      %swap3A_89 = vector.shape_cast %add3A_84 : vector<16xi32> to vector<1x16xi32>
      tpu.vector_store %arg6[%swap3A_85, %swap3A_86], %swap3A_89 {strides = array<i32>} : memref<79x128xi32, #tpu.memory_space<vmem>>, vector<1x16xi32>,
      %get3A_90 = arith.index_cast %scan3A_46 : i32 to index
      %get3A_91 = arith.constant 64 : index
      %get3A_92 = tpu.vector_load %arg6[%get3A_90, %get3A_91] {strides = array<i32>} : memref<79x128xi32, #tpu.memory_space<vmem>>, vector<1x16xi32>,
      %get3A_93 = vector.shape_cast %get3A_92 : vector<1x16xi32> to vector<16xi32>
      %add3A_94 = vector.broadcast %mul3A_26 : i32 to vector<16xi32>
      %add3A_95 = arith.addi %get3A_93, %add3A_94 : vector<16xi32>
      %swap3A_96 = arith.index_cast %scan3A_46 : i32 to index
      %swap3A_97 = arith.constant 64 : index
      %swap3A_98 = tpu.vector_load %arg6[%swap3A_96, %swap3A_97] {strides = array<i32>} : memref<79x128xi32, #tpu.memory_space<vmem>>, vector<1x16xi32>,
      %swap3A_99 = vector.shape_cast %swap3A_98 : vector<1x16xi32> to vector<16xi32>
      %swap3A_100 = vector.shape_cast %add3A_95 : vector<16xi32> to vector<1x16xi32>
      tpu.vector_store %arg6[%swap3A_96, %swap3A_97], %swap3A_100 {strides = array<i32>} : memref<79x128xi32, #tpu.memory_space<vmem>>, vector<1x16xi32>,
      %get3A_101 = arith.index_cast %scan3A_46 : i32 to index
      %get3A_102 = arith.constant 80 : index
      %get3A_103 = tpu.vector_load %arg6[%get3A_101, %get3A_102] {strides = array<i32>} : memref<79x128xi32, #tpu.memory_space<vmem>>, vector<1x16xi32>,
      %get3A_104 = vector.shape_cast %get3A_103 : vector<1x16xi32> to vector<16xi32>
      %add3A_105 = vector.broadcast %mul3A_26 : i32 to vector<16xi32>
      %add3A_106 = arith.addi %get3A_104, %add3A_105 : vector<16xi32>
      %swap3A_107 = arith.index_cast %scan3A_46 : i32 to index
      %swap3A_108 = arith.constant 80 : index
      %swap3A_109 = tpu.vector_load %arg6[%swap3A_107, %swap3A_108] {strides = array<i32>} : memref<79x128xi32, #tpu.memory_space<vmem>>, vector<1x16xi32>,
      %swap3A_110 = vector.shape_cast %swap3A_109 : vector<1x16xi32> to vector<16xi32>
      %swap3A_111 = vector.shape_cast %add3A_106 : vector<16xi32> to vector<1x16xi32>
      tpu.vector_store %arg6[%swap3A_107, %swap3A_108], %swap3A_111 {strides = array<i32>} : memref<79x128xi32, #tpu.memory_space<vmem>>, vector<1x16xi32>,
      %get3A_112 = arith.index_cast %scan3A_46 : i32 to index
      %get3A_113 = arith.constant 96 : index
      %get3A_114 = tpu.vector_load %arg6[%get3A_112, %get3A_113] {strides = array<i32>} : memref<79x128xi32, #tpu.memory_space<vmem>>, vector<1x16xi32>,
      %get3A_115 = vector.shape_cast %get3A_114 : vector<1x16xi32> to vector<16xi32>
      %add3A_116 = vector.broadcast %mul3A_26 : i32 to vector<16xi32>
      %add3A_117 = arith.addi %get3A_115, %add3A_116 : vector<16xi32>
      %swap3A_118 = arith.index_cast %scan3A_46 : i32 to index
      %swap3A_119 = arith.constant 96 : index
      %swap3A_120 = tpu.vector_load %arg6[%swap3A_118, %swap3A_119] {strides = array<i32>} : memref<79x128xi32, #tpu.memory_space<vmem>>, vector<1x16xi32>,
      %swap3A_121 = vector.shape_cast %swap3A_120 : vector<1x16xi32> to vector<16xi32>
      %swap3A_122 = vector.shape_cast %add3A_117 : vector<16xi32> to vector<1x16xi32>
      tpu.vector_store %arg6[%swap3A_118, %swap3A_119], %swap3A_122 {strides = array<i32>} : memref<79x128xi32, #tpu.memory_space<vmem>>, vector<1x16xi32>,
      %get3A_123 = arith.index_cast %scan3A_46 : i32 to index
      %get3A_124 = arith.constant 112 : index
      %get3A_125 = tpu.vector_load %arg6[%get3A_123, %get3A_124] {strides = array<i32>} : memref<79x128xi32, #tpu.memory_space<vmem>>, vector<1x16xi32>,
      %get3A_126 = vector.shape_cast %get3A_125 : vector<1x16xi32> to vector<16xi32>
      %add3A_127 = vector.broadcast %mul3A_26 : i32 to vector<16xi32>
      %add3A_128 = arith.addi %get3A_126, %add3A_127 : vector<16xi32>
      %swap3A_129 = arith.index_cast %scan3A_46 : i32 to index
      %swap3A_130 = arith.constant 112 : index
      %swap3A_131 = tpu.vector_load %arg6[%swap3A_129, %swap3A_130] {strides = array<i32>} : memref<79x128xi32, #tpu.memory_space<vmem>>, vector<1x16xi32>,
      %swap3A_132 = vector.shape_cast %swap3A_131 : vector<1x16xi32> to vector<16xi32>
      %swap3A_133 = vector.shape_cast %add3A_128 : vector<16xi32> to vector<1x16xi32>
      tpu.vector_store %arg6[%swap3A_129, %swap3A_130], %swap3A_133 {strides = array<i32>} : memref<79x128xi32, #tpu.memory_space<vmem>>, vector<1x16xi32>,
      %scan3A_134 = arith.constant 0 : i32
      scf.yield %scan3A_134 : i32
    }
    %scan3A_33 = arith.constant 79 : i32
    %scan3A_34 = arith.constant 0 : i32
    %scan3A_35 = arith.constant 0 : i32
    %scan3A_36 = arith.constant 79 : i32
    %scan3A_37 = arith.addi %scan3A_35, %scan3A_36 : i32
    %scan3A_38 = arith.constant 1 : i32
    %scan3A_39 = scf.for %scan3A_46 = %scan3A_35 to %scan3A_37 step %scan3A_38 iter_args(%scan3A_47 = %scan3A_34) -> (i32)  : i32 {
      %dma_start3A = arith.constant 0 : i32
      %dma_start3A_48 = tpu.memref_slice %arg6[%scan3A_46, %dma_start3A] : memref<79x128xi32, #tpu.memory_space<vmem>> -> memref<1x128xi32, #tpu.memory_space<vmem>>
      %dma_start3A_49 = tpu.memref_squeeze %dma_start3A_48 : memref<1x128xi32, #tpu.memory_space<vmem>> -> memref<128xi32, #tpu.memory_space<vmem>>
      %dma_start3A_50 = arith.constant 0 : i32
      %dma_start3A_51 = arith.constant 0 : i32
      %dma_start3A_52 = tpu.memref_slice %arg2[%dma_start3A_50, %dma_start3A_51] : memref<20480x128xf32, #tpu.memory_space<hbm>> -> memref<20480x128xf32, #tpu.memory_space<hbm>>
      tpu.enqueue_indirect_dma source(%dma_start3A_52 : memref<20480x128xf32, #tpu.memory_space<hbm>>) target(%arg8 : memref<128x128xf32, #tpu.memory_space<vmem>>) offsets(%dma_start3A_49 : memref<128xi32, #tpu.memory_space<vmem>>) semaphore(%arg10 : memref<!tpu.dma_semaphore, #tpu.memory_space<semaphore_mem>>)
      %dma_wait3A = arith.constant 0 : i32
      %dma_wait3A_53 = tpu.memref_slice %arg6[%scan3A_46, %dma_wait3A] : memref<79x128xi32, #tpu.memory_space<vmem>> -> memref<1x128xi32, #tpu.memory_space<vmem>>
      %dma_wait3A_54 = tpu.memref_squeeze %dma_wait3A_53 : memref<1x128xi32, #tpu.memory_space<vmem>> -> memref<128xi32, #tpu.memory_space<vmem>>
      %dma_wait3A_55 = arith.constant 0 : i32
      %dma_wait3A_56 = arith.constant 0 : i32
      %dma_wait3A_57 = tpu.memref_slice %arg2[%dma_wait3A_55, %dma_wait3A_56] : memref<20480x128xf32, #tpu.memory_space<hbm>> -> memref<20480x128xf32, #tpu.memory_space<hbm>>
      tpu.wait_indirect_dma semaphore(%arg10 : memref<!tpu.dma_semaphore, #tpu.memory_space<semaphore_mem>>) src(%dma_wait3A_57 : memref<20480x128xf32, #tpu.memory_space<hbm>>) dst(%arg8 : memref<128x128xf32, #tpu.memory_space<vmem>>)
      "tpu.region"() ({
        %run_scoped3A = tpu.sem_alloc : memref<!tpu.dma_semaphore, #tpu.memory_space<semaphore_mem>>
        %dma_start3A_59 = arith.constant 0 : i32
        %dma_start3A_60 = tpu.memref_slice %arg7[%scan3A_46, %dma_start3A_59] : memref<79x128xi32, #tpu.memory_space<vmem>> -> memref<1x128xi32, #tpu.memory_space<vmem>>
        %dma_start3A_61 = tpu.memref_squeeze %dma_start3A_60 : memref<1x128xi32, #tpu.memory_space<vmem>> -> memref<128xi32, #tpu.memory_space<vmem>>
        %dma_start3A_62 = arith.constant 0 : i32
        %dma_start3A_63 = arith.constant 0 : i32
        %dma_start3A_64 = tpu.memref_slice %arg9[%dma_start3A_62, %dma_start3A_63] : memref<10240x128xf32, #tpu.memory_space<vmem_shared>> -> memref<10240x128xf32, #tpu.memory_space<vmem_shared>>
        tpu.enqueue_indirect_dma source(%arg8 : memref<128x128xf32, #tpu.memory_space<vmem>>) target(%dma_start3A_64 : memref<10240x128xf32, #tpu.memory_space<vmem_shared>>) offsets(%dma_start3A_61 : memref<128xi32, #tpu.memory_space<vmem>>) semaphore(%run_scoped3A : memref<!tpu.dma_semaphore, #tpu.memory_space<semaphore_mem>>) {add = true}
        %dma_wait3A_65 = arith.constant 0 : i32
        %dma_wait3A_66 = tpu.memref_slice %arg7[%scan3A_46, %dma_wait3A_65] : memref<79x128xi32, #tpu.memory_space<vmem>> -> memref<1x128xi32, #tpu.memory_space<vmem>>
        %dma_wait3A_67 = tpu.memref_squeeze %dma_wait3A_66 : memref<1x128xi32, #tpu.memory_space<vmem>> -> memref<128xi32, #tpu.memory_space<vmem>>
        %dma_wait3A_68 = arith.constant 0 : i32
        %dma_wait3A_69 = arith.constant 0 : i32
        %dma_wait3A_70 = tpu.memref_slice %arg9[%dma_wait3A_68, %dma_wait3A_69] : memref<10240x128xf32, #tpu.memory_space<vmem_shared>> -> memref<10240x128xf32, #tpu.memory_space<vmem_shared>>
        tpu.wait_indirect_dma semaphore(%run_scoped3A : memref<!tpu.dma_semaphore, #tpu.memory_space<semaphore_mem>>) src(%arg8 : memref<128x128xf32, #tpu.memory_space<vmem>>) dst(%dma_wait3A_70 : memref<10240x128xf32, #tpu.memory_space<vmem_shared>>)
        tpu.yield
      }) : () -> ()
      %scan3A_58 = arith.constant 0 : i32
      scf.yield %scan3A_58 : i32
    }
    %scan3A_40 = arith.constant 79 : i32
    %barrier3A_41 = arith.constant 0 : index
    tpu.barrier barrier_id(%barrier3A_41)
    %mul3A_42 = arith.constant 640 : i32
    %mul3A_43 = arith.muli %arg1, %mul3A_42 : i32
    %mul3A_44 = arith.constant 640 : i32
    %mul3A_45 = arith.muli %arg1, %mul3A_44 : i32
    "tpu.region"() ({
      %run_scoped3A = tpu.sem_alloc : memref<!tpu.dma_semaphore, #tpu.memory_space<semaphore_mem>>
      %dma_start3A = arith.constant 0 : i32
      %dma_start3A_46 = tpu.memref_slice %arg5[%arg0, %mul3A_45, %dma_start3A] : memref<2x10240x128xf32, #tpu.memory_space<hbm>> -> memref<1x640x128xf32, #tpu.memory_space<hbm>>
      %dma_start3A_47 = tpu.memref_squeeze %dma_start3A_46 : memref<1x640x128xf32, #tpu.memory_space<hbm>> -> memref<640x128xf32, #tpu.memory_space<hbm>>
      %dma_start3A_48 = arith.constant 0 : i32
      %dma_start3A_49 = tpu.memref_slice %arg9[%mul3A_43, %dma_start3A_48] : memref<10240x128xf32, #tpu.memory_space<vmem_shared>> -> memref<640x128xf32, #tpu.memory_space<vmem_shared>>
      tpu.enqueue_dma source(%dma_start3A_49 : memref<640x128xf32, #tpu.memory_space<vmem_shared>>) target(%dma_start3A_47 : memref<640x128xf32, #tpu.memory_space<hbm>>) target_semaphore(%run_scoped3A : memref<!tpu.dma_semaphore, #tpu.memory_space<semaphore_mem>>)
      %dma_wait3A = arith.constant 0 : i32
      %dma_wait3A_50 = tpu.memref_slice %arg5[%arg0, %mul3A_45, %dma_wait3A] : memref<2x10240x128xf32, #tpu.memory_space<hbm>> -> memref<1x640x128xf32, #tpu.memory_space<hbm>>
      %dma_wait3A_51 = tpu.memref_squeeze %dma_wait3A_50 : memref<1x640x128xf32, #tpu.memory_space<hbm>> -> memref<640x128xf32, #tpu.memory_space<hbm>>
      %dma_wait3A_52 = arith.constant 0 : i32
      %dma_wait3A_53 = tpu.memref_slice %arg9[%mul3A_43, %dma_wait3A_52] : memref<10240x128xf32, #tpu.memory_space<vmem_shared>> -> memref<640x128xf32, #tpu.memory_space<vmem_shared>>
      tpu.wait_dma2 semaphore(%run_scoped3A : memref<!tpu.dma_semaphore, #tpu.memory_space<semaphore_mem>>) src(%dma_wait3A_53 : memref<640x128xf32, #tpu.memory_space<vmem_shared>>) dst(%dma_wait3A_51 : memref<640x128xf32, #tpu.memory_space<hbm>>)
      tpu.yield
    }) : () -> ()
    return
  }
}

module attributes {stable_mosaic.version = 14 : i64} {
  func.func @_layer_body(%arg0: i32, %arg1: memref<2x256x128xf32, #tpu.memory_space<vmem>>, %arg2: memref<2x256x128xf32, #tpu.memory_space<vmem>>, %arg3: memref<256x128xf32, #tpu.memory_space<vmem>>, %arg4: memref<256x256xf32, #tpu.memory_space<vmem>>, %arg5: memref<1x256xf32, #tpu.memory_space<vmem>>, %arg6: memref<256x256xf32, #tpu.memory_space<vmem>>, %arg7: memref<2x256x128xf32, #tpu.memory_space<vmem>>) attributes {dimension_semantics = [#tpu.dimension_semantics<arbitrary>], iteration_bounds = array<i64: 40>, scalar_prefetch = 0 : i64, scratch_operands = 0 : i64, tpu.core_type = #tpu.core_type<tc>, window_params = [{transform_indices = @transform_0, window_bounds = array<i64: 2, 256, 128>}, {transform_indices = @transform_1, window_bounds = array<i64: 2, 256, 128>}, {transform_indices = @transform_2, window_bounds = array<i64: 256, 128>}, {pipeline_mode = #tpu.pipeline_mode<synchronous>, transform_indices = @transform_3, window_bounds = array<i64: 256, 256>}, {pipeline_mode = #tpu.pipeline_mode<synchronous>, transform_indices = @transform_4, window_bounds = array<i64: 1, 256>}, {pipeline_mode = #tpu.pipeline_mode<synchronous>, transform_indices = @transform_5, window_bounds = array<i64: 256, 256>}, {transform_indices = @transform_6, window_bounds = array<i64: 2, 256, 128>}]} {
    %get3A = arith.constant 0 : index
    %get3A_0 = arith.constant 0 : index
    %get3A_1 = arith.constant 0 : index
    %get3A_2 = vector.load %arg1[%get3A, %get3A_0, %get3A_1] : memref<2x256x128xf32, #tpu.memory_space<vmem>>, vector<1x256x128xf32>
    %get3A_3 = vector.shape_cast %get3A_2 : vector<1x256x128xf32> to vector<256x128xf32>
    %get3A_4 = arith.constant 1 : index
    %get3A_5 = arith.constant 0 : index
    %get3A_6 = arith.constant 0 : index
    %get3A_7 = vector.load %arg1[%get3A_4, %get3A_5, %get3A_6] : memref<2x256x128xf32, #tpu.memory_space<vmem>>, vector<1x256x128xf32>
    %get3A_8 = vector.shape_cast %get3A_7 : vector<1x256x128xf32> to vector<256x128xf32>
    %concatenate3A = tpu.concatenate %get3A_3, %get3A_8 in 1 : vector<256x128xf32>, vector<256x128xf32> -> vector<256x256xf32>
    %get3A_9 = arith.constant 0 : index
    %get3A_10 = arith.constant 0 : index
    %get3A_11 = arith.constant 0 : index
    %get3A_12 = vector.load %arg2[%get3A_9, %get3A_10, %get3A_11] : memref<2x256x128xf32, #tpu.memory_space<vmem>>, vector<1x256x128xf32>
    %get3A_13 = vector.shape_cast %get3A_12 : vector<1x256x128xf32> to vector<256x128xf32>
    %get3A_14 = arith.constant 1 : index
    %get3A_15 = arith.constant 0 : index
    %get3A_16 = arith.constant 0 : index
    %get3A_17 = vector.load %arg2[%get3A_14, %get3A_15, %get3A_16] : memref<2x256x128xf32, #tpu.memory_space<vmem>>, vector<1x256x128xf32>
    %get3A_18 = vector.shape_cast %get3A_17 : vector<1x256x128xf32> to vector<256x128xf32>
    %concatenate3A_19 = tpu.concatenate %get3A_13, %get3A_18 in 1 : vector<256x128xf32>, vector<256x128xf32> -> vector<256x256xf32>
    %get3A_20 = arith.constant 0 : index
    %get3A_21 = arith.constant 0 : index
    %get3A_22 = vector.load %arg3[%get3A_20, %get3A_21] : memref<256x128xf32, #tpu.memory_space<vmem>>, vector<256x128xf32>
    %max3A = arith.constant 1.000000e+00 : f32
    %max3A_23 = vector.broadcast %max3A : f32 to vector<256x128xf32>
    %max3A_24 = arith.maximumf %get3A_22, %max3A_23 : vector<256x128xf32>
    %div3A = arith.constant 1.000000e+00 : f32
    %div3A_25 = vector.broadcast %div3A : f32 to vector<256x128xf32>
    %div3A_26 = arith.divf %div3A_25, %max3A_24 : vector<256x128xf32>
    %concatenate3A_27 = tpu.concatenate %div3A_26, %div3A_26 in 1 : vector<256x128xf32>, vector<256x128xf32> -> vector<256x256xf32>
    %mul3A = arith.mulf %concatenate3A, %concatenate3A_27 : vector<256x256xf32>
    %get3A_28 = arith.constant 0 : index
    %get3A_29 = arith.constant 0 : index
    %get3A_30 = vector.load %arg4[%get3A_28, %get3A_29] : memref<256x256xf32, #tpu.memory_space<vmem>>, vector<256x256xf32>
    %dot_general3A = arith.constant dense<0.000000e+00> : vector<256x256xf32>
    %dot_general3A_31 = tpu.matmul %mul3A, %get3A_30, %dot_general3A {dimension_numbers = #tpu.dot_dimension_numbers<[1], [0], [0], [1], [0, 0, 1, 1], [], []>, precision = #tpu.contract_precision<fp32>, transpose_lhs_hint = false} : vector<256x256xf32>, vector<256x256xf32>, vector<256x256xf32> -> vector<256x256xf32>
    %get3A_32 = arith.constant 0 : index
    %get3A_33 = arith.constant 0 : index
    %get3A_34 = vector.load %arg6[%get3A_32, %get3A_33] : memref<256x256xf32, #tpu.memory_space<vmem>>, vector<256x256xf32>
    %dot_general3A_35 = arith.constant dense<0.000000e+00> : vector<256x256xf32>
    %dot_general3A_36 = tpu.matmul %concatenate3A_19, %get3A_34, %dot_general3A_35 {dimension_numbers = #tpu.dot_dimension_numbers<[1], [0], [0], [1], [0, 0, 1, 1], [], []>, precision = #tpu.contract_precision<fp32>, transpose_lhs_hint = false} : vector<256x256xf32>, vector<256x256xf32>, vector<256x256xf32> -> vector<256x256xf32>
    %add3A = arith.addf %dot_general3A_31, %dot_general3A_36 : vector<256x256xf32>
    %get3A_37 = arith.constant 0 : index
    %get3A_38 = arith.constant 0 : index
    %get3A_39 = vector.load %arg5[%get3A_37, %get3A_38] : memref<1x256xf32, #tpu.memory_space<vmem>>, vector<1x256xf32>
    %add3A_40 = vector.broadcast %get3A_39 : vector<1x256xf32> to vector<256x256xf32>
    %add3A_41 = arith.addf %add3A, %add3A_40 : vector<256x256xf32>
    %max3A_42 = arith.constant 0.000000e+00 : f32
    %max3A_43 = vector.broadcast %max3A_42 : f32 to vector<256x256xf32>
    %max3A_44 = arith.maximumf %add3A_41, %max3A_43 : vector<256x256xf32>
    %slice3A = vector.extract_strided_slice %max3A_44 {offsets = [0, 0], sizes = [256, 128], strides = [1, 1]} : vector<256x256xf32> to vector<256x128xf32>
    %swap3A = arith.constant 0 : index
    %swap3A_45 = arith.constant 0 : index
    %swap3A_46 = arith.constant 0 : index
    %swap3A_47 = vector.load %arg7[%swap3A, %swap3A_45, %swap3A_46] : memref<2x256x128xf32, #tpu.memory_space<vmem>>, vector<1x256x128xf32>
    %swap3A_48 = vector.shape_cast %swap3A_47 : vector<1x256x128xf32> to vector<256x128xf32>
    %swap3A_49 = vector.shape_cast %slice3A : vector<256x128xf32> to vector<1x256x128xf32>
    tpu.vector_store %arg7[%swap3A, %swap3A_45, %swap3A_46], %swap3A_49 {strides = array<i32>} : memref<2x256x128xf32, #tpu.memory_space<vmem>>, vector<1x256x128xf32>,
    %slice3A_50 = vector.extract_strided_slice %max3A_44 {offsets = [0, 128], sizes = [256, 128], strides = [1, 1]} : vector<256x256xf32> to vector<256x128xf32>
    %swap3A_51 = arith.constant 1 : index
    %swap3A_52 = arith.constant 0 : index
    %swap3A_53 = arith.constant 0 : index
    %swap3A_54 = vector.load %arg7[%swap3A_51, %swap3A_52, %swap3A_53] : memref<2x256x128xf32, #tpu.memory_space<vmem>>, vector<1x256x128xf32>
    %swap3A_55 = vector.shape_cast %swap3A_54 : vector<1x256x128xf32> to vector<256x128xf32>
    %swap3A_56 = vector.shape_cast %slice3A_50 : vector<256x128xf32> to vector<1x256x128xf32>
    tpu.vector_store %arg7[%swap3A_51, %swap3A_52, %swap3A_53], %swap3A_56 {strides = array<i32>} : memref<2x256x128xf32, #tpu.memory_space<vmem>>, vector<1x256x128xf32>,
    return
  }
  func.func @transform_0(%arg0: i32) -> (i32, i32, i32) {
    %c0_i32 = arith.constant 0 : i32
    %c0_i32_0 = arith.constant 0 : i32
    %c0_i32_1 = arith.constant 0 : i32
    return %c0_i32, %arg0, %c0_i32_0 : i32, i32, i32
  }
  func.func @transform_1(%arg0: i32) -> (i32, i32, i32) {
    %c0_i32 = arith.constant 0 : i32
    %c0_i32_0 = arith.constant 0 : i32
    %c0_i32_1 = arith.constant 0 : i32
    return %c0_i32, %arg0, %c0_i32_0 : i32, i32, i32
  }
  func.func @transform_2(%arg0: i32) -> (i32, i32) {
    %c0_i32 = arith.constant 0 : i32
    %c0_i32_0 = arith.constant 0 : i32
    return %arg0, %c0_i32 : i32, i32
  }
  func.func @transform_3(%arg0: i32) -> (i32, i32) {
    %c0_i32 = arith.constant 0 : i32
    %c0_i32_0 = arith.constant 0 : i32
    %c0_i32_1 = arith.constant 0 : i32
    return %c0_i32, %c0_i32_0 : i32, i32
  }
  func.func @transform_4(%arg0: i32) -> (i32, i32) {
    %c0_i32 = arith.constant 0 : i32
    %c0_i32_0 = arith.constant 0 : i32
    %c0_i32_1 = arith.constant 0 : i32
    return %c0_i32, %c0_i32_0 : i32, i32
  }
  func.func @transform_5(%arg0: i32) -> (i32, i32) {
    %c0_i32 = arith.constant 0 : i32
    %c0_i32_0 = arith.constant 0 : i32
    %c0_i32_1 = arith.constant 0 : i32
    return %c0_i32, %c0_i32_0 : i32, i32
  }
  func.func @transform_6(%arg0: i32) -> (i32, i32, i32) {
    %c0_i32 = arith.constant 0 : i32
    %c0_i32_0 = arith.constant 0 : i32
    %c0_i32_1 = arith.constant 0 : i32
    return %c0_i32, %arg0, %c0_i32_0 : i32, i32, i32
  }
}

module attributes {stable_mosaic.version = 14 : i64} {
  func.func @_pool_body(%arg0: i32, %arg1: memref<2x256x128xf32, #tpu.memory_space<vmem>>, %arg2: memref<1x1x256xi32, #tpu.memory_space<vmem>>, %arg3: memref<256x256xf32, #tpu.memory_space<vmem>>, %arg4: memref<1x256xf32, #tpu.memory_space<vmem>>, %arg5: memref<256x128xf32, #tpu.memory_space<vmem>>, %arg6: memref<1x128xf32, #tpu.memory_space<vmem>>, %arg7: memref<64x128xf32, #tpu.memory_space<vmem>>, %arg8: memref<64x256xf32, #tpu.memory_space<vmem>>, %arg9: memref<64x256xf32, #tpu.memory_space<vmem>>) attributes {dimension_semantics = [#tpu.dimension_semantics<arbitrary>], iteration_bounds = array<i64: 40>, scalar_prefetch = 0 : i64, scratch_operands = 2 : i64, tpu.core_type = #tpu.core_type<tc>, window_params = [{transform_indices = @transform_0, window_bounds = array<i64: 2, 256, 128>}, {transform_indices = @transform_1, window_bounds = array<i64: 1, 1, 256>}, {pipeline_mode = #tpu.pipeline_mode<synchronous>, transform_indices = @transform_2, window_bounds = array<i64: 256, 256>}, {pipeline_mode = #tpu.pipeline_mode<synchronous>, transform_indices = @transform_3, window_bounds = array<i64: 1, 256>}, {pipeline_mode = #tpu.pipeline_mode<synchronous>, transform_indices = @transform_4, window_bounds = array<i64: 256, 128>}, {pipeline_mode = #tpu.pipeline_mode<synchronous>, transform_indices = @transform_5, window_bounds = array<i64: 1, 128>}, {pipeline_mode = #tpu.pipeline_mode<synchronous>, transform_indices = @transform_6, window_bounds = array<i64: 64, 128>}]} {
    %eq3A = arith.constant 0 : i32
    %eq3A_0 = arith.cmpi eq, %arg0, %eq3A : i32
    %convert_element_type3A = arith.extui %eq3A_0 : i1 to i32
    %cond3A = arith.constant 0 : i32
    %cond3A_1 = arith.cmpi ne, %convert_element_type3A, %cond3A : i32
    scf.if %cond3A_1 {
      %broadcast_in_dim3A_42 = arith.constant 0.000000e+00 : f32
      %broadcast_in_dim3A_43 = vector.broadcast %broadcast_in_dim3A_42 : f32 to vector<64x256xf32>
      %swap3A_44 = arith.constant 0 : index
      %swap3A_45 = arith.constant 0 : index
      %swap3A_46 = vector.load %arg8[%swap3A_44, %swap3A_45] : memref<64x256xf32, #tpu.memory_space<vmem>>, vector<64x256xf32>
      tpu.vector_store %arg8[%swap3A_44, %swap3A_45], %broadcast_in_dim3A_43 {strides = array<i32>} : memref<64x256xf32, #tpu.memory_space<vmem>>, vector<64x256xf32>,
      %broadcast_in_dim3A_47 = arith.constant 0.000000e+00 : f32
      %broadcast_in_dim3A_48 = vector.broadcast %broadcast_in_dim3A_47 : f32 to vector<64x256xf32>
      %swap3A_49 = arith.constant 0 : index
      %swap3A_50 = arith.constant 0 : index
      %swap3A_51 = vector.load %arg9[%swap3A_49, %swap3A_50] : memref<64x256xf32, #tpu.memory_space<vmem>>, vector<64x256xf32>
      tpu.vector_store %arg9[%swap3A_49, %swap3A_50], %broadcast_in_dim3A_48 {strides = array<i32>} : memref<64x256xf32, #tpu.memory_space<vmem>>, vector<64x256xf32>,
    } else {
    }
    %get3A = arith.constant 0 : index
    %get3A_2 = arith.constant 0 : index
    %get3A_3 = arith.constant 0 : index
    %get3A_4 = vector.load %arg1[%get3A, %get3A_2, %get3A_3] : memref<2x256x128xf32, #tpu.memory_space<vmem>>, vector<1x256x128xf32>
    %get3A_5 = vector.shape_cast %get3A_4 : vector<1x256x128xf32> to vector<256x128xf32>
    %get3A_6 = arith.constant 1 : index
    %get3A_7 = arith.constant 0 : index
    %get3A_8 = arith.constant 0 : index
    %get3A_9 = vector.load %arg1[%get3A_6, %get3A_7, %get3A_8] : memref<2x256x128xf32, #tpu.memory_space<vmem>>, vector<1x256x128xf32>
    %get3A_10 = vector.shape_cast %get3A_9 : vector<1x256x128xf32> to vector<256x128xf32>
    %concatenate3A = tpu.concatenate %get3A_5, %get3A_10 in 1 : vector<256x128xf32>, vector<256x128xf32> -> vector<256x256xf32>
    %iota3A = tpu.iota {dimensions = array<i32: 0>} : vector<64x256xi32>
    %get3A_11 = arith.constant 0 : index
    %get3A_12 = arith.constant 0 : index
    %get3A_13 = arith.constant 0 : index
    %get3A_14 = vector.load %arg2[%get3A_11, %get3A_12, %get3A_13] : memref<1x1x256xi32, #tpu.memory_space<vmem>>, vector<1x1x256xi32>
    %get3A_15 = vector.shape_cast %get3A_14 : vector<1x1x256xi32> to vector<1x256xi32>
    %broadcast_in_dim3A = vector.shape_cast %get3A_15 : vector<1x256xi32> to vector<1x256xi32>
    %broadcast_in_dim3A_16 = vector.broadcast %broadcast_in_dim3A : vector<1x256xi32> to vector<64x256xi32>
    %eq3A_17 = arith.cmpi eq, %broadcast_in_dim3A_16, %iota3A : vector<64x256xi32>
    %convert_element_type3A_18 = arith.extui %eq3A_17 : vector<64x256xi1> to vector<64x256xi32>
    %convert_element_type3A_19 = arith.sitofp %convert_element_type3A_18 : vector<64x256xi32> to vector<64x256xf32>
    %get3A_20 = arith.constant 0 : index
    %get3A_21 = arith.constant 0 : index
    %get3A_22 = vector.load %arg8[%get3A_20, %get3A_21] : memref<64x256xf32, #tpu.memory_space<vmem>>, vector<64x256xf32>
    %dot_general3A = arith.constant dense<0.000000e+00> : vector<64x256xf32>
    %dot_general3A_23 = tpu.matmul %convert_element_type3A_19, %concatenate3A, %dot_general3A {dimension_numbers = #tpu.dot_dimension_numbers<[1], [0], [0], [1], [0, 0, 1, 1], [], []>, precision = #tpu.contract_precision<fp32>, transpose_lhs_hint = false} : vector<64x256xf32>, vector<256x256xf32>, vector<64x256xf32> -> vector<64x256xf32>
    %add3A = arith.addf %get3A_22, %dot_general3A_23 : vector<64x256xf32>
    %swap3A = arith.constant 0 : index
    %swap3A_24 = arith.constant 0 : index
    %swap3A_25 = vector.load %arg8[%swap3A, %swap3A_24] : memref<64x256xf32, #tpu.memory_space<vmem>>, vector<64x256xf32>
    tpu.vector_store %arg8[%swap3A, %swap3A_24], %add3A {strides = array<i32>} : memref<64x256xf32, #tpu.memory_space<vmem>>, vector<64x256xf32>,
    %reduce_sum3A = arith.constant dense<0.000000e+00> : vector<64xf32>
    %reduce_sum3A_26 = vector.multi_reduction <add>, %convert_element_type3A_19, %reduce_sum3A [1] : vector<64x256xf32> to vector<64xf32>
    %broadcast_in_dim3A_27 = vector.shape_cast %reduce_sum3A_26 : vector<64xf32> to vector<64x1xf32>
    %get3A_28 = arith.constant 0 : index
    %get3A_29 = arith.constant 0 : index
    %get3A_30 = vector.load %arg9[%get3A_28, %get3A_29] : memref<64x256xf32, #tpu.memory_space<vmem>>, vector<64x256xf32>
    %broadcast_in_dim3A_31 = vector.shape_cast %broadcast_in_dim3A_27 : vector<64x1xf32> to vector<64x1xf32>
    %broadcast_in_dim3A_32 = vector.broadcast %broadcast_in_dim3A_31 : vector<64x1xf32> to vector<64x256xf32>
    %add3A_33 = arith.addf %get3A_30, %broadcast_in_dim3A_32 : vector<64x256xf32>
    %swap3A_34 = arith.constant 0 : index
    %swap3A_35 = arith.constant 0 : index
    %swap3A_36 = vector.load %arg9[%swap3A_34, %swap3A_35] : memref<64x256xf32, #tpu.memory_space<vmem>>, vector<64x256xf32>
    tpu.vector_store %arg9[%swap3A_34, %swap3A_35], %add3A_33 {strides = array<i32>} : memref<64x256xf32, #tpu.memory_space<vmem>>, vector<64x256xf32>,
    %eq3A_37 = arith.constant 39 : i32
    %eq3A_38 = arith.cmpi eq, %arg0, %eq3A_37 : i32
    %convert_element_type3A_39 = arith.extui %eq3A_38 : i1 to i32
    %cond3A_40 = arith.constant 0 : i32
    %cond3A_41 = arith.cmpi ne, %convert_element_type3A_39, %cond3A_40 : i32
    scf.if %cond3A_41 {
      %get3A_42 = arith.constant 0 : index
      %get3A_43 = arith.constant 0 : index
      %get3A_44 = vector.load %arg8[%get3A_42, %get3A_43] : memref<64x256xf32, #tpu.memory_space<vmem>>, vector<64x256xf32>
      %get3A_45 = arith.constant 0 : index
      %get3A_46 = arith.constant 0 : index
      %get3A_47 = vector.load %arg9[%get3A_45, %get3A_46] : memref<64x256xf32, #tpu.memory_space<vmem>>, vector<64x256xf32>
      %max3A = arith.constant 1.000000e+00 : f32
      %max3A_48 = vector.broadcast %max3A : f32 to vector<64x256xf32>
      %max3A_49 = arith.maximumf %get3A_47, %max3A_48 : vector<64x256xf32>
      %div3A = arith.divf %get3A_44, %max3A_49 : vector<64x256xf32>
      %get3A_50 = arith.constant 0 : index
      %get3A_51 = arith.constant 0 : index
      %get3A_52 = vector.load %arg3[%get3A_50, %get3A_51] : memref<256x256xf32, #tpu.memory_space<vmem>>, vector<256x256xf32>
      %dot_general3A_53 = arith.constant dense<0.000000e+00> : vector<64x256xf32>
      %dot_general3A_54 = tpu.matmul %div3A, %get3A_52, %dot_general3A_53 {dimension_numbers = #tpu.dot_dimension_numbers<[1], [0], [0], [1], [0, 0, 1, 1], [], []>, precision = #tpu.contract_precision<fp32>, transpose_lhs_hint = false} : vector<64x256xf32>, vector<256x256xf32>, vector<64x256xf32> -> vector<64x256xf32>
      %get3A_55 = arith.constant 0 : index
      %get3A_56 = arith.constant 0 : index
      %get3A_57 = vector.load %arg4[%get3A_55, %get3A_56] : memref<1x256xf32, #tpu.memory_space<vmem>>, vector<1x256xf32>
      %add3A_58 = vector.broadcast %get3A_57 : vector<1x256xf32> to vector<64x256xf32>
      %add3A_59 = arith.addf %dot_general3A_54, %add3A_58 : vector<64x256xf32>
      %max3A_60 = arith.constant 0.000000e+00 : f32
      %max3A_61 = vector.broadcast %max3A_60 : f32 to vector<64x256xf32>
      %max3A_62 = arith.maximumf %add3A_59, %max3A_61 : vector<64x256xf32>
      %get3A_63 = arith.constant 0 : index
      %get3A_64 = arith.constant 0 : index
      %get3A_65 = vector.load %arg5[%get3A_63, %get3A_64] : memref<256x128xf32, #tpu.memory_space<vmem>>, vector<256x128xf32>
      %dot_general3A_66 = arith.constant dense<0.000000e+00> : vector<64x128xf32>
      %dot_general3A_67 = tpu.matmul %max3A_62, %get3A_65, %dot_general3A_66 {dimension_numbers = #tpu.dot_dimension_numbers<[1], [0], [0], [1], [0, 0, 1, 1], [], []>, precision = #tpu.contract_precision<fp32>, transpose_lhs_hint = false} : vector<64x256xf32>, vector<256x128xf32>, vector<64x128xf32> -> vector<64x128xf32>
      %get3A_68 = arith.constant 0 : index
      %get3A_69 = arith.constant 0 : index
      %get3A_70 = vector.load %arg6[%get3A_68, %get3A_69] : memref<1x128xf32, #tpu.memory_space<vmem>>, vector<1x128xf32>
      %add3A_71 = vector.broadcast %get3A_70 : vector<1x128xf32> to vector<64x128xf32>
      %add3A_72 = arith.addf %dot_general3A_67, %add3A_71 : vector<64x128xf32>
      %reduce_max3A = arith.constant dense<0xFF800000> : vector<64xf32>
      %reduce_max3A_73 = vector.multi_reduction <maximumf>, %add3A_72, %reduce_max3A [1] : vector<64x128xf32> to vector<64xf32>
      %broadcast_in_dim3A_74 = vector.shape_cast %reduce_max3A_73 : vector<64xf32> to vector<64x1xf32>
      %sub3A = vector.broadcast %broadcast_in_dim3A_74 : vector<64x1xf32> to vector<64x128xf32>
      %sub3A_75 = arith.subf %add3A_72, %sub3A : vector<64x128xf32>
      %exp3A = math.exp %sub3A_75 : vector<64x128xf32>
      %reduce_sum3A_76 = arith.constant dense<0.000000e+00> : vector<64xf32>
      %reduce_sum3A_77 = vector.multi_reduction <add>, %exp3A, %reduce_sum3A_76 [1] : vector<64x128xf32> to vector<64xf32>
      %broadcast_in_dim3A_78 = vector.shape_cast %reduce_sum3A_77 : vector<64xf32> to vector<64x1xf32>
      %log3A = math.log %broadcast_in_dim3A_78 : vector<64x1xf32>
      %add3A_79 = arith.addf %log3A, %broadcast_in_dim3A_74 : vector<64x1xf32>
      %sub3A_80 = vector.broadcast %add3A_79 : vector<64x1xf32> to vector<64x128xf32>
      %sub3A_81 = arith.subf %add3A_72, %sub3A_80 : vector<64x128xf32>
      %swap3A_82 = arith.constant 0 : index
      %swap3A_83 = arith.constant 0 : index
      %swap3A_84 = vector.load %arg7[%swap3A_82, %swap3A_83] : memref<64x128xf32, #tpu.memory_space<vmem>>, vector<64x128xf32>
      tpu.vector_store %arg7[%swap3A_82, %swap3A_83], %sub3A_81 {strides = array<i32>} : memref<64x128xf32, #tpu.memory_space<vmem>>, vector<64x128xf32>,
    } else {
    }
    return
  }
  func.func @transform_0(%arg0: i32) -> (i32, i32, i32) {
    %c0_i32 = arith.constant 0 : i32
    %c0_i32_0 = arith.constant 0 : i32
    %c0_i32_1 = arith.constant 0 : i32
    return %c0_i32, %arg0, %c0_i32_0 : i32, i32, i32
  }
  func.func @transform_1(%arg0: i32) -> (i32, i32, i32) {
    %c0_i32 = arith.constant 0 : i32
    %c0_i32_0 = arith.constant 0 : i32
    %c0_i32_1 = arith.constant 0 : i32
    return %arg0, %c0_i32, %c0_i32_0 : i32, i32, i32
  }
  func.func @transform_2(%arg0: i32) -> (i32, i32) {
    %c0_i32 = arith.constant 0 : i32
    %c0_i32_0 = arith.constant 0 : i32
    %c0_i32_1 = arith.constant 0 : i32
    return %c0_i32, %c0_i32_0 : i32, i32
  }
  func.func @transform_3(%arg0: i32) -> (i32, i32) {
    %c0_i32 = arith.constant 0 : i32
    %c0_i32_0 = arith.constant 0 : i32
    %c0_i32_1 = arith.constant 0 : i32
    return %c0_i32, %c0_i32_0 : i32, i32
  }
  func.func @transform_4(%arg0: i32) -> (i32, i32) {
    %c0_i32 = arith.constant 0 : i32
    %c0_i32_0 = arith.constant 0 : i32
    %c0_i32_1 = arith.constant 0 : i32
    return %c0_i32, %c0_i32_0 : i32, i32
  }
  func.func @transform_5(%arg0: i32) -> (i32, i32) {
    %c0_i32 = arith.constant 0 : i32
    %c0_i32_0 = arith.constant 0 : i32
    %c0_i32_1 = arith.constant 0 : i32
    return %c0_i32, %c0_i32_0 : i32, i32
  }
  func.func @transform_6(%arg0: i32) -> (i32, i32) {
    %c0_i32 = arith.constant 0 : i32
    %c0_i32_0 = arith.constant 0 : i32
    %c0_i32_1 = arith.constant 0 : i32
    return %c0_i32, %c0_i32_0 : i32, i32
  }
}

</mosaic_0001>

<sc_bundles>
// kernel: kernel.10.cloned.1.call-start
scs
__scs_entry_jumppad:
0x0: {  	(pc) =	sbr.rel $0x88, $3  }
0x1: {  	(tag) =	ssettag $0x0;
	lr =	simm.s32 $0x1  }
0x2: {  	[smem:$0x3F91] =	sst lr;
	_ =	strace $0xD0000000  }
0x3: {  	_ = 	snop  }
0x4: {  	_ = 	snop  }
0x5: {  	_ = 	snop  }
0x6: {  	_ = 	snop  }
0x7: {  	_ = 	snop  }
__scs_overlays_trampoline_lowered:
0x8: {  	[smem:$0x3FA0] =	sst s0  }
0x9: {  	[smem:$0x3FA1] =	sst s1  }
0xa: {  	[smem:$0x3FA2] =	sst s2  }
0xb: {  	[smem:$0x3FA3] =	sst s3  }
0xc: {  	[smem:$0x3FA4] =	sst s4  }
0xd: {  	[smem:$0x3FA5] =	sst s5  }
0xe: {  	[smem:$0x3FA6] =	sst s6  }
0xf: {  	[smem:$0x3FA7] =	sst s7  }
0x10: {  	[smem:$0x3FA8] =	sst s8  }
0x11: {  	[smem:$0x3FA9] =	sst s9;
	s0 =	simm.s32 @!p0 $0x0  }
0x12: {  	s1 =	sld [smem:$0x3F8F];
	s0 =	simm.s32 @p0 $0x1  }
0x13: {  	[smem:$0x3FAA] =	sst s0;
	s0 =	simm.s32 @!p1 $0x0  }
0x14: {  	s2 =	sld [smem:$0x3F8E];
	s0 =	simm.s32 @p1 $0x1  }
0x15: {  	[smem:$0x3FAB] =	sst s0;
	s0 =	simm.s32 @!p2 $0x0  }
0x16: {  	s3 =	sld [smem:$0x3FDB];
	s0 =	simm.s32 @p2 $0x1  }
0x17: {  	s4 =	simm.s32 $0x1BF5;
	[smem:$0x3FAD] =	sst s0  }
0x18: {  	s0 =	sld [smem:$0x3F90];
	_ =	swait.ge [sflag:s4], $0x0  }
0x19: {  	s7 =	sld [smem:$0x3F91]  }
0x1a: {  	s8 =	sadd.s32 $0xFFFFE003, lr  }
0x1b: {  	s9 =	sadd.s32 $0xFFFFFEF7, lr;
	s5 =	simm.s32 $0xFFFFFFFF;
	p2 =	slt.u32 s8, $0xFFFFF086  }
0x1c: {  	p1 =	slt.u32 s9, $0xF7A;
	s5 =	simm.s32 @!p2 $0x0  }
0x1d: {  	s5 =	simm.s32 @p1 $0x1;
	p0 =	seq.s32 s7, s2  }
0x1e: {  	s7 =	smul.u32 @!p0 $0xF7A, s2;
	p2 =	seq.s32 @!p0 s5, $0x0  }
0x1f: {  	s9 =	smul.u32 $0xF7A, s1;
	s8 =	simm.s32 @!p0 $0x1BF5;
	p2 =	por !p2, p0  }
0x20: {  	[sflag:s8] =	ssyncset.s32 @!p0 $0xFFFFF086;
	s6 =	sadd.s32 @!p0 s3, s7;
	s7 =	simm.s32 @!p0 $0x108  }
0x21: {  	s3 =	sadd.s32 s3, s9;
	s6 =	sadd.s32 @!p0 $0x88, s6;
	s7 =	simm.s32 @p2 $0x1082  }
0x22: {  	[simem:s7], [sflag:s8] =	dma.local @!p0 [hbm:s6], $0xF7A  }
0x23: {  	s9 =	sor.u32 $0xD0000000, s2;
	s6 =	simm.s32 $0x108;
	_ =	swait.ge @!p0 [sflag:s8], $0x0  }
0x24: {  	s3 =	sadd.s32 $0x88, s3;
	s6 =	simm.s32 @!p1 $0x1082;
	[sflag:s4] =	ssyncset.s32 $0xFFFFF086  }
0x25: {  	[simem:s6], [sflag:s4] =	dma.local [hbm:s3], $0xF7A  }
0x26: {  	[smem:$0x3F91] =	sst s1;
	(tag) =	ssettag s2;
	_ =	strace s9  }
0x27: {  	s1 =	sld [smem:$0x3FA1]  }
0x28: {  	s2 =	sld [smem:$0x3FA2]  }
0x29: {  	s4 =	sld [smem:$0x3FA4]  }
0x2a: {  	p0 =	seq.s32 s5, $0x0;
	s5 =	sld [smem:$0x3FA5]  }
0x2b: {  	s6 =	sld [smem:$0x3FA6]  }
0x2c: {  	s7 =	sld [smem:$0x3FA7]  }
0x2d: {  	s3 =	simm.s32 $0x108;
	s8 =	sld [smem:$0x3FA8]  }
0x2e: {  	s3 =	simm.s32 @!p0 $0x1082;
	s9 =	sld [smem:$0x3FA9]  }
0x2f: {  	lr =	sadd.s32 s0, s3;
	s0 =	sld [smem:$0x3FA0]  }
0x30: {  	s3 =	sld [smem:$0x3FA3]  }
0x31: {  	[smem:$0x3FAC] =	sst s10  }
0x32: {  	s10 =	sld [smem:$0x3FAA];
	_ =	sdelay $0x3  }
0x33: {  	p0 =	seq.s32 s10, $0x1;
	s10 =	sld [smem:$0x3FAC];
	_ =	sdelay $0x3  }
0x34: {  	[smem:$0x3FAC] =	sst s10  }
0x35: {  	s10 =	sld [smem:$0x3FAB];
	_ =	sdelay $0x3  }
0x36: {  	p1 =	seq.s32 s10, $0x1;
	s10 =	sld [smem:$0x3FAC];
	_ =	sdelay $0x3  }
0x37: {  	[smem:$0x3FAC] =	sst s10  }
0x38: {  	s10 =	sld [smem:$0x3FAD]  }
0x39: {  	_ = 	snop;
	(pc) =	sbr.ind lr, $3  }
0x3a: {  	_ = 	snop  }
0x3b: {  	_ = 	snop  }
0x3c: {  	p2 =	seq.s32 s10, $0x1;
	s10 =	sld [smem:$0x3FAC]  }
0x3d: {  	_ =	shalt  }
0x3e: {  	_ =	shalt  }
0x3f: {  	_ =	shalt  }
0x40: {  	_ =	shalt  }
0x41: {  	_ =	shalt  }
0x42: {  	_ =	shalt  }
0x43: {  	_ =	shalt  }
0x44: {  	_ =	shalt  }
0x45: {  	_ =	shalt  }
0x46: {  	_ =	shalt  }
0x47: {  	_ =	shalt  }
0x48: {  	_ =	shalt  }
0x49: {  	_ =	shalt  }
0x4a: {  	_ =	shalt  }
0x4b: {  	_ =	shalt  }
0x4c: {  	_ =	shalt  }
0x4d: {  	_ =	shalt  }
0x4e: {  	_ =	shalt  }
0x4f: {  	_ =	shalt  }
0x50: {  	_ =	shalt  }
0x51: {  	_ =	shalt  }
0x52: {  	_ =	shalt  }
0x53: {  	_ =	shalt  }
0x54: {  	_ =	shalt  }
0x55: {  	_ =	shalt  }
0x56: {  	_ =	shalt  }
0x57: {  	_ =	shalt  }
0x58: {  	_ =	shalt  }
0x59: {  	_ =	shalt  }
0x5a: {  	_ =	shalt  }
0x5b: {  	_ =	shalt  }
0x5c: {  	_ =	shalt  }
0x5d: {  	_ =	shalt  }
0x5e: {  	_ =	shalt  }
0x5f: {  	_ =	shalt  }
0x60: {  	_ =	shalt  }
0x61: {  	_ =	shalt  }
0x62: {  	_ =	shalt  }
0x63: {  	_ =	shalt  }
0x64: {  	_ =	shalt  }
0x65: {  	_ =	shalt  }
0x66: {  	_ =	shalt  }
0x67: {  	_ =	shalt  }
0x68: {  	_ =	shalt  }
0x69: {  	_ =	shalt  }
0x6a: {  	_ =	shalt  }
0x6b: {  	_ =	shalt  }
0x6c: {  	_ =	shalt  }
0x6d: {  	_ =	shalt  }
0x6e: {  	_ =	shalt  }
0x6f: {  	_ =	shalt  }
0x70: {  	_ =	shalt  }
0x71: {  	_ =	shalt  }
0x72: {  	_ =	shalt  }
0x73: {  	_ =	shalt  }
0x74: {  	_ =	shalt  }
0x75: {  	_ =	shalt  }
0x76: {  	_ =	shalt  }
0x77: {  	_ =	shalt  }
0x78: {  	_ =	shalt  }
0x79: {  	_ =	shalt  }
0x7a: {  	_ =	shalt  }
0x7b: {  	_ =	shalt  }
0x7c: {  	_ =	shalt  }
0x7d: {  	_ =	shalt  }
0x7e: {  	_ =	shalt  }
0x7f: {  	_ =	shalt  }
0x80: {  	_ =	shalt  }
0x81: {  	_ =	shalt  }
0x82: {  	_ =	shalt  }
0x83: {  	_ =	shalt  }
0x84: {  	_ =	shalt  }
0x85: {  	_ =	shalt  }
0x86: {  	_ =	shalt  }
0x87: {  	_ =	shalt  }
.Lfunc_end0:
.L_simem_size_0:
called_computation_lowered:
.L_overlay_start_0:
0x88: {  	s2 =	sld [smem:$0x3FD9]  }
0x89: {  	s3 =	sld [smem:$0x3FFE];
	_ =	sdelay $0x1  }
0x8a: {  	s1 =	srdreg.scid  }
0x8b: {  	s0 =	sand.u32 $0x1, s1  }
0x8c: {  	s16 =	sshll.u32 s0, $0xA;
	s2 =	sadd.s32 s3, s2  }
0x8d: {  	s2 =	sadd.s32 s2, s16  }
0x8e: {  	[smem:$0x3FB8] =	sst s2  }
0x8f: {  	_ = 	snop  }
0x90: {  	(tm) =	ssettm $0x1  }
0x91: {  	s17 =	sld [smem:$0x3FFB];
	_ =	sdelay $0x3  }
0x92: {  	_ =	strace s17  }
0x93: {  	s2 =	sld [smem:$0x3FFC];
	_ =	sdelay $0x3  }
0x94: {  	_ =	strace s2  }
0x95: {  	s2 =	sld [smem:$0x3FFD];
	_ =	sdelay $0x3  }
0x96: {  	_ =	strace s2  }
0x97: {  	_ =	strace $0x8FFFFFFF  }
0x98: {  	s18 =	sld [smem:$0x3FDB];
	_ =	sdelay $0x1  }
0x99: {  	s19 =	simm.s32 $_scs_section_size  }
0x9a: {  	s4 =	simm.s32 $_size__tile_overlayer_lowered;
	s5 =	simm.s32 $_tile_overlayer_lowered  }
0x9b: {  	s22 =	simm.s32 $0x1BFF;
	s21 =	sshll.u32 s5, $0x1;
	s2 =	sadd.s32 s19, s18  }
0x9c: {  	s6 =	simm.s32 $0x0;
	s20 =	sshll.u32 s4, $0x1;
	s4 =	sadd.s32 s21, s2  }
0x9d: {  	[timem:s6], [sflag:s22] =	dma.local [hbm:s4], s20  }
0x9e: {  	_ =	swait.ge [sflag:s22], s20  }
0x9f: {  	s3 =	ssub.s32 $0x0, s20;
	[sflag:s22] =	ssyncset.done $0x0  }
0xa0: {  	[sflag:s22] =	ssyncadd.s32 s3;
	_ =	sdelay $0x1  }
0xa1: {  	s23 =	simm.s32 $0x1B8B  }
0xa2: {  	_ =	swait.ge [sflag:s23], $0x1  }
0xa3: {  	[sflag:s23] =	ssyncset.done $0x0  }
0xa4: {  	s25 =	simm.s32 $0x1B8E;
	s24 =	sld [smem:$0x3FFE];
	[sflag:s23] =	ssyncadd.s32 $0xFFFFFFFF  }
0xa5: {  	s26 =	simm.s32 $execute0_lowered;
	[smem:$0x3FD2] =	sst s25  }
0xa6: {  	s4 =	sshll.u32 s26, $0x1;
	_ =	strace $0x80000046;
	[dreg:$0x1] =	wrdreg $0xFFFFFFFF  }
0xa7: {  	s28 =	simm.s32 $_size_execute0_lowered;
	s2 =	sadd.s32 s2, s4;
	[dreg:$0x0] =	wrdreg $0x0  }
0xa8: {  	s4 =	sshll.u32 s28, $0x1;
	[dreg:$0x2] =	wrdreg s2  }
0xa9: {  	[dreg:$0x3] =	wrdreg s4  }
0xaa: {  	[dreg:$0x4] =	wrdreg $0xC0  }
0xab: {  	_ =	task [dreg:s6], $0x5FFFF  }
0xac: {  	[dreg:$0x1] =	wrdreg $0xFFFFFFFF  }
0xad: {  	[dreg:$0x0] =	wrdreg $0x60  }
0xae: {  	[dreg:$0x2] =	wrdreg s24  }
0xaf: {  	[dreg:$0x3] =	wrdreg $0x88000  }
0xb0: {  	[dreg:$0x4] =	wrdreg $0x9  }
0xb1: {  	_ =	task.clear_ibuf [dreg:s6], $0x5FFFF;
	_ =	strace $0x90000046  }
0xb2: {  	s29 =	simm.s32 $0x9;
	_ =	strace $0x80000048  }
0xb3: {  	_ =	swait.ge [sflag:s29], $0x1  }
0xb4: {  	[sflag:s29] =	ssyncadd.s32 $0xFFFFFFFF  }
0xb5: {  	_ =	strace $0x90000048  }
0xb6: {  	_ =	sfence  }
0xb7: {  	s30 =	sld [smem:$0x0];
	_ =	sdelay $0x2  }
0xb8: {  	s31 =	sshll.u32 s1, $0xD;
	s1 =	sshrl.u32 s1, $0x2  }
0xb9: {  	s3 =	sand.u32 $0x4000, s31;
	s1 =	sadd.s32 s1, s30  }
0xba: {  	s0 =	sor.u32 s3, s0;
	s1 =	sshll.u32 s1, $0x11  }
0xbb: {  	s0 =	sor.u32 s1, s0  }
0xbc: {  	s0 =	sadd.s32 $0x8F2B, s0  }
0xbd: {  	[sflag:s0] =	ssyncadd.remote.s32 $0x1  }
0xbe: {  	_ =	sfence.sel $0xFFFF  }
0xbf: {  	[dreg:$0x0] =	wrdreg $0xFFFFFFFF;
	(pc) =	sbr.abs _section_cstart, $3  }
0xc0: {  	[dreg:$0x1] =	wrdreg $0xFFFFFFFF  }
0xc1: {  	_ =	task.clear_ibuf [dreg:s6], $0x2FFFF;
	_ =	strace $0x9FFFFFFF  }
0xc2: {  	(tm) =	ssettm $0x7FFFFFFF  }
0xc3: {  	_ =	shalt  }
tec
execute0_lowered:
.L_overlay_start_1:
0x0: {  	(tag) =	ssettag $0x1  }
0x1: {  	s4 =	rddreg [dreg:$0x0];
	s0 =	stileid.u32  }
0x2: {  	s1 =	srdreg.scid;
	s2 =	rddreg [dreg:$0x1]  }
0x3: {  	s3 =	simm.s32 $0x0;
	s18 =	simm.s32 $0x2;
	s19 =	simm.s32 $0x1  }
0x4: {  	s20 =	simm.s32 $0x80;
	s21 =	simm.s32 $0x2800;
	s5 =	smul.u32 $0x500, s0  }
0x5: {  	s6 =	sand.u32 $0x1, s1;
	s1 =	rddreg [dreg:$0x2];
	s8 =	smul.u32 $0x140, s0  }
0x6: {  	s23 =	simm.s32 $0x0;
	[smem:$0x7FF] =	sst s3;
	s9 =	smul.u32 $0x50000, s0  }
0x7: {  	s7 =	smul.u32 $0x1400, s6;
	_ =	strace $0x80000047;
	s6 =	ssub.s32 $0x2, s6  }
0x8: {  	s5 =	sadd.s32 s5, s4;
	s31 =	sshrl.u32 s6, $0x1;
	s9 =	sshrl.u32 s9, $0x2  }
0x9: {  	s13 =	sadd.s32 s8, s7;
	s16 =	ssub.s32 s6, s31;
	s5 =	sadd.s32 $0x2A00, s5  }
0xa: {  	s7 =	sshll.u32 s13, $0x4;
	s17 =	sshll.u32 s13, $0x7;
	s16 =	smax.u32 s16, $0x1  }
0xb: {  	s15 =	sadd.s32 s7, s4;
	s4 =	sadd.s32 s9, s2;
	s22 =	sadd.s32 s17, s2  }
0xc: {  	s17 =	simm.s32 $0x6800;
	s6 =	sadd.s32 $0x2000, s4;
	s7 =	sadd.s32 $0x4000, s4  }
0xd: {  	s8 =	sadd.s32 $0x6000, s4;
	s9 =	sadd.s32 $0x8000, s4;
	s10 =	sadd.s32 $0xA000, s4  }
0xe: {  	s11 =	sadd.s32 $0xC000, s4;
	s12 =	sadd.s32 $0xE000, s4;
	s13 =	sadd.s32 $0x10000, s4  }
0xf: {  	v0 =	vimm.f32 $1.000000000e+00;
	v1 =	vimm.f32 $0.0e+00;
	s14 =	sadd.s32 $0x12000, s4;
	s15 =	sadd.s32 $0x7A00, s15;
	s22 =	sshrl.u32 s22, $0x3  }
.LBB2_1:
0x10: {  	[tilespmem:s3], [sflag:$0x1] =	stream.linear.gather [hbm4b:s5+s3], $0x2780, $0x38;
	[tilespmem:$0x1C800] =	vst v63  }
0x11: {  	s24 =	simm.s32 $0x0;
	s25 =	simm.s32 $0x200  }
.LBB2_2:
0x12: {  	p0 =	sne.s32 s25, $0xFE00;
	[tilespmem:s24+$0x2870] =	vst v0  }
0x13: {  	[tilespmem:s24+$0x2800] =	vst v0  }
0x14: {  	[tilespmem:s24+$0x2810] =	vst v0  }
.Ltmp0:
0x15: {  	[tilespmem:s24+$0x2820] =	vst v0;
	(pc) =	sbr.rel @p0 .LBB2_2-.Ltmp0, $4  }
0x16: {  	[tilespmem:s24+$0x2830] =	vst v0  }
0x17: {  	[tilespmem:s24+$0x2840] =	vst v0  }
0x18: {  	[tilespmem:s24+$0x2850] =	vst v0  }
0x19: {  	[tilespmem:s24+$0x2860] =	vst v0;
	s24 =	sshra.s32 s25, $0x2;
	s25 =	sadd.s32 $0x200, s25  }
0x1a: {  	[tilespmem:s24+$0x2870] =	vst v0  }
0x1b: {  	[tilespmem:s24+$0x2800] =	vst v0  }
0x1c: {  	[tilespmem:s24+$0x2810] =	vst v0  }
0x1d: {  	[tilespmem:s24+$0x2820] =	vst v0  }
0x1e: {  	[tilespmem:s24+$0x2830] =	vst v0  }
0x1f: {  	[tilespmem:s24+$0x2840] =	vst v0  }
0x20: {  	[tilespmem:s24+$0x2850] =	vst v0  }
0x21: {  	[tilespmem:s24+$0x2860] =	vst v0;
	s24 =	simm.s32 $0x0;
	s25 =	simm.s32 $0x200  }
.LBB2_4:
0x22: {  	p0 =	sne.s32 s25, $0x7E00;
	[tilespmem:s24+$0x6870] =	vst v1  }
0x23: {  	[tilespmem:s24+$0x6800] =	vst v1  }
0x24: {  	[tilespmem:s24+$0x6810] =	vst v1  }
.Ltmp1:
0x25: {  	[tilespmem:s24+$0x6820] =	vst v1;
	(pc) =	sbr.rel @p0 .LBB2_4-.Ltmp1, $4  }
0x26: {  	[tilespmem:s24+$0x6830] =	vst v1  }
0x27: {  	[tilespmem:s24+$0x6840] =	vst v1  }
0x28: {  	[tilespmem:s24+$0x6850] =	vst v1  }
0x29: {  	[tilespmem:s24+$0x6860] =	vst v1;
	s24 =	sshra.s32 s25, $0x2;
	s25 =	sadd.s32 $0x200, s25  }
0x2a: {  	[tilespmem:s24+$0x6870] =	vst v1  }
0x2b: {  	[tilespmem:s24+$0x6800] =	vst v1  }
0x2c: {  	[tilespmem:s24+$0x6810] =	vst v1  }
0x2d: {  	[tilespmem:s24+$0x6820] =	vst v1  }
0x2e: {  	[tilespmem:s24+$0x6830] =	vst v1  }
0x2f: {  	[tilespmem:s24+$0x6840] =	vst v1  }
0x30: {  	[tilespmem:s24+$0x6850] =	vst v1  }
0x31: {  	[tilespmem:s24+$0x6860] =	vst v1  }
0x32: {  	[spmem:s4] =	stream.linear.scatter [tilespmem:s17], [sflag:$0x2], $0x2000, $0x38;
	[tilespmem:$0x1C800] =	vst v63  }
0x33: {  	_ =	swait.ge [sflag:s18], $0x2000  }
0x34: {  	[sflag:s18] =	ssyncset.done $0x0  }
0x35: {  	[sflag:s18] =	ssyncadd.s32 $0xFFFFE000  }
0x36: {  	[spmem:s6] =	stream.linear.scatter [tilespmem:s17], [sflag:$0x2], $0x2000, $0x38;
	[tilespmem:$0x1C800] =	vst v63  }
0x37: {  	_ =	swait.ge [sflag:s18], $0x2000  }
0x38: {  	[sflag:s18] =	ssyncset.done $0x0  }
0x39: {  	[sflag:s18] =	ssyncadd.s32 $0xFFFFE000  }
0x3a: {  	[spmem:s7] =	stream.linear.scatter [tilespmem:s17], [sflag:$0x2], $0x2000, $0x38;
	[tilespmem:$0x1C800] =	vst v63  }
0x3b: {  	_ =	swait.ge [sflag:s18], $0x2000  }
0x3c: {  	[sflag:s18] =	ssyncset.done $0x0  }
0x3d: {  	[sflag:s18] =	ssyncadd.s32 $0xFFFFE000  }
0x3e: {  	[spmem:s8] =	stream.linear.scatter [tilespmem:s17], [sflag:$0x2], $0x2000, $0x38;
	[tilespmem:$0x1C800] =	vst v63  }
0x3f: {  	_ =	swait.ge [sflag:s18], $0x2000  }
0x40: {  	[sflag:s18] =	ssyncset.done $0x0  }
0x41: {  	[sflag:s18] =	ssyncadd.s32 $0xFFFFE000  }
0x42: {  	[spmem:s9] =	stream.linear.scatter [tilespmem:s17], [sflag:$0x2], $0x2000, $0x38;
	[tilespmem:$0x1C800] =	vst v63  }
0x43: {  	_ =	swait.ge [sflag:s18], $0x2000  }
0x44: {  	[sflag:s18] =	ssyncset.done $0x0  }
0x45: {  	[sflag:s18] =	ssyncadd.s32 $0xFFFFE000  }
0x46: {  	[spmem:s10] =	stream.linear.scatter [tilespmem:s17], [sflag:$0x2], $0x2000, $0x38;
	[tilespmem:$0x1C800] =	vst v63  }
0x47: {  	_ =	swait.ge [sflag:s18], $0x2000  }
0x48: {  	[sflag:s18] =	ssyncset.done $0x0  }
0x49: {  	[sflag:s18] =	ssyncadd.s32 $0xFFFFE000  }
0x4a: {  	[spmem:s11] =	stream.linear.scatter [tilespmem:s17], [sflag:$0x2], $0x2000, $0x38;
	[tilespmem:$0x1C800] =	vst v63  }
0x4b: {  	_ =	swait.ge [sflag:s18], $0x2000  }
0x4c: {  	[sflag:s18] =	ssyncset.done $0x0  }
0x4d: {  	[sflag:s18] =	ssyncadd.s32 $0xFFFFE000  }
0x4e: {  	[spmem:s12] =	stream.linear.scatter [tilespmem:s17], [sflag:$0x2], $0x2000, $0x38;
	[tilespmem:$0x1C800] =	vst v63  }
0x4f: {  	_ =	swait.ge [sflag:s18], $0x2000  }
0x50: {  	[sflag:s18] =	ssyncset.done $0x0  }
0x51: {  	[sflag:s18] =	ssyncadd.s32 $0xFFFFE000  }
0x52: {  	[spmem:s13] =	stream.linear.scatter [tilespmem:s17], [sflag:$0x2], $0x2000, $0x38;
	[tilespmem:$0x1C800] =	vst v63  }
0x53: {  	_ =	swait.ge [sflag:s18], $0x2000  }
0x54: {  	[sflag:s18] =	ssyncset.done $0x0  }
0x55: {  	[sflag:s18] =	ssyncadd.s32 $0xFFFFE000  }
0x56: {  	[spmem:s14] =	stream.linear.scatter [tilespmem:s17], [sflag:$0x2], $0x2000, $0x38;
	[tilespmem:$0x1C800] =	vst v63  }
0x57: {  	_ =	swait.ge [sflag:s18], $0x2000  }
0x58: {  	[sflag:s18] =	ssyncset.done $0x0  }
0x59: {  	[sflag:s18] =	ssyncadd.s32 $0xFFFFE000  }
0x5a: {  	_ =	swait.ge [sflag:s19], $0x2780  }
0x5b: {  	[sflag:s19] =	ssyncset.done $0x0  }
0x5c: {  	[sflag:s19] =	ssyncadd.s32 $0xFFFFD880  }
0x5d: {  	s31 =	simm.s32 $0x0;
	[bflag:$0x0] =	sbarrier.arrive $0xFFFF  }
0x5e: {  	[spmem:s2] =	stream.indirect.scatter.add.f32 [tilespmem:s21], [sflag:$0x2], $0x80, s31, s20, $0xb8;
	[tilespmem:$0x1C800] =	vst v63  }
0x5f: {  	_ =	swait.ge [sflag:s18], $0x4000  }
0x60: {  	s24 =	simm.s32 $0x200;
	[sflag:s18] =	ssyncset.done $0x0  }
.LBB2_6:
0x61: {  	s25 =	sshra.s32 s24, $0x2;
	[sflag:s18] =	ssyncadd.s32 $0xFFFFC000;
	p0 =	sne.s32 s24, $0x9C00  }
0x62: {  	[spmem:s2] =	stream.indirect.scatter.add.f32 [tilespmem:s21], [sflag:$0x2], $0x80, s25, s20, $0xb8;
	[tilespmem:$0x1C800] =	vst v63  }
.Ltmp2:
0x63: {  	_ = 	snop;
	(pc) =	sbr.rel @p0 .LBB2_6-.Ltmp2, $4  }
0x64: {  	_ = 	snop  }
0x65: {  	s24 =	sadd.s32 $0x200, s24  }
0x66: {  	_ =	swait.ge [sflag:s18], $0x4000  }
0x67: {  	[sflag:s18] =	ssyncset.done $0x0  }
0x68: {  	s23 =	sadd.s32 $0x1, s23  }
0x69: {  	[sflag:s18] =	ssyncadd.s32 $0xFFFFC000;
	s24 =	sshll.u32 s0, $0x6;
	p0 =	sne.s32 s23, s16  }
.Ltmp3:
0x6a: {  	[bflag:$0x0] =	sbarrier.arrive $0xFFFF;
	s24 =	sor.u32 $0x1C02, s24;
	(pc) =	sbr.rel @p0 .LBB2_1-.Ltmp3, $4  }
0x6b: {  	[hbm:s15], [sflag:s24] =	dma.local [spmem:s22], $0x1400  }
0x6c: {  	_ =	swait.ge [sflag:s18], $0x1400  }
0x6d: {  	[sflag:s18] =	ssyncset.done $0x0  }
0x6e: {  	[sflag:s18] =	ssyncadd.s32 $0xFFFFEC00  }
0x6f: {  	_ =	sfence.sel $0x180000  }
0x70: {  	[bflag:$0x0] =	sbarrier.arrive $0xFFFF  }
0x71: {  	p0 =	sne.s32 s0, $0x0;
	_ =	strace $0x90000047  }
0x72: {  	s0 =	sadd.s32 @!p0 $0x100000, s1;
	[bflag:$0x2] =	sbarrier.arrive $0xFFFF  }
0x73: {  	[sflag:s0] =	ssyncadd.tile.s32 @!p0 $0x1;
	_ =	shalt  }
.Lfunc_end2:
_tile_overlayer_lowered:
.L_overlay_start_2:
0x74: {  	(tag) =	ssettag $0x2  }
0x75: {  	s0 =	rddreg [dreg:$0x0];
	s2 =	stileid.u32  }
0x76: {  	s1 =	rddreg [dreg:$0x1];
	p0 =	sne.s32 s2, $0x0  }
0x77: {  	s3 =	rddreg [dreg:$0x2];
	[bflag:$0x3] =	sbarrier.arrive $0xFFFF;
	s2 =	simm.s32 @!p0 $0x1C02  }
0x78: {  	[timem:s3], [sflag:s2] =	dma.local @!p0 [hbm:s0], s1  }
0x79: {  	s0 =	simm.s32 @!p0 $0x2  }
0x7a: {  	_ =	swait.ge @!p0 [sflag:s0], s1  }
0x7b: {  	s1 =	ssub.s32 @!p0 $0x0, s1;
	[sflag:s0] =	ssyncset.done @!p0 $0x0  }
0x7c: {  	[sflag:s0] =	ssyncadd.s32 @!p0 s1  }
0x7d: {  	[bflag:$0x3] =	sbarrier.arrive $0xFFFF  }
0x7e: {  	_ =	shalt  }

// kernel: kernel.13.cloned.1.call-start
scs
__scs_entry_jumppad:
0x0: {  	(pc) =	sbr.rel $0x88, $3  }
0x1: {  	(tag) =	ssettag $0x0;
	lr =	simm.s32 $0x1  }
0x2: {  	[smem:$0x3F91] =	sst lr;
	_ =	strace $0xD0000000  }
0x3: {  	_ = 	snop  }
0x4: {  	_ = 	snop  }
0x5: {  	_ = 	snop  }
0x6: {  	_ = 	snop  }
0x7: {  	_ = 	snop  }
__scs_overlays_trampoline_lowered:
0x8: {  	[smem:$0x3FA0] =	sst s0  }
0x9: {  	[smem:$0x3FA1] =	sst s1  }
0xa: {  	[smem:$0x3FA2] =	sst s2  }
0xb: {  	[smem:$0x3FA3] =	sst s3  }
0xc: {  	[smem:$0x3FA4] =	sst s4  }
0xd: {  	[smem:$0x3FA5] =	sst s5  }
0xe: {  	[smem:$0x3FA6] =	sst s6  }
0xf: {  	[smem:$0x3FA7] =	sst s7  }
0x10: {  	[smem:$0x3FA8] =	sst s8  }
0x11: {  	[smem:$0x3FA9] =	sst s9;
	s0 =	simm.s32 @!p0 $0x0  }
0x12: {  	s1 =	sld [smem:$0x3F8F];
	s0 =	simm.s32 @p0 $0x1  }
0x13: {  	[smem:$0x3FAA] =	sst s0;
	s0 =	simm.s32 @!p1 $0x0  }
0x14: {  	s2 =	sld [smem:$0x3F8E];
	s0 =	simm.s32 @p1 $0x1  }
0x15: {  	[smem:$0x3FAB] =	sst s0;
	s0 =	simm.s32 @!p2 $0x0  }
0x16: {  	s3 =	sld [smem:$0x3FDB];
	s0 =	simm.s32 @p2 $0x1  }
0x17: {  	s4 =	simm.s32 $0x1BF5;
	[smem:$0x3FAD] =	sst s0  }
0x18: {  	s0 =	sld [smem:$0x3F90];
	_ =	swait.ge [sflag:s4], $0x0  }
0x19: {  	s7 =	sld [smem:$0x3F91]  }
0x1a: {  	s8 =	sadd.s32 $0xFFFFE003, lr  }
0x1b: {  	s9 =	sadd.s32 $0xFFFFFEF7, lr;
	s5 =	simm.s32 $0xFFFFFFFF;
	p2 =	slt.u32 s8, $0xFFFFF086  }
0x1c: {  	p1 =	slt.u32 s9, $0xF7A;
	s5 =	simm.s32 @!p2 $0x0  }
0x1d: {  	s5 =	simm.s32 @p1 $0x1;
	p0 =	seq.s32 s7, s2  }
0x1e: {  	s7 =	smul.u32 @!p0 $0xF7A, s2;
	p2 =	seq.s32 @!p0 s5, $0x0  }
0x1f: {  	s9 =	smul.u32 $0xF7A, s1;
	s8 =	simm.s32 @!p0 $0x1BF5;
	p2 =	por !p2, p0  }
0x20: {  	[sflag:s8] =	ssyncset.s32 @!p0 $0xFFFFF086;
	s6 =	sadd.s32 @!p0 s3, s7;
	s7 =	simm.s32 @!p0 $0x108  }
0x21: {  	s3 =	sadd.s32 s3, s9;
	s6 =	sadd.s32 @!p0 $0x88, s6;
	s7 =	simm.s32 @p2 $0x1082  }
0x22: {  	[simem:s7], [sflag:s8] =	dma.local @!p0 [hbm:s6], $0xF7A  }
0x23: {  	s9 =	sor.u32 $0xD0000000, s2;
	s6 =	simm.s32 $0x108;
	_ =	swait.ge @!p0 [sflag:s8], $0x0  }
0x24: {  	s3 =	sadd.s32 $0x88, s3;
	s6 =	simm.s32 @!p1 $0x1082;
	[sflag:s4] =	ssyncset.s32 $0xFFFFF086  }
0x25: {  	[simem:s6], [sflag:s4] =	dma.local [hbm:s3], $0xF7A  }
0x26: {  	[smem:$0x3F91] =	sst s1;
	(tag) =	ssettag s2;
	_ =	strace s9  }
0x27: {  	s1 =	sld [smem:$0x3FA1]  }
0x28: {  	s2 =	sld [smem:$0x3FA2]  }
0x29: {  	s4 =	sld [smem:$0x3FA4]  }
0x2a: {  	p0 =	seq.s32 s5, $0x0;
	s5 =	sld [smem:$0x3FA5]  }
0x2b: {  	s6 =	sld [smem:$0x3FA6]  }
0x2c: {  	s7 =	sld [smem:$0x3FA7]  }
0x2d: {  	s3 =	simm.s32 $0x108;
	s8 =	sld [smem:$0x3FA8]  }
0x2e: {  	s3 =	simm.s32 @!p0 $0x1082;
	s9 =	sld [smem:$0x3FA9]  }
0x2f: {  	lr =	sadd.s32 s0, s3;
	s0 =	sld [smem:$0x3FA0]  }
0x30: {  	s3 =	sld [smem:$0x3FA3]  }
0x31: {  	[smem:$0x3FAC] =	sst s10  }
0x32: {  	s10 =	sld [smem:$0x3FAA];
	_ =	sdelay $0x3  }
0x33: {  	p0 =	seq.s32 s10, $0x1;
	s10 =	sld [smem:$0x3FAC];
	_ =	sdelay $0x3  }
0x34: {  	[smem:$0x3FAC] =	sst s10  }
0x35: {  	s10 =	sld [smem:$0x3FAB];
	_ =	sdelay $0x3  }
0x36: {  	p1 =	seq.s32 s10, $0x1;
	s10 =	sld [smem:$0x3FAC];
	_ =	sdelay $0x3  }
0x37: {  	[smem:$0x3FAC] =	sst s10  }
0x38: {  	s10 =	sld [smem:$0x3FAD]  }
0x39: {  	_ = 	snop;
	(pc) =	sbr.ind lr, $3  }
0x3a: {  	_ = 	snop  }
0x3b: {  	_ = 	snop  }
0x3c: {  	p2 =	seq.s32 s10, $0x1;
	s10 =	sld [smem:$0x3FAC]  }
0x3d: {  	_ =	shalt  }
0x3e: {  	_ =	shalt  }
0x3f: {  	_ =	shalt  }
0x40: {  	_ =	shalt  }
0x41: {  	_ =	shalt  }
0x42: {  	_ =	shalt  }
0x43: {  	_ =	shalt  }
0x44: {  	_ =	shalt  }
0x45: {  	_ =	shalt  }
0x46: {  	_ =	shalt  }
0x47: {  	_ =	shalt  }
0x48: {  	_ =	shalt  }
0x49: {  	_ =	shalt  }
0x4a: {  	_ =	shalt  }
0x4b: {  	_ =	shalt  }
0x4c: {  	_ =	shalt  }
0x4d: {  	_ =	shalt  }
0x4e: {  	_ =	shalt  }
0x4f: {  	_ =	shalt  }
0x50: {  	_ =	shalt  }
0x51: {  	_ =	shalt  }
0x52: {  	_ =	shalt  }
0x53: {  	_ =	shalt  }
0x54: {  	_ =	shalt  }
0x55: {  	_ =	shalt  }
0x56: {  	_ =	shalt  }
0x57: {  	_ =	shalt  }
0x58: {  	_ =	shalt  }
0x59: {  	_ =	shalt  }
0x5a: {  	_ =	shalt  }
0x5b: {  	_ =	shalt  }
0x5c: {  	_ =	shalt  }
0x5d: {  	_ =	shalt  }
0x5e: {  	_ =	shalt  }
0x5f: {  	_ =	shalt  }
0x60: {  	_ =	shalt  }
0x61: {  	_ =	shalt  }
0x62: {  	_ =	shalt  }
0x63: {  	_ =	shalt  }
0x64: {  	_ =	shalt  }
0x65: {  	_ =	shalt  }
0x66: {  	_ =	shalt  }
0x67: {  	_ =	shalt  }
0x68: {  	_ =	shalt  }
0x69: {  	_ =	shalt  }
0x6a: {  	_ =	shalt  }
0x6b: {  	_ =	shalt  }
0x6c: {  	_ =	shalt  }
0x6d: {  	_ =	shalt  }
0x6e: {  	_ =	shalt  }
0x6f: {  	_ =	shalt  }
0x70: {  	_ =	shalt  }
0x71: {  	_ =	shalt  }
0x72: {  	_ =	shalt  }
0x73: {  	_ =	shalt  }
0x74: {  	_ =	shalt  }
0x75: {  	_ =	shalt  }
0x76: {  	_ =	shalt  }
0x77: {  	_ =	shalt  }
0x78: {  	_ =	shalt  }
0x79: {  	_ =	shalt  }
0x7a: {  	_ =	shalt  }
0x7b: {  	_ =	shalt  }
0x7c: {  	_ =	shalt  }
0x7d: {  	_ =	shalt  }
0x7e: {  	_ =	shalt  }
0x7f: {  	_ =	shalt  }
0x80: {  	_ =	shalt  }
0x81: {  	_ =	shalt  }
0x82: {  	_ =	shalt  }
0x83: {  	_ =	shalt  }
0x84: {  	_ =	shalt  }
0x85: {  	_ =	shalt  }
0x86: {  	_ =	shalt  }
0x87: {  	_ =	shalt  }
.Lfunc_end0:
.L_simem_size_0:
called_computation.1_lowered:
.L_overlay_start_0:
0x88: {  	s2 =	sld [smem:$0x3FD9]  }
0x89: {  	s3 =	sld [smem:$0x3FFE];
	_ =	sdelay $0x1  }
0x8a: {  	s1 =	srdreg.scid  }
0x8b: {  	s0 =	sand.u32 $0x1, s1  }
0x8c: {  	s17 =	sshll.u32 s0, $0xA;
	s2 =	sadd.s32 s3, s2  }
0x8d: {  	s2 =	sadd.s32 s2, s17  }
0x8e: {  	[smem:$0x3FB8] =	sst s2  }
0x8f: {  	_ = 	snop  }
0x90: {  	(tm) =	ssettm $0x1  }
0x91: {  	s18 =	sld [smem:$0x3FFB];
	_ =	sdelay $0x3  }
0x92: {  	_ =	strace s18  }
0x93: {  	s2 =	sld [smem:$0x3FFC];
	_ =	sdelay $0x3  }
0x94: {  	_ =	strace s2  }
0x95: {  	s2 =	sld [smem:$0x3FFD];
	_ =	sdelay $0x3  }
0x96: {  	_ =	strace s2  }
0x97: {  	_ =	strace $0x8FFFFFFF  }
0x98: {  	s19 =	sld [smem:$0x3FDB];
	_ =	sdelay $0x1  }
0x99: {  	s20 =	simm.s32 $_scs_section_size  }
0x9a: {  	s4 =	simm.s32 $_size__tile_overlayer_lowered;
	s5 =	simm.s32 $_tile_overlayer_lowered  }
0x9b: {  	s6 =	simm.s32 $0x1BFF;
	s21 =	sshll.u32 s5, $0x1;
	s3 =	sadd.s32 s20, s19  }
0x9c: {  	s22 =	simm.s32 $0x0;
	s4 =	sshll.u32 s4, $0x1;
	s5 =	sadd.s32 s21, s3  }
0x9d: {  	[timem:s22], [sflag:s6] =	dma.local [hbm:s5], s4  }
0x9e: {  	_ =	swait.ge [sflag:s6], s4  }
0x9f: {  	s4 =	ssub.s32 $0x0, s4;
	[sflag:s6] =	ssyncset.done $0x0  }
0xa0: {  	[sflag:s6] =	ssyncadd.s32 s4;
	_ =	sdelay $0x1  }
0xa1: {  	s23 =	simm.s32 $0x1B8B  }
0xa2: {  	_ =	swait.ge [sflag:s23], $0x1  }
0xa3: {  	[sflag:s23] =	ssyncset.done $0x0  }
0xa4: {  	[sflag:s23] =	ssyncadd.s32 $0xFFFFFFFF  }
0xa5: {  	s4 =	sld [smem:$0x0]  }
0xa6: {  	s5 =	sand.u32 $0xFFFFFFFE, s1  }
0xa7: {  	p0 =	sne.s32 s1, s5  }
0xa8: {  	s5 =	sshll.u32 @p0 s5, $0xE  }
0xa9: {  	s5 =	sadd.s32 @p0 $0x11B8D, s5;
	s6 =	sshll.u32 @p0 s4, $0x11  }
0xaa: {  	s5 =	sor.u32 @p0 s6, s5  }
0xab: {  	[sflag:s5] =	ssyncadd.remote.s32 @p0 $0x1;
	_ =	sdelay $0x1  }
0xac: {  	s5 =	simm.s32 @p0 $0x1B8D  }
0xad: {  	_ =	swait.eq @p0 [sflag:s5], $0x1  }
0xae: {  	[sflag:s5] =	ssyncadd.s32 @p0 $0xFFFFFFFF  }
0xaf: {  	s6 =	sshll.u32 @!p0 s1, $0xE  }
0xb0: {  	s6 =	sor.u32 @!p0 $0x4000, s6;
	s5 =	simm.s32 @!p0 $0x1B8D  }
0xb1: {  	s4 =	sshll.u32 @!p0 s4, $0x11;
	s6 =	sadd.s32 @!p0 $0x11B8D, s6;
	_ =	swait.eq @!p0 [sflag:s5], $0x1  }
0xb2: {  	s4 =	sor.u32 @!p0 s4, s6;
	[sflag:s5] =	ssyncadd.s32 @!p0 $0xFFFFFFFF  }
0xb3: {  	s25 =	simm.s32 $0x1B8E;
	s24 =	sld [smem:$0x3FFE];
	[sflag:s4] =	ssyncadd.remote.s32 @!p0 $0x1  }
0xb4: {  	s26 =	simm.s32 $execute0_lowered;
	[smem:$0x3FD2] =	sst s25  }
0xb5: {  	s5 =	sshll.u32 s26, $0x1;
	_ =	strace $0x80000049;
	[dreg:$0x1] =	wrdreg $0xFFFFFFFF  }
0xb6: {  	s28 =	simm.s32 $_size_execute0_lowered;
	s3 =	sadd.s32 s3, s5;
	[dreg:$0x0] =	wrdreg $0x0  }
0xb7: {  	s5 =	sshll.u32 s28, $0x1;
	[dreg:$0x2] =	wrdreg s3  }
0xb8: {  	[dreg:$0x3] =	wrdreg s5  }
0xb9: {  	[dreg:$0x4] =	wrdreg $0xC0  }
0xba: {  	_ =	task [dreg:s22], $0x5FFFF  }
0xbb: {  	[dreg:$0x1] =	wrdreg $0xFFFFFFFF  }
0xbc: {  	[dreg:$0x0] =	wrdreg $0x60  }
0xbd: {  	[dreg:$0x2] =	wrdreg s24  }
0xbe: {  	[dreg:$0x3] =	wrdreg $0x90000  }
0xbf: {  	[dreg:$0x4] =	wrdreg $0xA  }
0xc0: {  	_ =	task.clear_ibuf [dreg:s22], $0x5FFFF;
	_ =	strace $0x90000049  }
0xc1: {  	s29 =	simm.s32 $0xA;
	_ =	strace $0x8000004B  }
0xc2: {  	_ =	swait.ge [sflag:s29], $0x1  }
0xc3: {  	[sflag:s29] =	ssyncadd.s32 $0xFFFFFFFF  }
0xc4: {  	_ =	strace $0x9000004B  }
0xc5: {  	_ =	sfence  }
0xc6: {  	s30 =	sld [smem:$0x0];
	_ =	sdelay $0x2  }
0xc7: {  	s31 =	sshll.u32 s1, $0xD;
	s1 =	sshrl.u32 s1, $0x2  }
0xc8: {  	s4 =	sand.u32 $0x4000, s31;
	s1 =	sadd.s32 s1, s30  }
0xc9: {  	s0 =	sor.u32 s4, s0;
	s1 =	sshll.u32 s1, $0x11  }
0xca: {  	s0 =	sor.u32 s1, s0  }
0xcb: {  	s0 =	sadd.s32 $0x8F2B, s0  }
0xcc: {  	[sflag:s0] =	ssyncadd.remote.s32 $0x1  }
0xcd: {  	_ =	sfence.sel $0xFFFF  }
0xce: {  	[dreg:$0x0] =	wrdreg $0xFFFFFFFF;
	(pc) =	sbr.abs _section_cstart, $3  }
0xcf: {  	[dreg:$0x1] =	wrdreg $0xFFFFFFFF  }
0xd0: {  	_ =	task.clear_ibuf [dreg:s22], $0x2FFFF;
	_ =	strace $0x9FFFFFFF  }
0xd1: {  	(tm) =	ssettm $0x7FFFFFFF  }
tec
execute0_lowered:
.L_overlay_start_1:
0x0: {  	(tag) =	ssettag $0x1  }
0x1: {  	s5 =	rddreg [dreg:$0x0];
	s0 =	stileid.u32  }
0x2: {  	s1 =	srdreg.scid;
	s2 =	rddreg [dreg:$0x1]  }
0x3: {  	s3 =	simm.s32 $0x0;
	s15 =	simm.s32 $0x2;
	s16 =	simm.s32 $0x2800  }
0x4: {  	s6 =	smul.u32 $0x500, s0;
	s12 =	sand.u32 $0x1, s1;
	s1 =	rddreg [dreg:$0x2]  }
0x5: {  	s17 =	simm.s32 $0x80;
	[smem:$0x7FF] =	sst s3;
	s8 =	smul.u32 $0x14000, s0  }
0x6: {  	s9 =	smul.u32 $0x50000, s0;
	s4 =	sadd.s32 $0x34A00, s5;
	s19 =	sshll.u32 s0, $0x6  }
0x7: {  	s7 =	smul.u32 $0x140000, s12;
	_ =	strace $0x8000004A;
	s29 =	ssub.s32 $0x2, s12  }
0x8: {  	s18 =	smul.u32 $0x2800, s12;
	s19 =	sor.u32 $0x1C02, s19;
	s11 =	sadd.s32 s6, s5  }
0x9: {  	s30 =	sshrl.u32 s9, $0x2;
	s31 =	sshrl.u32 s29, $0x1;
	s28 =	sadd.s32 s8, s7  }
0xa: {  	s14 =	ssub.s32 s29, s31;
	s10 =	sadd.s32 $0x2FA00, s11;
	s6 =	sshrl.u32 s28, $0x3  }
0xb: {  	s11 =	sadd.s32 $0x2A00, s11;
	s13 =	sadd.s32 s6, s5;
	s5 =	sadd.s32 s30, s2  }
0xc: {  	v0 =	vmov s18;
	s18 =	simm.s32 $0x1;
	s6 =	sadd.s32 $0x4000, s5;
	s7 =	sadd.s32 $0x8000, s5  }
0xd: {  	s8 =	sadd.s32 $0xC000, s5;
	s9 =	sadd.s32 $0x10000, s5;
	s12 =	sadd.s32 $0x84A00, s13  }
0xe: {  	v1 =	vimm.f32 $0.0e+00;
	s13 =	smax.u32 s14, $0x1;
	s14 =	simm.s32 $0x5000;
	s20 =	sshrl.u32 s5, $0x3  }
.LBB2_1:
0xf: {  	s21 =	simm.s32 $0x0;
	s22 =	simm.s32 $0x200  }
.LBB2_2:
0x10: {  	p0 =	sne.s32 s22, $0xFE00;
	[tilespmem:s21+$0x5070] =	vst v1  }
0x11: {  	[tilespmem:s21+$0x5000] =	vst v1  }
0x12: {  	[tilespmem:s21+$0x5010] =	vst v1  }
.Ltmp0:
0x13: {  	[tilespmem:s21+$0x5020] =	vst v1;
	(pc) =	sbr.rel @p0 .LBB2_2-.Ltmp0, $4  }
0x14: {  	[tilespmem:s21+$0x5030] =	vst v1  }
0x15: {  	[tilespmem:s21+$0x5040] =	vst v1  }
0x16: {  	[tilespmem:s21+$0x5050] =	vst v1  }
0x17: {  	[tilespmem:s21+$0x5060] =	vst v1;
	s21 =	sshra.s32 s22, $0x2;
	s22 =	sadd.s32 $0x200, s22  }
0x18: {  	[tilespmem:s21+$0x5070] =	vst v1  }
0x19: {  	[tilespmem:s21+$0x5000] =	vst v1  }
0x1a: {  	[tilespmem:s21+$0x5010] =	vst v1  }
0x1b: {  	[tilespmem:s21+$0x5020] =	vst v1  }
0x1c: {  	[tilespmem:s21+$0x5030] =	vst v1  }
0x1d: {  	[tilespmem:s21+$0x5040] =	vst v1  }
0x1e: {  	[tilespmem:s21+$0x5050] =	vst v1  }
0x1f: {  	[tilespmem:s21+$0x5060] =	vst v1  }
0x20: {  	[spmem:s5] =	stream.linear.scatter [tilespmem:s14], [sflag:$0x2], $0x4000, $0x38;
	[tilespmem:$0x1D000] =	vst v63  }
0x21: {  	_ =	swait.ge [sflag:s15], $0x4000  }
0x22: {  	[sflag:s15] =	ssyncset.done $0x0  }
0x23: {  	[sflag:s15] =	ssyncadd.s32 $0xFFFFC000  }
0x24: {  	[spmem:s6] =	stream.linear.scatter [tilespmem:s14], [sflag:$0x2], $0x4000, $0x38;
	[tilespmem:$0x1D000] =	vst v63  }
0x25: {  	_ =	swait.ge [sflag:s15], $0x4000  }
0x26: {  	[sflag:s15] =	ssyncset.done $0x0  }
0x27: {  	[sflag:s15] =	ssyncadd.s32 $0xFFFFC000  }
0x28: {  	[spmem:s7] =	stream.linear.scatter [tilespmem:s14], [sflag:$0x2], $0x4000, $0x38;
	[tilespmem:$0x1D000] =	vst v63  }
0x29: {  	_ =	swait.ge [sflag:s15], $0x4000  }
0x2a: {  	[sflag:s15] =	ssyncset.done $0x0  }
0x2b: {  	[sflag:s15] =	ssyncadd.s32 $0xFFFFC000  }
0x2c: {  	[spmem:s8] =	stream.linear.scatter [tilespmem:s14], [sflag:$0x2], $0x4000, $0x38;
	[tilespmem:$0x1D000] =	vst v63  }
0x2d: {  	_ =	swait.ge [sflag:s15], $0x4000  }
0x2e: {  	[sflag:s15] =	ssyncset.done $0x0  }
0x2f: {  	[sflag:s15] =	ssyncadd.s32 $0xFFFFC000  }
0x30: {  	[spmem:s9] =	stream.linear.scatter [tilespmem:s14], [sflag:$0x2], $0x4000, $0x38;
	[tilespmem:$0x1D000] =	vst v63  }
0x31: {  	_ =	swait.ge [sflag:s15], $0x4000  }
0x32: {  	[sflag:s15] =	ssyncset.done $0x0  }
0x33: {  	[sflag:s15] =	ssyncadd.s32 $0xFFFFC000  }
0x34: {  	s31 =	simm.s32 $0x0;
	[bflag:$0x0] =	sbarrier.arrive $0xFFFF  }
0x35: {  	[tilespmem:s31], [sflag:$0x2] =	stream.linear.gather [hbm4b:s10+s31], $0x2780, $0x38;
	[tilespmem:$0x1D000] =	vst v63  }
0x36: {  	_ =	swait.ge [sflag:s15], $0x2780  }
0x37: {  	[sflag:s15] =	ssyncset.done $0x0  }
0x38: {  	[sflag:s15] =	ssyncadd.s32 $0xFFFFD880  }
0x39: {  	[tilespmem:s16], [sflag:$0x2] =	stream.linear.gather [hbm4b:s11+s31], $0x2780, $0x38;
	[tilespmem:$0x1D000] =	vst v63  }
0x3a: {  	_ =	swait.ge [sflag:s15], $0x2780  }
0x3b: {  	[sflag:s15] =	ssyncset.done $0x0  }
0x3c: {  	s21 =	simm.s32 $0x0;
	[sflag:s15] =	ssyncadd.s32 $0xFFFFD880  }
0x3d: {  	v4 =	vld [tilespmem:s21+$0x0]  }
0x3e: {  	v6 =	vld [tilespmem:s21+$0x10]  }
0x3f: {  	v5 =	vld [tilespmem:s21+$0x20]  }
0x40: {  	v3 =	vld [tilespmem:s21+$0x30]  }
0x41: {  	v2 =	vld [tilespmem:s21+$0x40]  }
0x42: {  	v7 =	vadd.s32 v0, v4;
	v4 =	vld [tilespmem:s21+$0x50]  }
0x43: {  	s22 =	simm.s32 $0x200;
	[tilespmem:s21+$0x0] =	vst v7;
	v7 =	vadd.s32 v0, v6;
	v6 =	vld [tilespmem:s21+$0x60]  }
.LBB2_4:
0x44: {  	s23 =	sshra.s32 s22, $0x2;
	p0 =	sne.s32 s22, $0x9C00;
	[tilespmem:s21+$0x10] =	vst v7;
	v5 =	vadd.s32 v0, v5;
	v7 =	vld [tilespmem:s21+$0x70]  }
0x45: {  	v8 =	vld [tilespmem:s23+$0x0];
	[tilespmem:s21+$0x20] =	vst v5;
	v3 =	vadd.s32 v0, v3  }
0x46: {  	v9 =	vld [tilespmem:s23+$0x10];
	[tilespmem:s21+$0x30] =	vst v3;
	v2 =	vadd.s32 v0, v2  }
.Ltmp1:
0x47: {  	v5 =	vld [tilespmem:s23+$0x20];
	[tilespmem:s21+$0x40] =	vst v2;
	v2 =	vadd.s32 v0, v4;
	(pc) =	sbr.rel @p0 .LBB2_4-.Ltmp1, $4  }
0x48: {  	v3 =	vld [tilespmem:s23+$0x30];
	[tilespmem:s21+$0x50] =	vst v2;
	v4 =	vadd.s32 v0, v6  }
0x49: {  	v2 =	vld [tilespmem:s23+$0x40];
	[tilespmem:s21+$0x60] =	vst v4;
	v6 =	vadd.s32 v0, v7  }
0x4a: {  	v7 =	vadd.s32 v0, v8;
	v4 =	vld [tilespmem:s23+$0x50];
	[tilespmem:s21+$0x70] =	vst v6;
	s21 =	smov.u32 s23  }
0x4b: {  	s22 =	sadd.s32 $0x200, s22;
	[tilespmem:s21+$0x0] =	vst v7;
	v7 =	vadd.s32 v0, v9;
	v6 =	vld [tilespmem:s21+$0x60]  }
0x4c: {  	[tilespmem:s21+$0x10] =	vst v7;
	v5 =	vadd.s32 v0, v5;
	v63 =	vld [tilespmem:s21+$0x70]  }
0x4d: {  	[tilespmem:s21+$0x20] =	vst v5;
	v3 =	vadd.s32 v0, v3  }
0x4e: {  	[tilespmem:s21+$0x30] =	vst v3;
	v2 =	vadd.s32 v0, v2  }
0x4f: {  	[tilespmem:s21+$0x40] =	vst v2;
	v2 =	vadd.s32 v0, v4  }
0x50: {  	[tilespmem:s21+$0x50] =	vst v2;
	v2 =	vadd.s32 v0, v6  }
0x51: {  	[tilespmem:s21+$0x60] =	vst v2;
	v2 =	vadd.s32 v0, v63  }
0x52: {  	s30 =	simm.s32 $0x0;
	[tilespmem:s21+$0x70] =	vst v2  }
0x53: {  	[tilespmem:s14], [sflag:$0x1] =	stream.indirect.gather [hbm4b:s4+s17], $0x80, s30, s17, $0xb8;
	[tilespmem:$0x1D000] =	vst v63  }
0x54: {  	_ =	swait.ge [sflag:s18], $0x4000  }
0x55: {  	[sflag:s18] =	ssyncset.done $0x0  }
0x56: {  	s31 =	simm.s32 $0x2800;
	[sflag:s18] =	ssyncadd.s32 $0xFFFFC000  }
0x57: {  	[spmem:s2] =	stream.indirect.scatter.add.f32 [tilespmem:s14], [sflag:$0x2], $0x80, s31, s17, $0xb8;
	[tilespmem:$0x1D000] =	vst v63  }
0x58: {  	_ =	swait.ge [sflag:s15], $0x4000  }
0x59: {  	s22 =	simm.s32 $0x400;
	s21 =	simm.s32 $0x200;
	[sflag:s15] =	ssyncset.done $0x0  }
.LBB2_6:
0x5a: {  	s23 =	sshra.s32 s21, $0x2  }
0x5b: {  	[sflag:s15] =	ssyncadd.s32 $0xFFFFC000;
	s21 =	smov.u32 s22;
	s24 =	sadd.s32 $0x200, s22  }
0x5c: {  	[tilespmem:s14], [sflag:$0x1] =	stream.indirect.gather [hbm4b:s4+s17], $0x80, s23, s17, $0xb8;
	[tilespmem:$0x1D000] =	vst v63  }
0x5d: {  	p0 =	sne.s32 s22, $0x9C00;
	_ =	swait.ge [sflag:s18], $0x4000  }
.Ltmp2:
0x5e: {  	[sflag:s18] =	ssyncset.done $0x0;
	(pc) =	sbr.rel @p0 .LBB2_6-.Ltmp2, $4  }
0x5f: {  	s22 =	sadd.s32 $0x2800, s23;
	[sflag:s18] =	ssyncadd.s32 $0xFFFFC000  }
0x60: {  	[spmem:s2] =	stream.indirect.scatter.add.f32 [tilespmem:s14], [sflag:$0x2], $0x80, s22, s17, $0xb8;
	[tilespmem:$0x1D000] =	vst v63  }
0x61: {  	_ =	swait.ge [sflag:s15], $0x4000  }
0x62: {  	s22 =	smov.u32 s24;
	[sflag:s15] =	ssyncset.done $0x0  }
0x63: {  	s21 =	sshra.s32 s21, $0x2;
	[sflag:s15] =	ssyncadd.s32 $0xFFFFC000  }
0x64: {  	[tilespmem:s14], [sflag:$0x1] =	stream.indirect.gather [hbm4b:s4+s17], $0x80, s21, s17, $0xb8;
	[tilespmem:$0x1D000] =	vst v63  }
0x65: {  	_ =	swait.ge [sflag:s18], $0x4000  }
0x66: {  	[sflag:s18] =	ssyncset.done $0x0  }
0x67: {  	s21 =	sadd.s32 $0x2800, s21;
	[sflag:s18] =	ssyncadd.s32 $0xFFFFC000  }
0x68: {  	[spmem:s2] =	stream.indirect.scatter.add.f32 [tilespmem:s14], [sflag:$0x2], $0x80, s21, s17, $0xb8;
	[tilespmem:$0x1D000] =	vst v63  }
0x69: {  	_ =	swait.ge [sflag:s15], $0x4000  }
0x6a: {  	s3 =	sadd.s32 $0x1, s3;
	[sflag:s15] =	ssyncset.done $0x0  }
0x6b: {  	p0 =	sne.s32 s3, s13;
	[sflag:s15] =	ssyncadd.s32 $0xFFFFC000  }
.Ltmp3:
0x6c: {  	[bflag:$0x0] =	sbarrier.arrive $0xFFFF;
	(pc) =	sbr.rel @p0 .LBB2_1-.Ltmp3, $4  }
0x6d: {  	[hbm:s12], [sflag:s19] =	dma.local [spmem:s20], $0x2800  }
0x6e: {  	_ =	swait.ge [sflag:s15], $0x2800  }
0x6f: {  	[sflag:s15] =	ssyncset.done $0x0  }
0x70: {  	[sflag:s15] =	ssyncadd.s32 $0xFFFFD800  }
0x71: {  	_ =	sfence.sel $0x180000  }
0x72: {  	[bflag:$0x0] =	sbarrier.arrive $0xFFFF  }
0x73: {  	p0 =	sne.s32 s0, $0x0;
	_ =	strace $0x9000004A  }
0x74: {  	s0 =	sadd.s32 @!p0 $0x100000, s1;
	[bflag:$0x2] =	sbarrier.arrive $0xFFFF  }
0x75: {  	[sflag:s0] =	ssyncadd.tile.s32 @!p0 $0x1;
	_ =	shalt  }
.Lfunc_end2:
_tile_overlayer_lowered:
.L_overlay_start_2:
0x76: {  	(tag) =	ssettag $0x2  }
0x77: {  	s0 =	rddreg [dreg:$0x0];
	s2 =	stileid.u32  }
0x78: {  	s1 =	rddreg [dreg:$0x1];
	p0 =	sne.s32 s2, $0x0  }
0x79: {  	s3 =	rddreg [dreg:$0x2];
	[bflag:$0x3] =	sbarrier.arrive $0xFFFF;
	s2 =	simm.s32 @!p0 $0x1C02  }
0x7a: {  	[timem:s3], [sflag:s2] =	dma.local @!p0 [hbm:s0], s1  }
0x7b: {  	s0 =	simm.s32 @!p0 $0x2  }
0x7c: {  	_ =	swait.ge @!p0 [sflag:s0], s1  }
0x7d: {  	s1 =	ssub.s32 @!p0 $0x0, s1;
	[sflag:s0] =	ssyncset.done @!p0 $0x0  }
0x7e: {  	[sflag:s0] =	ssyncadd.s32 @!p0 s1  }
0x7f: {  	[bflag:$0x3] =	sbarrier.arrive $0xFFFF  }
0x80: {  	_ =	shalt  }

// kernel: kernel.16.cloned.1.call-start
scs
__scs_entry_jumppad:
0x0: {  	(pc) =	sbr.rel $0x88, $3  }
0x1: {  	(tag) =	ssettag $0x0;
	lr =	simm.s32 $0x1  }
0x2: {  	[smem:$0x3F91] =	sst lr;
	_ =	strace $0xD0000000  }
0x3: {  	_ = 	snop  }
0x4: {  	_ = 	snop  }
0x5: {  	_ = 	snop  }
0x6: {  	_ = 	snop  }
0x7: {  	_ = 	snop  }
__scs_overlays_trampoline_lowered:
0x8: {  	[smem:$0x3FA0] =	sst s0  }
0x9: {  	[smem:$0x3FA1] =	sst s1  }
0xa: {  	[smem:$0x3FA2] =	sst s2  }
0xb: {  	[smem:$0x3FA3] =	sst s3  }
0xc: {  	[smem:$0x3FA4] =	sst s4  }
0xd: {  	[smem:$0x3FA5] =	sst s5  }
0xe: {  	[smem:$0x3FA6] =	sst s6  }
0xf: {  	[smem:$0x3FA7] =	sst s7  }
0x10: {  	[smem:$0x3FA8] =	sst s8  }
0x11: {  	[smem:$0x3FA9] =	sst s9;
	s0 =	simm.s32 @!p0 $0x0  }
0x12: {  	s1 =	sld [smem:$0x3F8F];
	s0 =	simm.s32 @p0 $0x1  }
0x13: {  	[smem:$0x3FAA] =	sst s0;
	s0 =	simm.s32 @!p1 $0x0  }
0x14: {  	s2 =	sld [smem:$0x3F8E];
	s0 =	simm.s32 @p1 $0x1  }
0x15: {  	[smem:$0x3FAB] =	sst s0;
	s0 =	simm.s32 @!p2 $0x0  }
0x16: {  	s3 =	sld [smem:$0x3FDB];
	s0 =	simm.s32 @p2 $0x1  }
0x17: {  	s4 =	simm.s32 $0x1BF5;
	[smem:$0x3FAD] =	sst s0  }
0x18: {  	s0 =	sld [smem:$0x3F90];
	_ =	swait.ge [sflag:s4], $0x0  }
0x19: {  	s7 =	sld [smem:$0x3F91]  }
0x1a: {  	s8 =	sadd.s32 $0xFFFFE003, lr  }
0x1b: {  	s9 =	sadd.s32 $0xFFFFFEF7, lr;
	s5 =	simm.s32 $0xFFFFFFFF;
	p2 =	slt.u32 s8, $0xFFFFF086  }
0x1c: {  	p1 =	slt.u32 s9, $0xF7A;
	s5 =	simm.s32 @!p2 $0x0  }
0x1d: {  	s5 =	simm.s32 @p1 $0x1;
	p0 =	seq.s32 s7, s2  }
0x1e: {  	s7 =	smul.u32 @!p0 $0xF7A, s2;
	p2 =	seq.s32 @!p0 s5, $0x0  }
0x1f: {  	s9 =	smul.u32 $0xF7A, s1;
	s8 =	simm.s32 @!p0 $0x1BF5;
	p2 =	por !p2, p0  }
0x20: {  	[sflag:s8] =	ssyncset.s32 @!p0 $0xFFFFF086;
	s6 =	sadd.s32 @!p0 s3, s7;
	s7 =	simm.s32 @!p0 $0x108  }
0x21: {  	s3 =	sadd.s32 s3, s9;
	s6 =	sadd.s32 @!p0 $0x88, s6;
	s7 =	simm.s32 @p2 $0x1082  }
0x22: {  	[simem:s7], [sflag:s8] =	dma.local @!p0 [hbm:s6], $0xF7A  }
0x23: {  	s9 =	sor.u32 $0xD0000000, s2;
	s6 =	simm.s32 $0x108;
	_ =	swait.ge @!p0 [sflag:s8], $0x0  }
0x24: {  	s3 =	sadd.s32 $0x88, s3;
	s6 =	simm.s32 @!p1 $0x1082;
	[sflag:s4] =	ssyncset.s32 $0xFFFFF086  }
0x25: {  	[simem:s6], [sflag:s4] =	dma.local [hbm:s3], $0xF7A  }
0x26: {  	[smem:$0x3F91] =	sst s1;
	(tag) =	ssettag s2;
	_ =	strace s9  }
0x27: {  	s1 =	sld [smem:$0x3FA1]  }
0x28: {  	s2 =	sld [smem:$0x3FA2]  }
0x29: {  	s4 =	sld [smem:$0x3FA4]  }
0x2a: {  	p0 =	seq.s32 s5, $0x0;
	s5 =	sld [smem:$0x3FA5]  }
0x2b: {  	s6 =	sld [smem:$0x3FA6]  }
0x2c: {  	s7 =	sld [smem:$0x3FA7]  }
0x2d: {  	s3 =	simm.s32 $0x108;
	s8 =	sld [smem:$0x3FA8]  }
0x2e: {  	s3 =	simm.s32 @!p0 $0x1082;
	s9 =	sld [smem:$0x3FA9]  }
0x2f: {  	lr =	sadd.s32 s0, s3;
	s0 =	sld [smem:$0x3FA0]  }
0x30: {  	s3 =	sld [smem:$0x3FA3]  }
0x31: {  	[smem:$0x3FAC] =	sst s10  }
0x32: {  	s10 =	sld [smem:$0x3FAA];
	_ =	sdelay $0x3  }
0x33: {  	p0 =	seq.s32 s10, $0x1;
	s10 =	sld [smem:$0x3FAC];
	_ =	sdelay $0x3  }
0x34: {  	[smem:$0x3FAC] =	sst s10  }
0x35: {  	s10 =	sld [smem:$0x3FAB];
	_ =	sdelay $0x3  }
0x36: {  	p1 =	seq.s32 s10, $0x1;
	s10 =	sld [smem:$0x3FAC];
	_ =	sdelay $0x3  }
0x37: {  	[smem:$0x3FAC] =	sst s10  }
0x38: {  	s10 =	sld [smem:$0x3FAD]  }
0x39: {  	_ = 	snop;
	(pc) =	sbr.ind lr, $3  }
0x3a: {  	_ = 	snop  }
0x3b: {  	_ = 	snop  }
0x3c: {  	p2 =	seq.s32 s10, $0x1;
	s10 =	sld [smem:$0x3FAC]  }
0x3d: {  	_ =	shalt  }
0x3e: {  	_ =	shalt  }
0x3f: {  	_ =	shalt  }
0x40: {  	_ =	shalt  }
0x41: {  	_ =	shalt  }
0x42: {  	_ =	shalt  }
0x43: {  	_ =	shalt  }
0x44: {  	_ =	shalt  }
0x45: {  	_ =	shalt  }
0x46: {  	_ =	shalt  }
0x47: {  	_ =	shalt  }
0x48: {  	_ =	shalt  }
0x49: {  	_ =	shalt  }
0x4a: {  	_ =	shalt  }
0x4b: {  	_ =	shalt  }
0x4c: {  	_ =	shalt  }
0x4d: {  	_ =	shalt  }
0x4e: {  	_ =	shalt  }
0x4f: {  	_ =	shalt  }
0x50: {  	_ =	shalt  }
0x51: {  	_ =	shalt  }
0x52: {  	_ =	shalt  }
0x53: {  	_ =	shalt  }
0x54: {  	_ =	shalt  }
0x55: {  	_ =	shalt  }
0x56: {  	_ =	shalt  }
0x57: {  	_ =	shalt  }
0x58: {  	_ =	shalt  }
0x59: {  	_ =	shalt  }
0x5a: {  	_ =	shalt  }
0x5b: {  	_ =	shalt  }
0x5c: {  	_ =	shalt  }
0x5d: {  	_ =	shalt  }
0x5e: {  	_ =	shalt  }
0x5f: {  	_ =	shalt  }
0x60: {  	_ =	shalt  }
0x61: {  	_ =	shalt  }
0x62: {  	_ =	shalt  }
0x63: {  	_ =	shalt  }
0x64: {  	_ =	shalt  }
0x65: {  	_ =	shalt  }
0x66: {  	_ =	shalt  }
0x67: {  	_ =	shalt  }
0x68: {  	_ =	shalt  }
0x69: {  	_ =	shalt  }
0x6a: {  	_ =	shalt  }
0x6b: {  	_ =	shalt  }
0x6c: {  	_ =	shalt  }
0x6d: {  	_ =	shalt  }
0x6e: {  	_ =	shalt  }
0x6f: {  	_ =	shalt  }
0x70: {  	_ =	shalt  }
0x71: {  	_ =	shalt  }
0x72: {  	_ =	shalt  }
0x73: {  	_ =	shalt  }
0x74: {  	_ =	shalt  }
0x75: {  	_ =	shalt  }
0x76: {  	_ =	shalt  }
0x77: {  	_ =	shalt  }
0x78: {  	_ =	shalt  }
0x79: {  	_ =	shalt  }
0x7a: {  	_ =	shalt  }
0x7b: {  	_ =	shalt  }
0x7c: {  	_ =	shalt  }
0x7d: {  	_ =	shalt  }
0x7e: {  	_ =	shalt  }
0x7f: {  	_ =	shalt  }
0x80: {  	_ =	shalt  }
0x81: {  	_ =	shalt  }
0x82: {  	_ =	shalt  }
0x83: {  	_ =	shalt  }
0x84: {  	_ =	shalt  }
0x85: {  	_ =	shalt  }
0x86: {  	_ =	shalt  }
0x87: {  	_ =	shalt  }
.Lfunc_end0:
.L_simem_size_0:
called_computation.2_lowered:
.L_overlay_start_0:
0x88: {  	s2 =	sld [smem:$0x3FD9]  }
0x89: {  	s3 =	sld [smem:$0x3FFE];
	_ =	sdelay $0x1  }
0x8a: {  	s1 =	srdreg.scid  }
0x8b: {  	s0 =	sand.u32 $0x1, s1  }
0x8c: {  	s16 =	sshll.u32 s0, $0xA;
	s2 =	sadd.s32 s3, s2  }
0x8d: {  	s2 =	sadd.s32 s2, s16  }
0x8e: {  	[smem:$0x3FB8] =	sst s2  }
0x8f: {  	_ = 	snop  }
0x90: {  	(tm) =	ssettm $0x1  }
0x91: {  	s17 =	sld [smem:$0x3FFB];
	_ =	sdelay $0x3  }
0x92: {  	_ =	strace s17  }
0x93: {  	s2 =	sld [smem:$0x3FFC];
	_ =	sdelay $0x3  }
0x94: {  	_ =	strace s2  }
0x95: {  	s2 =	sld [smem:$0x3FFD];
	_ =	sdelay $0x3  }
0x96: {  	_ =	strace s2  }
0x97: {  	_ =	strace $0x8FFFFFFF  }
0x98: {  	s18 =	sld [smem:$0x3FDB];
	_ =	sdelay $0x1  }
0x99: {  	s19 =	simm.s32 $_scs_section_size  }
0x9a: {  	s4 =	simm.s32 $_size__tile_overlayer_lowered;
	s5 =	simm.s32 $_tile_overlayer_lowered  }
0x9b: {  	s22 =	simm.s32 $0x1BFF;
	s21 =	sshll.u32 s5, $0x1;
	s2 =	sadd.s32 s19, s18  }
0x9c: {  	s6 =	simm.s32 $0x0;
	s20 =	sshll.u32 s4, $0x1;
	s4 =	sadd.s32 s21, s2  }
0x9d: {  	[timem:s6], [sflag:s22] =	dma.local [hbm:s4], s20  }
0x9e: {  	_ =	swait.ge [sflag:s22], s20  }
0x9f: {  	s3 =	ssub.s32 $0x0, s20;
	[sflag:s22] =	ssyncset.done $0x0  }
0xa0: {  	[sflag:s22] =	ssyncadd.s32 s3;
	_ =	sdelay $0x1  }
0xa1: {  	s23 =	simm.s32 $0x1B8B  }
0xa2: {  	_ =	swait.ge [sflag:s23], $0x1  }
0xa3: {  	[sflag:s23] =	ssyncset.done $0x0  }
0xa4: {  	s25 =	simm.s32 $0x1B8E;
	s24 =	sld [smem:$0x3FFE];
	[sflag:s23] =	ssyncadd.s32 $0xFFFFFFFF  }
0xa5: {  	s26 =	simm.s32 $execute0_lowered;
	[smem:$0x3FD2] =	sst s25  }
0xa6: {  	s4 =	sshll.u32 s26, $0x1;
	_ =	strace $0x8000004C;
	[dreg:$0x1] =	wrdreg $0xFFFFFFFF  }
0xa7: {  	s28 =	simm.s32 $_size_execute0_lowered;
	s2 =	sadd.s32 s2, s4;
	[dreg:$0x0] =	wrdreg $0x0  }
0xa8: {  	s4 =	sshll.u32 s28, $0x1;
	[dreg:$0x2] =	wrdreg s2  }
0xa9: {  	[dreg:$0x3] =	wrdreg s4  }
0xaa: {  	[dreg:$0x4] =	wrdreg $0xC0  }
0xab: {  	_ =	task [dreg:s6], $0x5FFFF  }
0xac: {  	[dreg:$0x1] =	wrdreg $0xFFFFFFFF  }
0xad: {  	[dreg:$0x0] =	wrdreg $0x60  }
0xae: {  	[dreg:$0x2] =	wrdreg s24  }
0xaf: {  	[dreg:$0x3] =	wrdreg $0x90000  }
0xb0: {  	[dreg:$0x4] =	wrdreg $0x9  }
0xb1: {  	_ =	task.clear_ibuf [dreg:s6], $0x5FFFF;
	_ =	strace $0x9000004C  }
0xb2: {  	s29 =	simm.s32 $0x9;
	_ =	strace $0x8000004E  }
0xb3: {  	_ =	swait.ge [sflag:s29], $0x1  }
0xb4: {  	[sflag:s29] =	ssyncadd.s32 $0xFFFFFFFF  }
0xb5: {  	_ =	strace $0x9000004E  }
0xb6: {  	_ =	sfence  }
0xb7: {  	s30 =	sld [smem:$0x0];
	_ =	sdelay $0x2  }
0xb8: {  	s31 =	sshll.u32 s1, $0xD;
	s1 =	sshrl.u32 s1, $0x2  }
0xb9: {  	s3 =	sand.u32 $0x4000, s31;
	s1 =	sadd.s32 s1, s30  }
0xba: {  	s0 =	sor.u32 s3, s0;
	s1 =	sshll.u32 s1, $0x11  }
0xbb: {  	s0 =	sor.u32 s1, s0  }
0xbc: {  	s0 =	sadd.s32 $0x8F2B, s0  }
0xbd: {  	[sflag:s0] =	ssyncadd.remote.s32 $0x1  }
0xbe: {  	_ =	sfence.sel $0xFFFF  }
0xbf: {  	[dreg:$0x0] =	wrdreg $0xFFFFFFFF;
	(pc) =	sbr.abs _section_cstart, $3  }
0xc0: {  	[dreg:$0x1] =	wrdreg $0xFFFFFFFF  }
0xc1: {  	_ =	task.clear_ibuf [dreg:s6], $0x2FFFF;
	_ =	strace $0x9FFFFFFF  }
0xc2: {  	(tm) =	ssettm $0x7FFFFFFF  }
0xc3: {  	_ =	shalt  }
tec
execute0_lowered:
.L_overlay_start_1:
0x0: {  	(tag) =	ssettag $0x1  }
0x1: {  	s5 =	rddreg [dreg:$0x0];
	s0 =	stileid.u32  }
0x2: {  	s1 =	srdreg.scid;
	s2 =	rddreg [dreg:$0x1]  }
0x3: {  	s3 =	simm.s32 $0x0;
	s15 =	simm.s32 $0x2;
	s16 =	simm.s32 $0x2800  }
0x4: {  	s6 =	smul.u32 $0x500, s0;
	s12 =	sand.u32 $0x1, s1;
	s1 =	rddreg [dreg:$0x2]  }
0x5: {  	s17 =	simm.s32 $0x80;
	[smem:$0x7FF] =	sst s3;
	s8 =	smul.u32 $0x14000, s0  }
0x6: {  	s9 =	smul.u32 $0x50000, s0;
	s4 =	sadd.s32 $0x34A00, s5;
	s19 =	sshll.u32 s0, $0x6  }
0x7: {  	s7 =	smul.u32 $0x140000, s12;
	_ =	strace $0x8000004D;
	s29 =	ssub.s32 $0x2, s12  }
0x8: {  	s18 =	smul.u32 $0x2800, s12;
	s19 =	sor.u32 $0x1C02, s19;
	s11 =	sadd.s32 s6, s5  }
0x9: {  	s30 =	sshrl.u32 s9, $0x2;
	s31 =	sshrl.u32 s29, $0x1;
	s28 =	sadd.s32 s8, s7  }
0xa: {  	s14 =	ssub.s32 s29, s31;
	s10 =	sadd.s32 $0x2FA00, s11;
	s6 =	sshrl.u32 s28, $0x3  }
0xb: {  	s11 =	sadd.s32 $0x2A00, s11;
	s13 =	sadd.s32 s6, s5;
	s5 =	sadd.s32 s30, s2  }
0xc: {  	v0 =	vmov s18;
	s18 =	simm.s32 $0x1;
	s6 =	sadd.s32 $0x4000, s5;
	s7 =	sadd.s32 $0x8000, s5  }
0xd: {  	s8 =	sadd.s32 $0xC000, s5;
	s9 =	sadd.s32 $0x10000, s5;
	s12 =	sadd.s32 $0x84A00, s13  }
0xe: {  	v1 =	vimm.f32 $0.0e+00;
	s13 =	smax.u32 s14, $0x1;
	s14 =	simm.s32 $0x5000;
	s20 =	sshrl.u32 s5, $0x3  }
.LBB2_1:
0xf: {  	s21 =	simm.s32 $0x0;
	s22 =	simm.s32 $0x200  }
.LBB2_2:
0x10: {  	p0 =	sne.s32 s22, $0xFE00;
	[tilespmem:s21+$0x5070] =	vst v1  }
0x11: {  	[tilespmem:s21+$0x5000] =	vst v1  }
0x12: {  	[tilespmem:s21+$0x5010] =	vst v1  }
.Ltmp0:
0x13: {  	[tilespmem:s21+$0x5020] =	vst v1;
	(pc) =	sbr.rel @p0 .LBB2_2-.Ltmp0, $4  }
0x14: {  	[tilespmem:s21+$0x5030] =	vst v1  }
0x15: {  	[tilespmem:s21+$0x5040] =	vst v1  }
0x16: {  	[tilespmem:s21+$0x5050] =	vst v1  }
0x17: {  	[tilespmem:s21+$0x5060] =	vst v1;
	s21 =	sshra.s32 s22, $0x2;
	s22 =	sadd.s32 $0x200, s22  }
0x18: {  	[tilespmem:s21+$0x5070] =	vst v1  }
0x19: {  	[tilespmem:s21+$0x5000] =	vst v1  }
0x1a: {  	[tilespmem:s21+$0x5010] =	vst v1  }
0x1b: {  	[tilespmem:s21+$0x5020] =	vst v1  }
0x1c: {  	[tilespmem:s21+$0x5030] =	vst v1  }
0x1d: {  	[tilespmem:s21+$0x5040] =	vst v1  }
0x1e: {  	[tilespmem:s21+$0x5050] =	vst v1  }
0x1f: {  	[tilespmem:s21+$0x5060] =	vst v1  }
0x20: {  	[spmem:s5] =	stream.linear.scatter [tilespmem:s14], [sflag:$0x2], $0x4000, $0x38;
	[tilespmem:$0x1D000] =	vst v63  }
0x21: {  	_ =	swait.ge [sflag:s15], $0x4000  }
0x22: {  	[sflag:s15] =	ssyncset.done $0x0  }
0x23: {  	[sflag:s15] =	ssyncadd.s32 $0xFFFFC000  }
0x24: {  	[spmem:s6] =	stream.linear.scatter [tilespmem:s14], [sflag:$0x2], $0x4000, $0x38;
	[tilespmem:$0x1D000] =	vst v63  }
0x25: {  	_ =	swait.ge [sflag:s15], $0x4000  }
0x26: {  	[sflag:s15] =	ssyncset.done $0x0  }
0x27: {  	[sflag:s15] =	ssyncadd.s32 $0xFFFFC000  }
0x28: {  	[spmem:s7] =	stream.linear.scatter [tilespmem:s14], [sflag:$0x2], $0x4000, $0x38;
	[tilespmem:$0x1D000] =	vst v63  }
0x29: {  	_ =	swait.ge [sflag:s15], $0x4000  }
0x2a: {  	[sflag:s15] =	ssyncset.done $0x0  }
0x2b: {  	[sflag:s15] =	ssyncadd.s32 $0xFFFFC000  }
0x2c: {  	[spmem:s8] =	stream.linear.scatter [tilespmem:s14], [sflag:$0x2], $0x4000, $0x38;
	[tilespmem:$0x1D000] =	vst v63  }
0x2d: {  	_ =	swait.ge [sflag:s15], $0x4000  }
0x2e: {  	[sflag:s15] =	ssyncset.done $0x0  }
0x2f: {  	[sflag:s15] =	ssyncadd.s32 $0xFFFFC000  }
0x30: {  	[spmem:s9] =	stream.linear.scatter [tilespmem:s14], [sflag:$0x2], $0x4000, $0x38;
	[tilespmem:$0x1D000] =	vst v63  }
0x31: {  	_ =	swait.ge [sflag:s15], $0x4000  }
0x32: {  	[sflag:s15] =	ssyncset.done $0x0  }
0x33: {  	[sflag:s15] =	ssyncadd.s32 $0xFFFFC000  }
0x34: {  	s31 =	simm.s32 $0x0;
	[bflag:$0x0] =	sbarrier.arrive $0xFFFF  }
0x35: {  	[tilespmem:s31], [sflag:$0x2] =	stream.linear.gather [hbm4b:s10+s31], $0x2780, $0x38;
	[tilespmem:$0x1D000] =	vst v63  }
0x36: {  	_ =	swait.ge [sflag:s15], $0x2780  }
0x37: {  	[sflag:s15] =	ssyncset.done $0x0  }
0x38: {  	[sflag:s15] =	ssyncadd.s32 $0xFFFFD880  }
0x39: {  	[tilespmem:s16], [sflag:$0x2] =	stream.linear.gather [hbm4b:s11+s31], $0x2780, $0x38;
	[tilespmem:$0x1D000] =	vst v63  }
0x3a: {  	_ =	swait.ge [sflag:s15], $0x2780  }
0x3b: {  	[sflag:s15] =	ssyncset.done $0x0  }
0x3c: {  	s21 =	simm.s32 $0x0;
	[sflag:s15] =	ssyncadd.s32 $0xFFFFD880  }
0x3d: {  	v4 =	vld [tilespmem:s21+$0x0]  }
0x3e: {  	v6 =	vld [tilespmem:s21+$0x10]  }
0x3f: {  	v5 =	vld [tilespmem:s21+$0x20]  }
0x40: {  	v3 =	vld [tilespmem:s21+$0x30]  }
0x41: {  	v2 =	vld [tilespmem:s21+$0x40]  }
0x42: {  	v7 =	vadd.s32 v0, v4;
	v4 =	vld [tilespmem:s21+$0x50]  }
0x43: {  	s22 =	simm.s32 $0x200;
	[tilespmem:s21+$0x0] =	vst v7;
	v7 =	vadd.s32 v0, v6;
	v6 =	vld [tilespmem:s21+$0x60]  }
.LBB2_4:
0x44: {  	s23 =	sshra.s32 s22, $0x2;
	p0 =	sne.s32 s22, $0x9C00;
	[tilespmem:s21+$0x10] =	vst v7;
	v5 =	vadd.s32 v0, v5;
	v7 =	vld [tilespmem:s21+$0x70]  }
0x45: {  	v8 =	vld [tilespmem:s23+$0x0];
	[tilespmem:s21+$0x20] =	vst v5;
	v3 =	vadd.s32 v0, v3  }
0x46: {  	v9 =	vld [tilespmem:s23+$0x10];
	[tilespmem:s21+$0x30] =	vst v3;
	v2 =	vadd.s32 v0, v2  }
.Ltmp1:
0x47: {  	v5 =	vld [tilespmem:s23+$0x20];
	[tilespmem:s21+$0x40] =	vst v2;
	v2 =	vadd.s32 v0, v4;
	(pc) =	sbr.rel @p0 .LBB2_4-.Ltmp1, $4  }
0x48: {  	v3 =	vld [tilespmem:s23+$0x30];
	[tilespmem:s21+$0x50] =	vst v2;
	v4 =	vadd.s32 v0, v6  }
0x49: {  	v2 =	vld [tilespmem:s23+$0x40];
	[tilespmem:s21+$0x60] =	vst v4;
	v6 =	vadd.s32 v0, v7  }
0x4a: {  	v7 =	vadd.s32 v0, v8;
	v4 =	vld [tilespmem:s23+$0x50];
	[tilespmem:s21+$0x70] =	vst v6;
	s21 =	smov.u32 s23  }
0x4b: {  	s22 =	sadd.s32 $0x200, s22;
	[tilespmem:s21+$0x0] =	vst v7;
	v7 =	vadd.s32 v0, v9;
	v6 =	vld [tilespmem:s21+$0x60]  }
0x4c: {  	[tilespmem:s21+$0x10] =	vst v7;
	v5 =	vadd.s32 v0, v5;
	v63 =	vld [tilespmem:s21+$0x70]  }
0x4d: {  	[tilespmem:s21+$0x20] =	vst v5;
	v3 =	vadd.s32 v0, v3  }
0x4e: {  	[tilespmem:s21+$0x30] =	vst v3;
	v2 =	vadd.s32 v0, v2  }
0x4f: {  	[tilespmem:s21+$0x40] =	vst v2;
	v2 =	vadd.s32 v0, v4  }
0x50: {  	[tilespmem:s21+$0x50] =	vst v2;
	v2 =	vadd.s32 v0, v6  }
0x51: {  	[tilespmem:s21+$0x60] =	vst v2;
	v2 =	vadd.s32 v0, v63  }
0x52: {  	s30 =	simm.s32 $0x0;
	[tilespmem:s21+$0x70] =	vst v2  }
0x53: {  	[tilespmem:s14], [sflag:$0x1] =	stream.indirect.gather [hbm4b:s4+s17], $0x80, s30, s17, $0xb8;
	[tilespmem:$0x1D000] =	vst v63  }
0x54: {  	_ =	swait.ge [sflag:s18], $0x4000  }
0x55: {  	[sflag:s18] =	ssyncset.done $0x0  }
0x56: {  	s31 =	simm.s32 $0x2800;
	[sflag:s18] =	ssyncadd.s32 $0xFFFFC000  }
0x57: {  	[spmem:s2] =	stream.indirect.scatter.add.f32 [tilespmem:s14], [sflag:$0x2], $0x80, s31, s17, $0xb8;
	[tilespmem:$0x1D000] =	vst v63  }
0x58: {  	_ =	swait.ge [sflag:s15], $0x4000  }
0x59: {  	s22 =	simm.s32 $0x400;
	s21 =	simm.s32 $0x200;
	[sflag:s15] =	ssyncset.done $0x0  }
.LBB2_6:
0x5a: {  	s23 =	sshra.s32 s21, $0x2  }
0x5b: {  	[sflag:s15] =	ssyncadd.s32 $0xFFFFC000;
	s21 =	smov.u32 s22;
	s24 =	sadd.s32 $0x200, s22  }
0x5c: {  	[tilespmem:s14], [sflag:$0x1] =	stream.indirect.gather [hbm4b:s4+s17], $0x80, s23, s17, $0xb8;
	[tilespmem:$0x1D000] =	vst v63  }
0x5d: {  	p0 =	sne.s32 s22, $0x9C00;
	_ =	swait.ge [sflag:s18], $0x4000  }
.Ltmp2:
0x5e: {  	[sflag:s18] =	ssyncset.done $0x0;
	(pc) =	sbr.rel @p0 .LBB2_6-.Ltmp2, $4  }
0x5f: {  	s22 =	sadd.s32 $0x2800, s23;
	[sflag:s18] =	ssyncadd.s32 $0xFFFFC000  }
0x60: {  	[spmem:s2] =	stream.indirect.scatter.add.f32 [tilespmem:s14], [sflag:$0x2], $0x80, s22, s17, $0xb8;
	[tilespmem:$0x1D000] =	vst v63  }
0x61: {  	_ =	swait.ge [sflag:s15], $0x4000  }
0x62: {  	s22 =	smov.u32 s24;
	[sflag:s15] =	ssyncset.done $0x0  }
0x63: {  	s21 =	sshra.s32 s21, $0x2;
	[sflag:s15] =	ssyncadd.s32 $0xFFFFC000  }
0x64: {  	[tilespmem:s14], [sflag:$0x1] =	stream.indirect.gather [hbm4b:s4+s17], $0x80, s21, s17, $0xb8;
	[tilespmem:$0x1D000] =	vst v63  }
0x65: {  	_ =	swait.ge [sflag:s18], $0x4000  }
0x66: {  	[sflag:s18] =	ssyncset.done $0x0  }
0x67: {  	s21 =	sadd.s32 $0x2800, s21;
	[sflag:s18] =	ssyncadd.s32 $0xFFFFC000  }
0x68: {  	[spmem:s2] =	stream.indirect.scatter.add.f32 [tilespmem:s14], [sflag:$0x2], $0x80, s21, s17, $0xb8;
	[tilespmem:$0x1D000] =	vst v63  }
0x69: {  	_ =	swait.ge [sflag:s15], $0x4000  }
0x6a: {  	s3 =	sadd.s32 $0x1, s3;
	[sflag:s15] =	ssyncset.done $0x0  }
0x6b: {  	p0 =	sne.s32 s3, s13;
	[sflag:s15] =	ssyncadd.s32 $0xFFFFC000  }
.Ltmp3:
0x6c: {  	[bflag:$0x0] =	sbarrier.arrive $0xFFFF;
	(pc) =	sbr.rel @p0 .LBB2_1-.Ltmp3, $4  }
0x6d: {  	[hbm:s12], [sflag:s19] =	dma.local [spmem:s20], $0x2800  }
0x6e: {  	_ =	swait.ge [sflag:s15], $0x2800  }
0x6f: {  	[sflag:s15] =	ssyncset.done $0x0  }
0x70: {  	[sflag:s15] =	ssyncadd.s32 $0xFFFFD800  }
0x71: {  	_ =	sfence.sel $0x180000  }
0x72: {  	[bflag:$0x0] =	sbarrier.arrive $0xFFFF  }
0x73: {  	p0 =	sne.s32 s0, $0x0;
	_ =	strace $0x9000004D  }
0x74: {  	s0 =	sadd.s32 @!p0 $0x100000, s1;
	[bflag:$0x2] =	sbarrier.arrive $0xFFFF  }
0x75: {  	[sflag:s0] =	ssyncadd.tile.s32 @!p0 $0x1;
	_ =	shalt  }
.Lfunc_end2:
_tile_overlayer_lowered:
.L_overlay_start_2:
0x76: {  	(tag) =	ssettag $0x2  }
0x77: {  	s0 =	rddreg [dreg:$0x0];
	s2 =	stileid.u32  }
0x78: {  	s1 =	rddreg [dreg:$0x1];
	p0 =	sne.s32 s2, $0x0  }
0x79: {  	s3 =	rddreg [dreg:$0x2];
	[bflag:$0x3] =	sbarrier.arrive $0xFFFF;
	s2 =	simm.s32 @!p0 $0x1C02  }
0x7a: {  	[timem:s3], [sflag:s2] =	dma.local @!p0 [hbm:s0], s1  }
0x7b: {  	s0 =	simm.s32 @!p0 $0x2  }
0x7c: {  	_ =	swait.ge @!p0 [sflag:s0], s1  }
0x7d: {  	s1 =	ssub.s32 @!p0 $0x0, s1;
	[sflag:s0] =	ssyncset.done @!p0 $0x0  }
0x7e: {  	[sflag:s0] =	ssyncadd.s32 @!p0 s1  }
0x7f: {  	[bflag:$0x3] =	sbarrier.arrive $0xFFFF  }
0x80: {  	_ =	shalt  }

// kernel: kernel.19.cloned.1.call-start
scs
__scs_entry_jumppad:
0x0: {  	(pc) =	sbr.rel $0x88, $3  }
0x1: {  	(tag) =	ssettag $0x0;
	lr =	simm.s32 $0x1  }
0x2: {  	[smem:$0x3F91] =	sst lr;
	_ =	strace $0xD0000000  }
0x3: {  	_ = 	snop  }
0x4: {  	_ = 	snop  }
0x5: {  	_ = 	snop  }
0x6: {  	_ = 	snop  }
0x7: {  	_ = 	snop  }
__scs_overlays_trampoline_lowered:
0x8: {  	[smem:$0x3FA0] =	sst s0  }
0x9: {  	[smem:$0x3FA1] =	sst s1  }
0xa: {  	[smem:$0x3FA2] =	sst s2  }
0xb: {  	[smem:$0x3FA3] =	sst s3  }
0xc: {  	[smem:$0x3FA4] =	sst s4  }
0xd: {  	[smem:$0x3FA5] =	sst s5  }
0xe: {  	[smem:$0x3FA6] =	sst s6  }
0xf: {  	[smem:$0x3FA7] =	sst s7  }
0x10: {  	[smem:$0x3FA8] =	sst s8  }
0x11: {  	[smem:$0x3FA9] =	sst s9;
	s0 =	simm.s32 @!p0 $0x0  }
0x12: {  	s1 =	sld [smem:$0x3F8F];
	s0 =	simm.s32 @p0 $0x1  }
0x13: {  	[smem:$0x3FAA] =	sst s0;
	s0 =	simm.s32 @!p1 $0x0  }
0x14: {  	s2 =	sld [smem:$0x3F8E];
	s0 =	simm.s32 @p1 $0x1  }
0x15: {  	[smem:$0x3FAB] =	sst s0;
	s0 =	simm.s32 @!p2 $0x0  }
0x16: {  	s3 =	sld [smem:$0x3FDB];
	s0 =	simm.s32 @p2 $0x1  }
0x17: {  	s4 =	simm.s32 $0x1BF5;
	[smem:$0x3FAD] =	sst s0  }
0x18: {  	s0 =	sld [smem:$0x3F90];
	_ =	swait.ge [sflag:s4], $0x0  }
0x19: {  	s7 =	sld [smem:$0x3F91]  }
0x1a: {  	s8 =	sadd.s32 $0xFFFFE003, lr  }
0x1b: {  	s9 =	sadd.s32 $0xFFFFFEF7, lr;
	s5 =	simm.s32 $0xFFFFFFFF;
	p2 =	slt.u32 s8, $0xFFFFF086  }
0x1c: {  	p1 =	slt.u32 s9, $0xF7A;
	s5 =	simm.s32 @!p2 $0x0  }
0x1d: {  	s5 =	simm.s32 @p1 $0x1;
	p0 =	seq.s32 s7, s2  }
0x1e: {  	s7 =	smul.u32 @!p0 $0xF7A, s2;
	p2 =	seq.s32 @!p0 s5, $0x0  }
0x1f: {  	s9 =	smul.u32 $0xF7A, s1;
	s8 =	simm.s32 @!p0 $0x1BF5;
	p2 =	por !p2, p0  }
0x20: {  	[sflag:s8] =	ssyncset.s32 @!p0 $0xFFFFF086;
	s6 =	sadd.s32 @!p0 s3, s7;
	s7 =	simm.s32 @!p0 $0x108  }
0x21: {  	s3 =	sadd.s32 s3, s9;
	s6 =	sadd.s32 @!p0 $0x88, s6;
	s7 =	simm.s32 @p2 $0x1082  }
0x22: {  	[simem:s7], [sflag:s8] =	dma.local @!p0 [hbm:s6], $0xF7A  }
0x23: {  	s9 =	sor.u32 $0xD0000000, s2;
	s6 =	simm.s32 $0x108;
	_ =	swait.ge @!p0 [sflag:s8], $0x0  }
0x24: {  	s3 =	sadd.s32 $0x88, s3;
	s6 =	simm.s32 @!p1 $0x1082;
	[sflag:s4] =	ssyncset.s32 $0xFFFFF086  }
0x25: {  	[simem:s6], [sflag:s4] =	dma.local [hbm:s3], $0xF7A  }
0x26: {  	[smem:$0x3F91] =	sst s1;
	(tag) =	ssettag s2;
	_ =	strace s9  }
0x27: {  	s1 =	sld [smem:$0x3FA1]  }
0x28: {  	s2 =	sld [smem:$0x3FA2]  }
0x29: {  	s4 =	sld [smem:$0x3FA4]  }
0x2a: {  	p0 =	seq.s32 s5, $0x0;
	s5 =	sld [smem:$0x3FA5]  }
0x2b: {  	s6 =	sld [smem:$0x3FA6]  }
0x2c: {  	s7 =	sld [smem:$0x3FA7]  }
0x2d: {  	s3 =	simm.s32 $0x108;
	s8 =	sld [smem:$0x3FA8]  }
0x2e: {  	s3 =	simm.s32 @!p0 $0x1082;
	s9 =	sld [smem:$0x3FA9]  }
0x2f: {  	lr =	sadd.s32 s0, s3;
	s0 =	sld [smem:$0x3FA0]  }
0x30: {  	s3 =	sld [smem:$0x3FA3]  }
0x31: {  	[smem:$0x3FAC] =	sst s10  }
0x32: {  	s10 =	sld [smem:$0x3FAA];
	_ =	sdelay $0x3  }
0x33: {  	p0 =	seq.s32 s10, $0x1;
	s10 =	sld [smem:$0x3FAC];
	_ =	sdelay $0x3  }
0x34: {  	[smem:$0x3FAC] =	sst s10  }
0x35: {  	s10 =	sld [smem:$0x3FAB];
	_ =	sdelay $0x3  }
0x36: {  	p1 =	seq.s32 s10, $0x1;
	s10 =	sld [smem:$0x3FAC];
	_ =	sdelay $0x3  }
0x37: {  	[smem:$0x3FAC] =	sst s10  }
0x38: {  	s10 =	sld [smem:$0x3FAD]  }
0x39: {  	_ = 	snop;
	(pc) =	sbr.ind lr, $3  }
0x3a: {  	_ = 	snop  }
0x3b: {  	_ = 	snop  }
0x3c: {  	p2 =	seq.s32 s10, $0x1;
	s10 =	sld [smem:$0x3FAC]  }
0x3d: {  	_ =	shalt  }
0x3e: {  	_ =	shalt  }
0x3f: {  	_ =	shalt  }
0x40: {  	_ =	shalt  }
0x41: {  	_ =	shalt  }
0x42: {  	_ =	shalt  }
0x43: {  	_ =	shalt  }
0x44: {  	_ =	shalt  }
0x45: {  	_ =	shalt  }
0x46: {  	_ =	shalt  }
0x47: {  	_ =	shalt  }
0x48: {  	_ =	shalt  }
0x49: {  	_ =	shalt  }
0x4a: {  	_ =	shalt  }
0x4b: {  	_ =	shalt  }
0x4c: {  	_ =	shalt  }
0x4d: {  	_ =	shalt  }
0x4e: {  	_ =	shalt  }
0x4f: {  	_ =	shalt  }
0x50: {  	_ =	shalt  }
0x51: {  	_ =	shalt  }
0x52: {  	_ =	shalt  }
0x53: {  	_ =	shalt  }
0x54: {  	_ =	shalt  }
0x55: {  	_ =	shalt  }
0x56: {  	_ =	shalt  }
0x57: {  	_ =	shalt  }
0x58: {  	_ =	shalt  }
0x59: {  	_ =	shalt  }
0x5a: {  	_ =	shalt  }
0x5b: {  	_ =	shalt  }
0x5c: {  	_ =	shalt  }
0x5d: {  	_ =	shalt  }
0x5e: {  	_ =	shalt  }
0x5f: {  	_ =	shalt  }
0x60: {  	_ =	shalt  }
0x61: {  	_ =	shalt  }
0x62: {  	_ =	shalt  }
0x63: {  	_ =	shalt  }
0x64: {  	_ =	shalt  }
0x65: {  	_ =	shalt  }
0x66: {  	_ =	shalt  }
0x67: {  	_ =	shalt  }
0x68: {  	_ =	shalt  }
0x69: {  	_ =	shalt  }
0x6a: {  	_ =	shalt  }
0x6b: {  	_ =	shalt  }
0x6c: {  	_ =	shalt  }
0x6d: {  	_ =	shalt  }
0x6e: {  	_ =	shalt  }
0x6f: {  	_ =	shalt  }
0x70: {  	_ =	shalt  }
0x71: {  	_ =	shalt  }
0x72: {  	_ =	shalt  }
0x73: {  	_ =	shalt  }
0x74: {  	_ =	shalt  }
0x75: {  	_ =	shalt  }
0x76: {  	_ =	shalt  }
0x77: {  	_ =	shalt  }
0x78: {  	_ =	shalt  }
0x79: {  	_ =	shalt  }
0x7a: {  	_ =	shalt  }
0x7b: {  	_ =	shalt  }
0x7c: {  	_ =	shalt  }
0x7d: {  	_ =	shalt  }
0x7e: {  	_ =	shalt  }
0x7f: {  	_ =	shalt  }
0x80: {  	_ =	shalt  }
0x81: {  	_ =	shalt  }
0x82: {  	_ =	shalt  }
0x83: {  	_ =	shalt  }
0x84: {  	_ =	shalt  }
0x85: {  	_ =	shalt  }
0x86: {  	_ =	shalt  }
0x87: {  	_ =	shalt  }
.Lfunc_end0:
.L_simem_size_0:
called_computation.3_lowered:
.L_overlay_start_0:
0x88: {  	s2 =	sld [smem:$0x3FD9]  }
0x89: {  	s3 =	sld [smem:$0x3FFE];
	_ =	sdelay $0x1  }
0x8a: {  	s1 =	srdreg.scid  }
0x8b: {  	s0 =	sand.u32 $0x1, s1  }
0x8c: {  	s16 =	sshll.u32 s0, $0xA;
	s2 =	sadd.s32 s3, s2  }
0x8d: {  	s2 =	sadd.s32 s2, s16  }
0x8e: {  	[smem:$0x3FB8] =	sst s2  }
0x8f: {  	_ = 	snop  }
0x90: {  	(tm) =	ssettm $0x1  }
0x91: {  	s17 =	sld [smem:$0x3FFB];
	_ =	sdelay $0x3  }
0x92: {  	_ =	strace s17  }
0x93: {  	s2 =	sld [smem:$0x3FFC];
	_ =	sdelay $0x3  }
0x94: {  	_ =	strace s2  }
0x95: {  	s2 =	sld [smem:$0x3FFD];
	_ =	sdelay $0x3  }
0x96: {  	_ =	strace s2  }
0x97: {  	_ =	strace $0x8FFFFFFF  }
0x98: {  	s18 =	sld [smem:$0x3FDB];
	_ =	sdelay $0x1  }
0x99: {  	s19 =	simm.s32 $_scs_section_size  }
0x9a: {  	s4 =	simm.s32 $_size__tile_overlayer_lowered;
	s5 =	simm.s32 $_tile_overlayer_lowered  }
0x9b: {  	s22 =	simm.s32 $0x1BFF;
	s21 =	sshll.u32 s5, $0x1;
	s2 =	sadd.s32 s19, s18  }
0x9c: {  	s6 =	simm.s32 $0x0;
	s20 =	sshll.u32 s4, $0x1;
	s4 =	sadd.s32 s21, s2  }
0x9d: {  	[timem:s6], [sflag:s22] =	dma.local [hbm:s4], s20  }
0x9e: {  	_ =	swait.ge [sflag:s22], s20  }
0x9f: {  	s3 =	ssub.s32 $0x0, s20;
	[sflag:s22] =	ssyncset.done $0x0  }
0xa0: {  	[sflag:s22] =	ssyncadd.s32 s3;
	_ =	sdelay $0x1  }
0xa1: {  	s23 =	simm.s32 $0x1B8B  }
0xa2: {  	_ =	swait.ge [sflag:s23], $0x1  }
0xa3: {  	[sflag:s23] =	ssyncset.done $0x0  }
0xa4: {  	s25 =	simm.s32 $0x1B8E;
	s24 =	sld [smem:$0x3FFE];
	[sflag:s23] =	ssyncadd.s32 $0xFFFFFFFF  }
0xa5: {  	s26 =	simm.s32 $execute0_lowered;
	[smem:$0x3FD2] =	sst s25  }
0xa6: {  	s4 =	sshll.u32 s26, $0x1;
	_ =	strace $0x8000004F;
	[dreg:$0x1] =	wrdreg $0xFFFFFFFF  }
0xa7: {  	s28 =	simm.s32 $_size_execute0_lowered;
	s2 =	sadd.s32 s2, s4;
	[dreg:$0x0] =	wrdreg $0x0  }
0xa8: {  	s4 =	sshll.u32 s28, $0x1;
	[dreg:$0x2] =	wrdreg s2  }
0xa9: {  	[dreg:$0x3] =	wrdreg s4  }
0xaa: {  	[dreg:$0x4] =	wrdreg $0xC0  }
0xab: {  	_ =	task [dreg:s6], $0x5FFFF  }
0xac: {  	[dreg:$0x1] =	wrdreg $0xFFFFFFFF  }
0xad: {  	[dreg:$0x0] =	wrdreg $0x60  }
0xae: {  	[dreg:$0x2] =	wrdreg s24  }
0xaf: {  	[dreg:$0x3] =	wrdreg $0x90000  }
0xb0: {  	[dreg:$0x4] =	wrdreg $0x9  }
0xb1: {  	_ =	task.clear_ibuf [dreg:s6], $0x5FFFF;
	_ =	strace $0x9000004F  }
0xb2: {  	s29 =	simm.s32 $0x9;
	_ =	strace $0x80000051  }
0xb3: {  	_ =	swait.ge [sflag:s29], $0x1  }
0xb4: {  	[sflag:s29] =	ssyncadd.s32 $0xFFFFFFFF  }
0xb5: {  	_ =	strace $0x90000051  }
0xb6: {  	_ =	sfence  }
0xb7: {  	s30 =	sld [smem:$0x0];
	_ =	sdelay $0x2  }
0xb8: {  	s31 =	sshll.u32 s1, $0xD;
	s1 =	sshrl.u32 s1, $0x2  }
0xb9: {  	s3 =	sand.u32 $0x4000, s31;
	s1 =	sadd.s32 s1, s30  }
0xba: {  	s0 =	sor.u32 s3, s0;
	s1 =	sshll.u32 s1, $0x11  }
0xbb: {  	s0 =	sor.u32 s1, s0  }
0xbc: {  	s0 =	sadd.s32 $0x8F2B, s0  }
0xbd: {  	[sflag:s0] =	ssyncadd.remote.s32 $0x1  }
0xbe: {  	_ =	sfence.sel $0xFFFF  }
0xbf: {  	[dreg:$0x0] =	wrdreg $0xFFFFFFFF;
	(pc) =	sbr.abs _section_cstart, $3  }
0xc0: {  	[dreg:$0x1] =	wrdreg $0xFFFFFFFF  }
0xc1: {  	_ =	task.clear_ibuf [dreg:s6], $0x2FFFF;
	_ =	strace $0x9FFFFFFF  }
0xc2: {  	(tm) =	ssettm $0x7FFFFFFF  }
0xc3: {  	_ =	shalt  }
tec
execute0_lowered:
.L_overlay_start_1:
0x0: {  	(tag) =	ssettag $0x1  }
0x1: {  	s5 =	rddreg [dreg:$0x0];
	s0 =	stileid.u32  }
0x2: {  	s1 =	srdreg.scid;
	s2 =	rddreg [dreg:$0x1]  }
0x3: {  	s3 =	simm.s32 $0x0;
	s15 =	simm.s32 $0x2;
	s16 =	simm.s32 $0x2800  }
0x4: {  	s6 =	smul.u32 $0x500, s0;
	s12 =	sand.u32 $0x1, s1;
	s1 =	rddreg [dreg:$0x2]  }
0x5: {  	s17 =	simm.s32 $0x80;
	[smem:$0x7FF] =	sst s3;
	s8 =	smul.u32 $0x14000, s0  }
0x6: {  	s9 =	smul.u32 $0x50000, s0;
	s4 =	sadd.s32 $0x34A00, s5;
	s19 =	sshll.u32 s0, $0x6  }
0x7: {  	s7 =	smul.u32 $0x140000, s12;
	_ =	strace $0x80000050;
	s29 =	ssub.s32 $0x2, s12  }
0x8: {  	s18 =	smul.u32 $0x2800, s12;
	s19 =	sor.u32 $0x1C02, s19;
	s11 =	sadd.s32 s6, s5  }
0x9: {  	s30 =	sshrl.u32 s9, $0x2;
	s31 =	sshrl.u32 s29, $0x1;
	s28 =	sadd.s32 s8, s7  }
0xa: {  	s14 =	ssub.s32 s29, s31;
	s10 =	sadd.s32 $0x2FA00, s11;
	s6 =	sshrl.u32 s28, $0x3  }
0xb: {  	s11 =	sadd.s32 $0x2A00, s11;
	s13 =	sadd.s32 s6, s5;
	s5 =	sadd.s32 s30, s2  }
0xc: {  	v0 =	vmov s18;
	s18 =	simm.s32 $0x1;
	s6 =	sadd.s32 $0x4000, s5;
	s7 =	sadd.s32 $0x8000, s5  }
0xd: {  	s8 =	sadd.s32 $0xC000, s5;
	s9 =	sadd.s32 $0x10000, s5;
	s12 =	sadd.s32 $0x84A00, s13  }
0xe: {  	v1 =	vimm.f32 $0.0e+00;
	s13 =	smax.u32 s14, $0x1;
	s14 =	simm.s32 $0x5000;
	s20 =	sshrl.u32 s5, $0x3  }
.LBB2_1:
0xf: {  	s21 =	simm.s32 $0x0;
	s22 =	simm.s32 $0x200  }
.LBB2_2:
0x10: {  	p0 =	sne.s32 s22, $0xFE00;
	[tilespmem:s21+$0x5070] =	vst v1  }
0x11: {  	[tilespmem:s21+$0x5000] =	vst v1  }
0x12: {  	[tilespmem:s21+$0x5010] =	vst v1  }
.Ltmp0:
0x13: {  	[tilespmem:s21+$0x5020] =	vst v1;
	(pc) =	sbr.rel @p0 .LBB2_2-.Ltmp0, $4  }
0x14: {  	[tilespmem:s21+$0x5030] =	vst v1  }
0x15: {  	[tilespmem:s21+$0x5040] =	vst v1  }
0x16: {  	[tilespmem:s21+$0x5050] =	vst v1  }
0x17: {  	[tilespmem:s21+$0x5060] =	vst v1;
	s21 =	sshra.s32 s22, $0x2;
	s22 =	sadd.s32 $0x200, s22  }
0x18: {  	[tilespmem:s21+$0x5070] =	vst v1  }
0x19: {  	[tilespmem:s21+$0x5000] =	vst v1  }
0x1a: {  	[tilespmem:s21+$0x5010] =	vst v1  }
0x1b: {  	[tilespmem:s21+$0x5020] =	vst v1  }
0x1c: {  	[tilespmem:s21+$0x5030] =	vst v1  }
0x1d: {  	[tilespmem:s21+$0x5040] =	vst v1  }
0x1e: {  	[tilespmem:s21+$0x5050] =	vst v1  }
0x1f: {  	[tilespmem:s21+$0x5060] =	vst v1  }
0x20: {  	[spmem:s5] =	stream.linear.scatter [tilespmem:s14], [sflag:$0x2], $0x4000, $0x38;
	[tilespmem:$0x1D000] =	vst v63  }
0x21: {  	_ =	swait.ge [sflag:s15], $0x4000  }
0x22: {  	[sflag:s15] =	ssyncset.done $0x0  }
0x23: {  	[sflag:s15] =	ssyncadd.s32 $0xFFFFC000  }
0x24: {  	[spmem:s6] =	stream.linear.scatter [tilespmem:s14], [sflag:$0x2], $0x4000, $0x38;
	[tilespmem:$0x1D000] =	vst v63  }
0x25: {  	_ =	swait.ge [sflag:s15], $0x4000  }
0x26: {  	[sflag:s15] =	ssyncset.done $0x0  }
0x27: {  	[sflag:s15] =	ssyncadd.s32 $0xFFFFC000  }
0x28: {  	[spmem:s7] =	stream.linear.scatter [tilespmem:s14], [sflag:$0x2], $0x4000, $0x38;
	[tilespmem:$0x1D000] =	vst v63  }
0x29: {  	_ =	swait.ge [sflag:s15], $0x4000  }
0x2a: {  	[sflag:s15] =	ssyncset.done $0x0  }
0x2b: {  	[sflag:s15] =	ssyncadd.s32 $0xFFFFC000  }
0x2c: {  	[spmem:s8] =	stream.linear.scatter [tilespmem:s14], [sflag:$0x2], $0x4000, $0x38;
	[tilespmem:$0x1D000] =	vst v63  }
0x2d: {  	_ =	swait.ge [sflag:s15], $0x4000  }
0x2e: {  	[sflag:s15] =	ssyncset.done $0x0  }
0x2f: {  	[sflag:s15] =	ssyncadd.s32 $0xFFFFC000  }
0x30: {  	[spmem:s9] =	stream.linear.scatter [tilespmem:s14], [sflag:$0x2], $0x4000, $0x38;
	[tilespmem:$0x1D000] =	vst v63  }
0x31: {  	_ =	swait.ge [sflag:s15], $0x4000  }
0x32: {  	[sflag:s15] =	ssyncset.done $0x0  }
0x33: {  	[sflag:s15] =	ssyncadd.s32 $0xFFFFC000  }
0x34: {  	s31 =	simm.s32 $0x0;
	[bflag:$0x0] =	sbarrier.arrive $0xFFFF  }
0x35: {  	[tilespmem:s31], [sflag:$0x2] =	stream.linear.gather [hbm4b:s10+s31], $0x2780, $0x38;
	[tilespmem:$0x1D000] =	vst v63  }
0x36: {  	_ =	swait.ge [sflag:s15], $0x2780  }
0x37: {  	[sflag:s15] =	ssyncset.done $0x0  }
0x38: {  	[sflag:s15] =	ssyncadd.s32 $0xFFFFD880  }
0x39: {  	[tilespmem:s16], [sflag:$0x2] =	stream.linear.gather [hbm4b:s11+s31], $0x2780, $0x38;
	[tilespmem:$0x1D000] =	vst v63  }
0x3a: {  	_ =	swait.ge [sflag:s15], $0x2780  }
0x3b: {  	[sflag:s15] =	ssyncset.done $0x0  }
0x3c: {  	s21 =	simm.s32 $0x0;
	[sflag:s15] =	ssyncadd.s32 $0xFFFFD880  }
0x3d: {  	v4 =	vld [tilespmem:s21+$0x0]  }
0x3e: {  	v6 =	vld [tilespmem:s21+$0x10]  }
0x3f: {  	v5 =	vld [tilespmem:s21+$0x20]  }
0x40: {  	v3 =	vld [tilespmem:s21+$0x30]  }
0x41: {  	v2 =	vld [tilespmem:s21+$0x40]  }
0x42: {  	v7 =	vadd.s32 v0, v4;
	v4 =	vld [tilespmem:s21+$0x50]  }
0x43: {  	s22 =	simm.s32 $0x200;
	[tilespmem:s21+$0x0] =	vst v7;
	v7 =	vadd.s32 v0, v6;
	v6 =	vld [tilespmem:s21+$0x60]  }
.LBB2_4:
0x44: {  	s23 =	sshra.s32 s22, $0x2;
	p0 =	sne.s32 s22, $0x9C00;
	[tilespmem:s21+$0x10] =	vst v7;
	v5 =	vadd.s32 v0, v5;
	v7 =	vld [tilespmem:s21+$0x70]  }
0x45: {  	v8 =	vld [tilespmem:s23+$0x0];
	[tilespmem:s21+$0x20] =	vst v5;
	v3 =	vadd.s32 v0, v3  }
0x46: {  	v9 =	vld [tilespmem:s23+$0x10];
	[tilespmem:s21+$0x30] =	vst v3;
	v2 =	vadd.s32 v0, v2  }
.Ltmp1:
0x47: {  	v5 =	vld [tilespmem:s23+$0x20];
	[tilespmem:s21+$0x40] =	vst v2;
	v2 =	vadd.s32 v0, v4;
	(pc) =	sbr.rel @p0 .LBB2_4-.Ltmp1, $4  }
0x48: {  	v3 =	vld [tilespmem:s23+$0x30];
	[tilespmem:s21+$0x50] =	vst v2;
	v4 =	vadd.s32 v0, v6  }
0x49: {  	v2 =	vld [tilespmem:s23+$0x40];
	[tilespmem:s21+$0x60] =	vst v4;
	v6 =	vadd.s32 v0, v7  }
0x4a: {  	v7 =	vadd.s32 v0, v8;
	v4 =	vld [tilespmem:s23+$0x50];
	[tilespmem:s21+$0x70] =	vst v6;
	s21 =	smov.u32 s23  }
0x4b: {  	s22 =	sadd.s32 $0x200, s22;
	[tilespmem:s21+$0x0] =	vst v7;
	v7 =	vadd.s32 v0, v9;
	v6 =	vld [tilespmem:s21+$0x60]  }
0x4c: {  	[tilespmem:s21+$0x10] =	vst v7;
	v5 =	vadd.s32 v0, v5;
	v63 =	vld [tilespmem:s21+$0x70]  }
0x4d: {  	[tilespmem:s21+$0x20] =	vst v5;
	v3 =	vadd.s32 v0, v3  }
0x4e: {  	[tilespmem:s21+$0x30] =	vst v3;
	v2 =	vadd.s32 v0, v2  }
0x4f: {  	[tilespmem:s21+$0x40] =	vst v2;
	v2 =	vadd.s32 v0, v4  }
0x50: {  	[tilespmem:s21+$0x50] =	vst v2;
	v2 =	vadd.s32 v0, v6  }
0x51: {  	[tilespmem:s21+$0x60] =	vst v2;
	v2 =	vadd.s32 v0, v63  }
0x52: {  	s30 =	simm.s32 $0x0;
	[tilespmem:s21+$0x70] =	vst v2  }
0x53: {  	[tilespmem:s14], [sflag:$0x1] =	stream.indirect.gather [hbm4b:s4+s17], $0x80, s30, s17, $0xb8;
	[tilespmem:$0x1D000] =	vst v63  }
0x54: {  	_ =	swait.ge [sflag:s18], $0x4000  }
0x55: {  	[sflag:s18] =	ssyncset.done $0x0  }
0x56: {  	s31 =	simm.s32 $0x2800;
	[sflag:s18] =	ssyncadd.s32 $0xFFFFC000  }
0x57: {  	[spmem:s2] =	stream.indirect.scatter.add.f32 [tilespmem:s14], [sflag:$0x2], $0x80, s31, s17, $0xb8;
	[tilespmem:$0x1D000] =	vst v63  }
0x58: {  	_ =	swait.ge [sflag:s15], $0x4000  }
0x59: {  	s22 =	simm.s32 $0x400;
	s21 =	simm.s32 $0x200;
	[sflag:s15] =	ssyncset.done $0x0  }
.LBB2_6:
0x5a: {  	s23 =	sshra.s32 s21, $0x2  }
0x5b: {  	[sflag:s15] =	ssyncadd.s32 $0xFFFFC000;
	s21 =	smov.u32 s22;
	s24 =	sadd.s32 $0x200, s22  }
0x5c: {  	[tilespmem:s14], [sflag:$0x1] =	stream.indirect.gather [hbm4b:s4+s17], $0x80, s23, s17, $0xb8;
	[tilespmem:$0x1D000] =	vst v63  }
0x5d: {  	p0 =	sne.s32 s22, $0x9C00;
	_ =	swait.ge [sflag:s18], $0x4000  }
.Ltmp2:
0x5e: {  	[sflag:s18] =	ssyncset.done $0x0;
	(pc) =	sbr.rel @p0 .LBB2_6-.Ltmp2, $4  }
0x5f: {  	s22 =	sadd.s32 $0x2800, s23;
	[sflag:s18] =	ssyncadd.s32 $0xFFFFC000  }
0x60: {  	[spmem:s2] =	stream.indirect.scatter.add.f32 [tilespmem:s14], [sflag:$0x2], $0x80, s22, s17, $0xb8;
	[tilespmem:$0x1D000] =	vst v63  }
0x61: {  	_ =	swait.ge [sflag:s15], $0x4000  }
0x62: {  	s22 =	smov.u32 s24;
	[sflag:s15] =	ssyncset.done $0x0  }
0x63: {  	s21 =	sshra.s32 s21, $0x2;
	[sflag:s15] =	ssyncadd.s32 $0xFFFFC000  }
0x64: {  	[tilespmem:s14], [sflag:$0x1] =	stream.indirect.gather [hbm4b:s4+s17], $0x80, s21, s17, $0xb8;
	[tilespmem:$0x1D000] =	vst v63  }
0x65: {  	_ =	swait.ge [sflag:s18], $0x4000  }
0x66: {  	[sflag:s18] =	ssyncset.done $0x0  }
0x67: {  	s21 =	sadd.s32 $0x2800, s21;
	[sflag:s18] =	ssyncadd.s32 $0xFFFFC000  }
0x68: {  	[spmem:s2] =	stream.indirect.scatter.add.f32 [tilespmem:s14], [sflag:$0x2], $0x80, s21, s17, $0xb8;
	[tilespmem:$0x1D000] =	vst v63  }
0x69: {  	_ =	swait.ge [sflag:s15], $0x4000  }
0x6a: {  	s3 =	sadd.s32 $0x1, s3;
	[sflag:s15] =	ssyncset.done $0x0  }
0x6b: {  	p0 =	sne.s32 s3, s13;
	[sflag:s15] =	ssyncadd.s32 $0xFFFFC000  }
.Ltmp3:
0x6c: {  	[bflag:$0x0] =	sbarrier.arrive $0xFFFF;
	(pc) =	sbr.rel @p0 .LBB2_1-.Ltmp3, $4  }
0x6d: {  	[hbm:s12], [sflag:s19] =	dma.local [spmem:s20], $0x2800  }
0x6e: {  	_ =	swait.ge [sflag:s15], $0x2800  }
0x6f: {  	[sflag:s15] =	ssyncset.done $0x0  }
0x70: {  	[sflag:s15] =	ssyncadd.s32 $0xFFFFD800  }
0x71: {  	_ =	sfence.sel $0x180000  }
0x72: {  	[bflag:$0x0] =	sbarrier.arrive $0xFFFF  }
0x73: {  	p0 =	sne.s32 s0, $0x0;
	_ =	strace $0x90000050  }
0x74: {  	s0 =	sadd.s32 @!p0 $0x100000, s1;
	[bflag:$0x2] =	sbarrier.arrive $0xFFFF  }
0x75: {  	[sflag:s0] =	ssyncadd.tile.s32 @!p0 $0x1;
	_ =	shalt  }
.Lfunc_end2:
_tile_overlayer_lowered:
.L_overlay_start_2:
0x76: {  	(tag) =	ssettag $0x2  }
0x77: {  	s0 =	rddreg [dreg:$0x0];
	s2 =	stileid.u32  }
0x78: {  	s1 =	rddreg [dreg:$0x1];
	p0 =	sne.s32 s2, $0x0  }
0x79: {  	s3 =	rddreg [dreg:$0x2];
	[bflag:$0x3] =	sbarrier.arrive $0xFFFF;
	s2 =	simm.s32 @!p0 $0x1C02  }
0x7a: {  	[timem:s3], [sflag:s2] =	dma.local @!p0 [hbm:s0], s1  }
0x7b: {  	s0 =	simm.s32 @!p0 $0x2  }
0x7c: {  	_ =	swait.ge @!p0 [sflag:s0], s1  }
0x7d: {  	s1 =	ssub.s32 @!p0 $0x0, s1;
	[sflag:s0] =	ssyncset.done @!p0 $0x0  }
0x7e: {  	[sflag:s0] =	ssyncadd.s32 @!p0 s1  }
0x7f: {  	[bflag:$0x3] =	sbarrier.arrive $0xFFFF  }
0x80: {  	_ =	shalt  }

</sc_bundles>
